<compile_context>
chip_gen: v7x
topology: tpu7x:2x2x1
jax: 0.10.2.dev20260603
libtpu: 0.0.44.dev20260713+nightly
codegen_flags: <defaults>
</compile_context>

<pallas_src>
import jax
import jax.numpy as jnp
import numpy as np
from jax import lax
from jax.experimental import pallas as pl
from jax.experimental.pallas import tpu as pltpu
from jax.experimental.pallas import tpu_sc as plsc

_RP = 0.01
_NC = 2
_NS = 16
_NW = _NC * _NS
_L = 16

_EPS32 = float(np.finfo(np.float32).eps)
_S = float(np.float32((1.0 - _EPS32) / 128.0))
_INV_S = float(np.float32(1.0) / np.float32(_S))


def _prep_body(w_ref, knots_ref, m_ref):
    w = w_ref[...]
    R, N = w.shape

    wl = jnp.concatenate([w[:, :1], w[:, :-1]], axis=1)
    wr = jnp.concatenate([w[:, 1:], w[:, -1:]], axis=1)
    w2 = 0.5 * (jnp.maximum(wl, w) + jnp.maximum(w, wr)) + _RP

    ws = jnp.sum(w2, axis=1, keepdims=True)
    pad = jnp.maximum(0.0, 1e-5 - ws)
    pdf = (w2 + pad / N) / (ws + pad)

    x = pdf
    d = 1
    while d < N:
        x = x + jnp.concatenate([jnp.zeros((R, d), x.dtype), x[:, :-d]], axis=1)
        d *= 2
    knots = jnp.concatenate(
        [jnp.zeros((R, 1), x.dtype), jnp.minimum(x[:, : N - 1], 1.0),
         jnp.ones((R, 1), x.dtype)], axis=1)
    knots_ref[...] = knots

    kn = knots[:, 1:]
    xm = kn * _INV_S
    m0 = xm.astype(jnp.int32)
    m0 = m0 + (m0.astype(jnp.float32) < xm).astype(jnp.int32)
    m = (m0
         - ((m0 - 1).astype(jnp.float32) * _S >= kn).astype(jnp.int32)
         + (m0.astype(jnp.float32) * _S < kn).astype(jnp.int32))
    m_ref[...] = m


def _sc_body(knots3, m3, t3, out3, kv, mv, tv, ov, hist):
    cid = lax.axis_index("c")
    sid = lax.axis_index("s")
    wid = sid * _NC + cid

    pltpu.sync_copy(knots3.at[wid], kv)
    pltpu.sync_copy(m3.at[wid], mv)
    pltpu.sync_copy(t3.at[wid], tv)

    iota = lax.iota(jnp.int32, _L)
    ones_i = jnp.ones((_L,), jnp.int32)
    zeros_i = jnp.zeros((_L,), jnp.int32)

    def _zero(j, c):
        hist[pl.ds(j * _L, _L)] = zeros_i
        return c

    lax.fori_loop(0, 130, _zero, 0, unroll=5)

    for g in range(128 // _L):
        co = g * _L
        col129 = (iota + co) * 129

        def _scatter(k, c):
            mk = mv[pl.ds(k * 128 + co, _L)]
            plsc.addupdate_scatter(hist, [mk * _L + iota], ones_i)
            return c

        lax.fori_loop(0, 128, _scatter, 0, unroll=4)

        def _search(j, cnt):
            h = hist[pl.ds(j * _L, _L)]
            hist[pl.ds(j * _L, _L)] = zeros_i
            cnt = cnt + h
            ks = cnt - 1
            fk = col129 + ks
            c0 = plsc.load_gather(kv, [fk])
            c1 = plsc.load_gather(kv, [fk + 1])
            b0 = plsc.load_gather(tv, [fk])
            b1 = plsc.load_gather(tv, [fk + 1])
            uj = j.astype(jnp.float32) * _S
            t = jnp.clip((uj - c0) / (c1 - c0), 0.0, 1.0)
            ov[pl.ds(j * 128 + co, _L)] = b0 + t * (b1 - b0)
            return cnt

        lax.fori_loop(0, 129, _search, ones_i, unroll=3)

    pltpu.sync_copy(ov, out3.at[wid])


_sc_search = pl.kernel(
    _sc_body,
    out_type=jax.ShapeDtypeStruct((_NW, 129 * 128), jnp.float32),
    mesh=plsc.VectorSubcoreMesh(core_axis_name="c", subcore_axis_name="s",
                                num_cores=_NC, num_subcores=_NS),
    compiler_params=pltpu.CompilerParams(needs_layout_passes=False),
    scratch_types=[
        pltpu.VMEM((129 * 128,), jnp.float32),
        pltpu.VMEM((128 * 128,), jnp.int32),
        pltpu.VMEM((129 * 128,), jnp.float32),
        pltpu.VMEM((129 * 128,), jnp.float32),
        pltpu.VMEM((130 * _L,), jnp.int32),
    ],
)


def _cast_body(rays_ref, radii_ref, newt_ref, means_ref, covs_ref):
    new_t = newt_ref[...]
    N = new_t.shape[1] - 1
    t0 = new_t[:, :N]
    t1 = new_t[:, 1:]
    t_mean = (t0 + t1) / 2
    t_var = (t1 - t0) ** 2 / 12
    radii = radii_ref[...]
    r_var = radii ** 2 / 4
    rays = rays_ref[...]
    o = rays[:, 0:3]
    dvec = rays[:, 3:6]
    dmag = jnp.maximum(1e-10, jnp.sum(dvec * dvec, axis=1, keepdims=True))
    d2 = dvec * dvec
    null = 1.0 - d2 / dmag
    means_ref[...] = jnp.concatenate(
        [dvec[:, c:c + 1] * t_mean + o[:, c:c + 1] for c in range(3)], axis=1)
    covs_ref[...] = jnp.concatenate(
        [t_var * d2[:, c:c + 1] + r_var * null[:, c:c + 1] for c in range(3)],
        axis=1)


def kernel(rays, radii, weights, t_vals):
    B = rays.shape[0]
    N = weights.shape[1]
    w2d = jnp.squeeze(weights, axis=-1)

    R1 = 512
    knots, m = pl.pallas_call(
        _prep_body,
        grid=(B // R1,),
        in_specs=[pl.BlockSpec((R1, N), lambda i: (i, 0))],
        out_specs=[pl.BlockSpec((R1, N + 1), lambda i: (i, 0)),
                   pl.BlockSpec((R1, N), lambda i: (i, 0))],
        out_shape=[jax.ShapeDtypeStruct((B, N + 1), jnp.float32),
                   jax.ShapeDtypeStruct((B, N), jnp.int32)],
    )(w2d)

    rpw = B // _NW
    knots3 = knots.reshape(_NW, rpw * (N + 1))
    t3 = t_vals.reshape(_NW, rpw * (N + 1))
    m3 = m.reshape(_NW, rpw, N).transpose(0, 2, 1).reshape(_NW, N * rpw)

    out3 = _sc_search(knots3, m3, t3)
    new_t = out3.reshape(_NW, N + 1, rpw).transpose(0, 2, 1).reshape(B, N + 1)

    R2 = 512
    means_t, covs_t = pl.pallas_call(
        _cast_body,
        grid=(B // R2,),
        in_specs=[
            pl.BlockSpec((R2, 6), lambda i: (i, 0)),
            pl.BlockSpec((R2, 1), lambda i: (i, 0)),
            pl.BlockSpec((R2, N + 1), lambda i: (i, 0)),
        ],
        out_specs=[pl.BlockSpec((R2, 3 * N), lambda i: (i, 0)),
                   pl.BlockSpec((R2, 3 * N), lambda i: (i, 0))],
        out_shape=[jax.ShapeDtypeStruct((B, 3 * N), jnp.float32),
                   jax.ShapeDtypeStruct((B, 3 * N), jnp.float32)],
    )(rays, radii, new_t)

    means = jnp.transpose(means_t.reshape(B, 3, N), (0, 2, 1))
    covs = jnp.transpose(covs_t.reshape(B, 3, N), (0, 2, 1))
    return (new_t, means, covs)

# --- scband reference (transcript-rebuilt; emitter-appended) ---
"""Pipeline reference for scband-resample-point-mip-34076270527095 (READ-ONLY COPY).

The authoritative reference and input builder live on the scoring server;
editing this copy changes nothing except your own understanding.
"""

import jax, jax.numpy as jnp
import numpy as np

RESAMPLE_PADDING = 0.01


def setup_inputs(seed: int = 0):
    key = jax.random.key(seed)
    k1, k2, k3, k4 = jax.random.split(key, 4)
    B, N = 4096, 128
    rays = jax.random.normal(k1, (B, 6), dtype=jnp.float32)
    radii = jax.random.uniform(k2, (B, 1), dtype=jnp.float32)
    weights = jax.random.uniform(k3, (B, N, 1), dtype=jnp.float32)
    t_vals = jnp.sort(jax.random.uniform(k4, (B, N + 1), dtype=jnp.float32), axis=-1)
    return {"rays": rays, "radii": radii, "weights": weights, "t_vals": t_vals}


def lift_gaussian(d, t_mean, t_var, r_var, diag):
    mean = d[..., None, :] * t_mean[..., None]
    d_mag_sq = jnp.maximum(1e-10, jnp.sum(d ** 2, axis=-1, keepdims=True))
    if diag:
        d_outer_diag = d ** 2
        null_outer_diag = 1 - d_outer_diag / d_mag_sq
        t_cov_diag = t_var[..., None] * d_outer_diag[..., None, :]
        xy_cov_diag = r_var[..., None] * null_outer_diag[..., None, :]
        cov_diag = t_cov_diag + xy_cov_diag
        return (mean, cov_diag)
    else:
        d_outer = d[..., :, None] * d[..., None, :]
        eye = jnp.eye(d.shape[-1])
        null_outer = eye - d[..., :, None] * (d / d_mag_sq)[..., None, :]
        t_cov = t_var[..., None, None] * d_outer[..., None, :, :]
        xy_cov = r_var[..., None, None] * null_outer[..., None, :, :]
        cov = t_cov + xy_cov
        return (mean, cov)


def cylinder_to_gaussian(d, t0, t1, radius, diag):
    t_mean = (t0 + t1) / 2
    r_var = radius ** 2 / 4
    t_var = (t1 - t0) ** 2 / 12
    return lift_gaussian(d, t_mean, t_var, r_var, diag)


def cast_rays(t_vals, rays, radii, diag=True):
    origins = rays[:, 0:3]
    t0 = t_vals[..., :-1]
    t1 = t_vals[..., 1:]
    means, covs = cylinder_to_gaussian(rays[:, 3:6], t0, t1, radii, diag)
    means = means + origins[..., None, :]
    return (means, covs)


def sorted_piecewise_constant_pdf(bins, weights, num_samples):
    eps = 1e-05
    weight_sum = jnp.sum(weights, axis=-1, keepdims=True)
    padding = jnp.maximum(0.0, eps - weight_sum)
    weights = weights + padding / weights.shape[-1]
    weight_sum = weight_sum + padding
    pdf = weights / weight_sum
    cdf = jnp.minimum(1.0, jnp.cumsum(pdf[..., :-1], axis=-1))
    cdf = jnp.concatenate([jnp.zeros(list(cdf.shape[:-1]) + [1], dtype=cdf.dtype), cdf, jnp.ones(list(cdf.shape[:-1]) + [1], dtype=cdf.dtype)], axis=-1)
    f32_eps = jnp.finfo(jnp.float32).eps
    u = jnp.linspace(0.0, 1.0 - f32_eps, num_samples, dtype=jnp.float32)
    u = jnp.broadcast_to(u, list(cdf.shape[:-1]) + [num_samples])
    mask = u[..., None, :] >= cdf[..., :, None]

    def find_interval(x):
        x0 = jnp.max(jnp.where(mask, x[..., None], x[..., :1, None]), axis=-2)
        x1 = jnp.min(jnp.where(~mask, x[..., None], x[..., -1:, None]), axis=-2)
        return (x0, x1)

    bins_g0, bins_g1 = find_interval(bins)
    cdf_g0, cdf_g1 = find_interval(cdf)
    t = jnp.clip(jnp.nan_to_num((u - cdf_g0) / (cdf_g1 - cdf_g0), nan=0.0), 0, 1)
    samples = bins_g0 + t * (bins_g1 - bins_g0)
    return samples


def reference(rays, radii, weights, t_vals):
    weights = jnp.squeeze(weights, axis=-1)
    weights_pad = jnp.concatenate([weights[..., :1], weights, weights[..., -1:]], axis=-1)
    weights_max = jnp.maximum(weights_pad[..., :-1], weights_pad[..., 1:])
    weights_blur = 0.5 * (weights_max[..., :-1] + weights_max[..., 1:])
    weights = weights_blur + RESAMPLE_PADDING
    new_t_vals = sorted_piecewise_constant_pdf(t_vals, weights, t_vals.shape[-1])
    new_t_vals = jax.lax.stop_gradient(new_t_vals)
    means, covs = cast_rays(new_t_vals, rays, radii, diag=True)
    return (new_t_vals, means, covs)

if __name__ == "__main__":
    import jax
    _d = setup_inputs()
    print(jax.jit(kernel)(*tuple(_d.values())))

</pallas_src>

<mosaic_0001>
#map = affine_map<(d0, d1) -> (0, 0)>
module attributes {stable_mosaic.version = 14 : i64} {
  func.func @_sc_body(%arg0: i32, %arg1: i32, %arg2: memref<32x16512xf32, #tpu.memory_space<hbm>>, %arg3: memref<32x16384xi32, #tpu.memory_space<hbm>>, %arg4: memref<32x16512xf32, #tpu.memory_space<hbm>>, %arg5: memref<32x16512xf32, #tpu.memory_space<hbm>>, %arg6: memref<16512xf32, #tpu.memory_space<vmem>>, %arg7: memref<16384xi32, #tpu.memory_space<vmem>>, %arg8: memref<16512xf32, #tpu.memory_space<vmem>>, %arg9: memref<16512xf32, #tpu.memory_space<vmem>>, %arg10: memref<2080xi32, #tpu.memory_space<vmem>>) attributes {dimension_semantics = [#tpu.dimension_semantics<core_parallel>, #tpu.dimension_semantics<subcore_parallel>], iteration_bounds = array<i64: 2, 16>, scalar_prefetch = 0 : i64, scratch_operands = 5 : i64, tpu.core_type = #tpu.core_type<sc_vector_subcore>, window_params = [{transform_indices = #map}, {transform_indices = #map}, {transform_indices = #map}, {transform_indices = #map}]} {
    %mul3A = arith.constant 2 : i32
    %mul3A_0 = arith.muli %arg1, %mul3A : i32
    %add3A = arith.addi %mul3A_0, %arg0 : i32
    "tpu.region"() ({
      %run_scoped3A = tpu.sem_alloc : memref<!tpu.dma_semaphore, #tpu.memory_space<semaphore_mem>>
      %dma_start3A = arith.constant 0 : i32
      %dma_start3A_153 = tpu.memref_slice %arg2[%add3A, %dma_start3A] : memref<32x16512xf32, #tpu.memory_space<hbm>> -> memref<1x16512xf32, #tpu.memory_space<hbm>>
      %dma_start3A_154 = tpu.memref_squeeze %dma_start3A_153 : memref<1x16512xf32, #tpu.memory_space<hbm>> -> memref<16512xf32, #tpu.memory_space<hbm>>
      %dma_start3A_155 = arith.constant 0 : i32
      %dma_start3A_156 = tpu.memref_slice %arg2[%add3A, %dma_start3A_155] : memref<32x16512xf32, #tpu.memory_space<hbm>> -> memref<1x16512xf32, #tpu.memory_space<hbm>>
      %dma_start3A_157 = tpu.memref_squeeze %dma_start3A_156 : memref<1x16512xf32, #tpu.memory_space<hbm>> -> memref<16512xf32, #tpu.memory_space<hbm>>
      tpu.enqueue_dma source(%dma_start3A_157 : memref<16512xf32, #tpu.memory_space<hbm>>) target(%arg6 : memref<16512xf32, #tpu.memory_space<vmem>>) target_semaphore(%run_scoped3A : memref<!tpu.dma_semaphore, #tpu.memory_space<semaphore_mem>>)
      %dma_wait3A = arith.constant 0 : i32
      %dma_wait3A_158 = tpu.memref_slice %arg2[%add3A, %dma_wait3A] : memref<32x16512xf32, #tpu.memory_space<hbm>> -> memref<1x16512xf32, #tpu.memory_space<hbm>>
      %dma_wait3A_159 = tpu.memref_squeeze %dma_wait3A_158 : memref<1x16512xf32, #tpu.memory_space<hbm>> -> memref<16512xf32, #tpu.memory_space<hbm>>
      %dma_wait3A_160 = arith.constant 0 : i32
      %dma_wait3A_161 = tpu.memref_slice %arg2[%add3A, %dma_wait3A_160] : memref<32x16512xf32, #tpu.memory_space<hbm>> -> memref<1x16512xf32, #tpu.memory_space<hbm>>
      %dma_wait3A_162 = tpu.memref_squeeze %dma_wait3A_161 : memref<1x16512xf32, #tpu.memory_space<hbm>> -> memref<16512xf32, #tpu.memory_space<hbm>>
      tpu.wait_dma2 semaphore(%run_scoped3A : memref<!tpu.dma_semaphore, #tpu.memory_space<semaphore_mem>>) src(%dma_wait3A_162 : memref<16512xf32, #tpu.memory_space<hbm>>) dst(%arg6 : memref<16512xf32, #tpu.memory_space<vmem>>)
      tpu.yield
    }) : () -> ()
    "tpu.region"() ({
      %run_scoped3A = tpu.sem_alloc : memref<!tpu.dma_semaphore, #tpu.memory_space<semaphore_mem>>
      %dma_start3A = arith.constant 0 : i32
      %dma_start3A_153 = tpu.memref_slice %arg3[%add3A, %dma_start3A] : memref<32x16384xi32, #tpu.memory_space<hbm>> -> memref<1x16384xi32, #tpu.memory_space<hbm>>
      %dma_start3A_154 = tpu.memref_squeeze %dma_start3A_153 : memref<1x16384xi32, #tpu.memory_space<hbm>> -> memref<16384xi32, #tpu.memory_space<hbm>>
      %dma_start3A_155 = arith.constant 0 : i32
      %dma_start3A_156 = tpu.memref_slice %arg3[%add3A, %dma_start3A_155] : memref<32x16384xi32, #tpu.memory_space<hbm>> -> memref<1x16384xi32, #tpu.memory_space<hbm>>
      %dma_start3A_157 = tpu.memref_squeeze %dma_start3A_156 : memref<1x16384xi32, #tpu.memory_space<hbm>> -> memref<16384xi32, #tpu.memory_space<hbm>>
      tpu.enqueue_dma source(%dma_start3A_157 : memref<16384xi32, #tpu.memory_space<hbm>>) target(%arg7 : memref<16384xi32, #tpu.memory_space<vmem>>) target_semaphore(%run_scoped3A : memref<!tpu.dma_semaphore, #tpu.memory_space<semaphore_mem>>)
      %dma_wait3A = arith.constant 0 : i32
      %dma_wait3A_158 = tpu.memref_slice %arg3[%add3A, %dma_wait3A] : memref<32x16384xi32, #tpu.memory_space<hbm>> -> memref<1x16384xi32, #tpu.memory_space<hbm>>
      %dma_wait3A_159 = tpu.memref_squeeze %dma_wait3A_158 : memref<1x16384xi32, #tpu.memory_space<hbm>> -> memref<16384xi32, #tpu.memory_space<hbm>>
      %dma_wait3A_160 = arith.constant 0 : i32
      %dma_wait3A_161 = tpu.memref_slice %arg3[%add3A, %dma_wait3A_160] : memref<32x16384xi32, #tpu.memory_space<hbm>> -> memref<1x16384xi32, #tpu.memory_space<hbm>>
      %dma_wait3A_162 = tpu.memref_squeeze %dma_wait3A_161 : memref<1x16384xi32, #tpu.memory_space<hbm>> -> memref<16384xi32, #tpu.memory_space<hbm>>
      tpu.wait_dma2 semaphore(%run_scoped3A : memref<!tpu.dma_semaphore, #tpu.memory_space<semaphore_mem>>) src(%dma_wait3A_162 : memref<16384xi32, #tpu.memory_space<hbm>>) dst(%arg7 : memref<16384xi32, #tpu.memory_space<vmem>>)
      tpu.yield
    }) : () -> ()
    "tpu.region"() ({
      %run_scoped3A = tpu.sem_alloc : memref<!tpu.dma_semaphore, #tpu.memory_space<semaphore_mem>>
      %dma_start3A = arith.constant 0 : i32
      %dma_start3A_153 = tpu.memref_slice %arg4[%add3A, %dma_start3A] : memref<32x16512xf32, #tpu.memory_space<hbm>> -> memref<1x16512xf32, #tpu.memory_space<hbm>>
      %dma_start3A_154 = tpu.memref_squeeze %dma_start3A_153 : memref<1x16512xf32, #tpu.memory_space<hbm>> -> memref<16512xf32, #tpu.memory_space<hbm>>
      %dma_start3A_155 = arith.constant 0 : i32
      %dma_start3A_156 = tpu.memref_slice %arg4[%add3A, %dma_start3A_155] : memref<32x16512xf32, #tpu.memory_space<hbm>> -> memref<1x16512xf32, #tpu.memory_space<hbm>>
      %dma_start3A_157 = tpu.memref_squeeze %dma_start3A_156 : memref<1x16512xf32, #tpu.memory_space<hbm>> -> memref<16512xf32, #tpu.memory_space<hbm>>
      tpu.enqueue_dma source(%dma_start3A_157 : memref<16512xf32, #tpu.memory_space<hbm>>) target(%arg8 : memref<16512xf32, #tpu.memory_space<vmem>>) target_semaphore(%run_scoped3A : memref<!tpu.dma_semaphore, #tpu.memory_space<semaphore_mem>>)
      %dma_wait3A = arith.constant 0 : i32
      %dma_wait3A_158 = tpu.memref_slice %arg4[%add3A, %dma_wait3A] : memref<32x16512xf32, #tpu.memory_space<hbm>> -> memref<1x16512xf32, #tpu.memory_space<hbm>>
      %dma_wait3A_159 = tpu.memref_squeeze %dma_wait3A_158 : memref<1x16512xf32, #tpu.memory_space<hbm>> -> memref<16512xf32, #tpu.memory_space<hbm>>
      %dma_wait3A_160 = arith.constant 0 : i32
      %dma_wait3A_161 = tpu.memref_slice %arg4[%add3A, %dma_wait3A_160] : memref<32x16512xf32, #tpu.memory_space<hbm>> -> memref<1x16512xf32, #tpu.memory_space<hbm>>
      %dma_wait3A_162 = tpu.memref_squeeze %dma_wait3A_161 : memref<1x16512xf32, #tpu.memory_space<hbm>> -> memref<16512xf32, #tpu.memory_space<hbm>>
      tpu.wait_dma2 semaphore(%run_scoped3A : memref<!tpu.dma_semaphore, #tpu.memory_space<semaphore_mem>>) src(%dma_wait3A_162 : memref<16512xf32, #tpu.memory_space<hbm>>) dst(%arg8 : memref<16512xf32, #tpu.memory_space<vmem>>)
      tpu.yield
    }) : () -> ()
    %iota3A = tpu.iota {dimensions = array<i32: 0>} : vector<16xi32>
    %broadcast_in_dim3A = arith.constant 1 : i32
    %broadcast_in_dim3A_1 = vector.broadcast %broadcast_in_dim3A : i32 to vector<16xi32>
    %broadcast_in_dim3A_2 = arith.constant 0 : i32
    %broadcast_in_dim3A_3 = vector.broadcast %broadcast_in_dim3A_2 : i32 to vector<16xi32>
    %scan3A = arith.constant 0 : i32
    %scan3A_4 = arith.constant 0 : i32
    %scan3A_5 = arith.constant 130 : i32
    %scan3A_6 = arith.addi %scan3A_4, %scan3A_5 : i32
    %scan3A_7 = arith.constant 5 : i32
    scf.for %scan3A_153 = %scan3A_4 to %scan3A_6 step %scan3A_7  : i32 {
      %mul3A_154 = arith.constant 16 : i32
      %mul3A_155 = arith.muli %scan3A_153, %mul3A_154 : i32
      %swap3A = arith.index_cast %mul3A_155 : i32 to index
      %swap3A_156 = tpu.vector_load %arg10[%swap3A] {strides = array<i32>} : memref<2080xi32, #tpu.memory_space<vmem>>, vector<16xi32>,
      tpu.vector_store %arg10[%swap3A], %broadcast_in_dim3A_3 {strides = array<i32>} : memref<2080xi32, #tpu.memory_space<vmem>>, vector<16xi32>,
      %scan3A_157 = arith.constant 1 : i32
      %scan3A_158 = arith.addi %scan3A_153, %scan3A_157 : i32
      %mul3A_159 = arith.constant 16 : i32
      %mul3A_160 = arith.muli %scan3A_158, %mul3A_159 : i32
      %swap3A_161 = arith.index_cast %mul3A_160 : i32 to index
      %swap3A_162 = tpu.vector_load %arg10[%swap3A_161] {strides = array<i32>} : memref<2080xi32, #tpu.memory_space<vmem>>, vector<16xi32>,
      tpu.vector_store %arg10[%swap3A_161], %broadcast_in_dim3A_3 {strides = array<i32>} : memref<2080xi32, #tpu.memory_space<vmem>>, vector<16xi32>,
      %scan3A_163 = arith.constant 2 : i32
      %scan3A_164 = arith.addi %scan3A_153, %scan3A_163 : i32
      %mul3A_165 = arith.constant 16 : i32
      %mul3A_166 = arith.muli %scan3A_164, %mul3A_165 : i32
      %swap3A_167 = arith.index_cast %mul3A_166 : i32 to index
      %swap3A_168 = tpu.vector_load %arg10[%swap3A_167] {strides = array<i32>} : memref<2080xi32, #tpu.memory_space<vmem>>, vector<16xi32>,
      tpu.vector_store %arg10[%swap3A_167], %broadcast_in_dim3A_3 {strides = array<i32>} : memref<2080xi32, #tpu.memory_space<vmem>>, vector<16xi32>,
      %scan3A_169 = arith.constant 3 : i32
      %scan3A_170 = arith.addi %scan3A_153, %scan3A_169 : i32
      %mul3A_171 = arith.constant 16 : i32
      %mul3A_172 = arith.muli %scan3A_170, %mul3A_171 : i32
      %swap3A_173 = arith.index_cast %mul3A_172 : i32 to index
      %swap3A_174 = tpu.vector_load %arg10[%swap3A_173] {strides = array<i32>} : memref<2080xi32, #tpu.memory_space<vmem>>, vector<16xi32>,
      tpu.vector_store %arg10[%swap3A_173], %broadcast_in_dim3A_3 {strides = array<i32>} : memref<2080xi32, #tpu.memory_space<vmem>>, vector<16xi32>,
      %scan3A_175 = arith.constant 4 : i32
      %scan3A_176 = arith.addi %scan3A_153, %scan3A_175 : i32
      %mul3A_177 = arith.constant 16 : i32
      %mul3A_178 = arith.muli %scan3A_176, %mul3A_177 : i32
      %swap3A_179 = arith.index_cast %mul3A_178 : i32 to index
      %swap3A_180 = tpu.vector_load %arg10[%swap3A_179] {strides = array<i32>} : memref<2080xi32, #tpu.memory_space<vmem>>, vector<16xi32>,
      tpu.vector_store %arg10[%swap3A_179], %broadcast_in_dim3A_3 {strides = array<i32>} : memref<2080xi32, #tpu.memory_space<vmem>>, vector<16xi32>,
    }
    %scan3A_8 = arith.constant 130 : i32
    %add3A_9 = arith.constant 0 : i32
    %add3A_10 = vector.broadcast %add3A_9 : i32 to vector<16xi32>
    %add3A_11 = arith.addi %iota3A, %add3A_10 : vector<16xi32>
    %mul3A_12 = arith.constant 129 : i32
    %mul3A_13 = vector.broadcast %mul3A_12 : i32 to vector<16xi32>
    %mul3A_14 = arith.muli %add3A_11, %mul3A_13 : vector<16xi32>
    %scan3A_15 = arith.constant 0 : i32
    %scan3A_16 = arith.constant 0 : i32
    %scan3A_17 = arith.constant 128 : i32
    %scan3A_18 = arith.addi %scan3A_16, %scan3A_17 : i32
    %scan3A_19 = arith.constant 4 : i32
    scf.for %scan3A_153 = %scan3A_16 to %scan3A_18 step %scan3A_19  : i32 {
      %mul3A_154 = arith.constant 128 : i32
      %mul3A_155 = arith.muli %scan3A_153, %mul3A_154 : i32
      %add3A_156 = arith.constant 0 : i32
      %add3A_157 = arith.addi %mul3A_155, %add3A_156 : i32
      %get3A = arith.index_cast %add3A_157 : i32 to index
      %get3A_158 = tpu.vector_load %arg7[%get3A] {strides = array<i32>} : memref<16384xi32, #tpu.memory_space<vmem>>, vector<16xi32>,
      %mul3A_159 = arith.constant 16 : i32
      %mul3A_160 = vector.broadcast %mul3A_159 : i32 to vector<16xi32>
      %mul3A_161 = arith.muli %get3A_158, %mul3A_160 : vector<16xi32>
      %add3A_162 = arith.addi %mul3A_161, %iota3A : vector<16xi32>
      tpu.vector_store_idx %arg10[%add3A_162], %broadcast_in_dim3A_1 {add = true} : memref<2080xi32, #tpu.memory_space<vmem>>[vector<16xi32>], vector<16xi32>,
      %scan3A_163 = arith.constant 1 : i32
      %scan3A_164 = arith.addi %scan3A_153, %scan3A_163 : i32
      %mul3A_165 = arith.constant 128 : i32
      %mul3A_166 = arith.muli %scan3A_164, %mul3A_165 : i32
      %add3A_167 = arith.constant 0 : i32
      %add3A_168 = arith.addi %mul3A_166, %add3A_167 : i32
      %get3A_169 = arith.index_cast %add3A_168 : i32 to index
      %get3A_170 = tpu.vector_load %arg7[%get3A_169] {strides = array<i32>} : memref<16384xi32, #tpu.memory_space<vmem>>, vector<16xi32>,
      %mul3A_171 = arith.constant 16 : i32
      %mul3A_172 = vector.broadcast %mul3A_171 : i32 to vector<16xi32>
      %mul3A_173 = arith.muli %get3A_170, %mul3A_172 : vector<16xi32>
      %add3A_174 = arith.addi %mul3A_173, %iota3A : vector<16xi32>
      tpu.vector_store_idx %arg10[%add3A_174], %broadcast_in_dim3A_1 {add = true} : memref<2080xi32, #tpu.memory_space<vmem>>[vector<16xi32>], vector<16xi32>,
      %scan3A_175 = arith.constant 2 : i32
      %scan3A_176 = arith.addi %scan3A_153, %scan3A_175 : i32
      %mul3A_177 = arith.constant 128 : i32
      %mul3A_178 = arith.muli %scan3A_176, %mul3A_177 : i32
      %add3A_179 = arith.constant 0 : i32
      %add3A_180 = arith.addi %mul3A_178, %add3A_179 : i32
      %get3A_181 = arith.index_cast %add3A_180 : i32 to index
      %get3A_182 = tpu.vector_load %arg7[%get3A_181] {strides = array<i32>} : memref<16384xi32, #tpu.memory_space<vmem>>, vector<16xi32>,
      %mul3A_183 = arith.constant 16 : i32
      %mul3A_184 = vector.broadcast %mul3A_183 : i32 to vector<16xi32>
      %mul3A_185 = arith.muli %get3A_182, %mul3A_184 : vector<16xi32>
      %add3A_186 = arith.addi %mul3A_185, %iota3A : vector<16xi32>
      tpu.vector_store_idx %arg10[%add3A_186], %broadcast_in_dim3A_1 {add = true} : memref<2080xi32, #tpu.memory_space<vmem>>[vector<16xi32>], vector<16xi32>,
      %scan3A_187 = arith.constant 3 : i32
      %scan3A_188 = arith.addi %scan3A_153, %scan3A_187 : i32
      %mul3A_189 = arith.constant 128 : i32
      %mul3A_190 = arith.muli %scan3A_188, %mul3A_189 : i32
      %add3A_191 = arith.constant 0 : i32
      %add3A_192 = arith.addi %mul3A_190, %add3A_191 : i32
      %get3A_193 = arith.index_cast %add3A_192 : i32 to index
      %get3A_194 = tpu.vector_load %arg7[%get3A_193] {strides = array<i32>} : memref<16384xi32, #tpu.memory_space<vmem>>, vector<16xi32>,
      %mul3A_195 = arith.constant 16 : i32
      %mul3A_196 = vector.broadcast %mul3A_195 : i32 to vector<16xi32>
      %mul3A_197 = arith.muli %get3A_194, %mul3A_196 : vector<16xi32>
      %add3A_198 = arith.addi %mul3A_197, %iota3A : vector<16xi32>
      tpu.vector_store_idx %arg10[%add3A_198], %broadcast_in_dim3A_1 {add = true} : memref<2080xi32, #tpu.memory_space<vmem>>[vector<16xi32>], vector<16xi32>,
    }
    %scan3A_20 = arith.constant 128 : i32
    %scan3A_21 = arith.constant 0 : i32
    %scan3A_22 = arith.constant 129 : i32
    %scan3A_23 = arith.addi %scan3A_21, %scan3A_22 : i32
    %scan3A_24 = arith.constant 3 : i32
    %scan3A_25 = scf.for %scan3A_153 = %scan3A_21 to %scan3A_23 step %scan3A_24 iter_args(%scan3A_154 = %broadcast_in_dim3A_1) -> (vector<16xi32>)  : i32 {
      %mul3A_155 = arith.constant 16 : i32
      %mul3A_156 = arith.muli %scan3A_153, %mul3A_155 : i32
      %get3A = arith.index_cast %mul3A_156 : i32 to index
      %get3A_157 = tpu.vector_load %arg10[%get3A] {strides = array<i32>} : memref<2080xi32, #tpu.memory_space<vmem>>, vector<16xi32>,
      %mul3A_158 = arith.constant 16 : i32
      %mul3A_159 = arith.muli %scan3A_153, %mul3A_158 : i32
      %swap3A = arith.index_cast %mul3A_159 : i32 to index
      %swap3A_160 = tpu.vector_load %arg10[%swap3A] {strides = array<i32>} : memref<2080xi32, #tpu.memory_space<vmem>>, vector<16xi32>,
      tpu.vector_store %arg10[%swap3A], %broadcast_in_dim3A_3 {strides = array<i32>} : memref<2080xi32, #tpu.memory_space<vmem>>, vector<16xi32>,
      %add3A_161 = arith.addi %scan3A_154, %get3A_157 : vector<16xi32>
      %sub3A = arith.constant 1 : i32
      %sub3A_162 = vector.broadcast %sub3A : i32 to vector<16xi32>
      %sub3A_163 = arith.subi %add3A_161, %sub3A_162 : vector<16xi32>
      %add3A_164 = arith.addi %mul3A_14, %sub3A_163 : vector<16xi32>
      %gather3A = tpu.vector_load_idx %arg6[%add3A_164] : memref<16512xf32, #tpu.memory_space<vmem>>[vector<16xi32>], vector<16xf32>,
      %add3A_165 = arith.constant 1 : i32
      %add3A_166 = vector.broadcast %add3A_165 : i32 to vector<16xi32>
      %add3A_167 = arith.addi %add3A_164, %add3A_166 : vector<16xi32>
      %gather3A_168 = tpu.vector_load_idx %arg6[%add3A_167] : memref<16512xf32, #tpu.memory_space<vmem>>[vector<16xi32>], vector<16xf32>,
      %gather3A_169 = tpu.vector_load_idx %arg8[%add3A_164] : memref<16512xf32, #tpu.memory_space<vmem>>[vector<16xi32>], vector<16xf32>,
      %add3A_170 = arith.constant 1 : i32
      %add3A_171 = vector.broadcast %add3A_170 : i32 to vector<16xi32>
      %add3A_172 = arith.addi %add3A_164, %add3A_171 : vector<16xi32>
      %gather3A_173 = tpu.vector_load_idx %arg8[%add3A_172] : memref<16512xf32, #tpu.memory_space<vmem>>[vector<16xi32>], vector<16xf32>,
      %convert_element_type3A = arith.sitofp %scan3A_153 : i32 to f32
      %mul3A_174 = arith.constant 0.00781249907 : f32
      %mul3A_175 = arith.mulf %convert_element_type3A, %mul3A_174 : f32
      %sub3A_176 = vector.broadcast %mul3A_175 : f32 to vector<16xf32>
      %sub3A_177 = arith.subf %sub3A_176, %gather3A : vector<16xf32>
      %sub3A_178 = arith.subf %gather3A_168, %gather3A : vector<16xf32>
      %div3A = arith.divf %sub3A_177, %sub3A_178 : vector<16xf32>
      %jit3A = arith.constant 0.000000e+00 : f32
      %jit3A_179 = arith.constant 1.000000e+00 : f32
      %max3A = vector.broadcast %jit3A : f32 to vector<16xf32>
      %max3A_180 = arith.maximumf %max3A, %div3A : vector<16xf32>
      %min3A = vector.broadcast %jit3A_179 : f32 to vector<16xf32>
      %min3A_181 = arith.minimumf %min3A, %max3A_180 : vector<16xf32>
      %sub3A_182 = arith.subf %gather3A_173, %gather3A_169 : vector<16xf32>
      %mul3A_183 = arith.mulf %min3A_181, %sub3A_182 : vector<16xf32>
      %add3A_184 = arith.addf %gather3A_169, %mul3A_183 : vector<16xf32>
      %mul3A_185 = arith.constant 128 : i32
      %mul3A_186 = arith.muli %scan3A_153, %mul3A_185 : i32
      %add3A_187 = arith.constant 0 : i32
      %add3A_188 = arith.addi %mul3A_186, %add3A_187 : i32
      %swap3A_189 = arith.index_cast %add3A_188 : i32 to index
      %swap3A_190 = tpu.vector_load %arg9[%swap3A_189] {strides = array<i32>} : memref<16512xf32, #tpu.memory_space<vmem>>, vector<16xf32>,
      tpu.vector_store %arg9[%swap3A_189], %add3A_184 {strides = array<i32>} : memref<16512xf32, #tpu.memory_space<vmem>>, vector<16xf32>,
      %scan3A_191 = arith.constant 1 : i32
      %scan3A_192 = arith.addi %scan3A_153, %scan3A_191 : i32
      %mul3A_193 = arith.constant 16 : i32
      %mul3A_194 = arith.muli %scan3A_192, %mul3A_193 : i32
      %get3A_195 = arith.index_cast %mul3A_194 : i32 to index
      %get3A_196 = tpu.vector_load %arg10[%get3A_195] {strides = array<i32>} : memref<2080xi32, #tpu.memory_space<vmem>>, vector<16xi32>,
      %mul3A_197 = arith.constant 16 : i32
      %mul3A_198 = arith.muli %scan3A_192, %mul3A_197 : i32
      %swap3A_199 = arith.index_cast %mul3A_198 : i32 to index
      %swap3A_200 = tpu.vector_load %arg10[%swap3A_199] {strides = array<i32>} : memref<2080xi32, #tpu.memory_space<vmem>>, vector<16xi32>,
      tpu.vector_store %arg10[%swap3A_199], %broadcast_in_dim3A_3 {strides = array<i32>} : memref<2080xi32, #tpu.memory_space<vmem>>, vector<16xi32>,
      %add3A_201 = arith.addi %add3A_161, %get3A_196 : vector<16xi32>
      %sub3A_202 = arith.constant 1 : i32
      %sub3A_203 = vector.broadcast %sub3A_202 : i32 to vector<16xi32>
      %sub3A_204 = arith.subi %add3A_201, %sub3A_203 : vector<16xi32>
      %add3A_205 = arith.addi %mul3A_14, %sub3A_204 : vector<16xi32>
      %gather3A_206 = tpu.vector_load_idx %arg6[%add3A_205] : memref<16512xf32, #tpu.memory_space<vmem>>[vector<16xi32>], vector<16xf32>,
      %add3A_207 = arith.constant 1 : i32
      %add3A_208 = vector.broadcast %add3A_207 : i32 to vector<16xi32>
      %add3A_209 = arith.addi %add3A_205, %add3A_208 : vector<16xi32>
      %gather3A_210 = tpu.vector_load_idx %arg6[%add3A_209] : memref<16512xf32, #tpu.memory_space<vmem>>[vector<16xi32>], vector<16xf32>,
      %gather3A_211 = tpu.vector_load_idx %arg8[%add3A_205] : memref<16512xf32, #tpu.memory_space<vmem>>[vector<16xi32>], vector<16xf32>,
      %add3A_212 = arith.constant 1 : i32
      %add3A_213 = vector.broadcast %add3A_212 : i32 to vector<16xi32>
      %add3A_214 = arith.addi %add3A_205, %add3A_213 : vector<16xi32>
      %gather3A_215 = tpu.vector_load_idx %arg8[%add3A_214] : memref<16512xf32, #tpu.memory_space<vmem>>[vector<16xi32>], vector<16xf32>,
      %convert_element_type3A_216 = arith.sitofp %scan3A_192 : i32 to f32
      %mul3A_217 = arith.constant 0.00781249907 : f32
      %mul3A_218 = arith.mulf %convert_element_type3A_216, %mul3A_217 : f32
      %sub3A_219 = vector.broadcast %mul3A_218 : f32 to vector<16xf32>
      %sub3A_220 = arith.subf %sub3A_219, %gather3A_206 : vector<16xf32>
      %sub3A_221 = arith.subf %gather3A_210, %gather3A_206 : vector<16xf32>
      %div3A_222 = arith.divf %sub3A_220, %sub3A_221 : vector<16xf32>
      %jit3A_223 = arith.constant 0.000000e+00 : f32
      %jit3A_224 = arith.constant 1.000000e+00 : f32
      %max3A_225 = vector.broadcast %jit3A_223 : f32 to vector<16xf32>
      %max3A_226 = arith.maximumf %max3A_225, %div3A_222 : vector<16xf32>
      %min3A_227 = vector.broadcast %jit3A_224 : f32 to vector<16xf32>
      %min3A_228 = arith.minimumf %min3A_227, %max3A_226 : vector<16xf32>
      %sub3A_229 = arith.subf %gather3A_215, %gather3A_211 : vector<16xf32>
      %mul3A_230 = arith.mulf %min3A_228, %sub3A_229 : vector<16xf32>
      %add3A_231 = arith.addf %gather3A_211, %mul3A_230 : vector<16xf32>
      %mul3A_232 = arith.constant 128 : i32
      %mul3A_233 = arith.muli %scan3A_192, %mul3A_232 : i32
      %add3A_234 = arith.constant 0 : i32
      %add3A_235 = arith.addi %mul3A_233, %add3A_234 : i32
      %swap3A_236 = arith.index_cast %add3A_235 : i32 to index
      %swap3A_237 = tpu.vector_load %arg9[%swap3A_236] {strides = array<i32>} : memref<16512xf32, #tpu.memory_space<vmem>>, vector<16xf32>,
      tpu.vector_store %arg9[%swap3A_236], %add3A_231 {strides = array<i32>} : memref<16512xf32, #tpu.memory_space<vmem>>, vector<16xf32>,
      %scan3A_238 = arith.constant 2 : i32
      %scan3A_239 = arith.addi %scan3A_153, %scan3A_238 : i32
      %mul3A_240 = arith.constant 16 : i32
      %mul3A_241 = arith.muli %scan3A_239, %mul3A_240 : i32
      %get3A_242 = arith.index_cast %mul3A_241 : i32 to index
      %get3A_243 = tpu.vector_load %arg10[%get3A_242] {strides = array<i32>} : memref<2080xi32, #tpu.memory_space<vmem>>, vector<16xi32>,
      %mul3A_244 = arith.constant 16 : i32
      %mul3A_245 = arith.muli %scan3A_239, %mul3A_244 : i32
      %swap3A_246 = arith.index_cast %mul3A_245 : i32 to index
      %swap3A_247 = tpu.vector_load %arg10[%swap3A_246] {strides = array<i32>} : memref<2080xi32, #tpu.memory_space<vmem>>, vector<16xi32>,
      tpu.vector_store %arg10[%swap3A_246], %broadcast_in_dim3A_3 {strides = array<i32>} : memref<2080xi32, #tpu.memory_space<vmem>>, vector<16xi32>,
      %add3A_248 = arith.addi %add3A_201, %get3A_243 : vector<16xi32>
      %sub3A_249 = arith.constant 1 : i32
      %sub3A_250 = vector.broadcast %sub3A_249 : i32 to vector<16xi32>
      %sub3A_251 = arith.subi %add3A_248, %sub3A_250 : vector<16xi32>
      %add3A_252 = arith.addi %mul3A_14, %sub3A_251 : vector<16xi32>
      %gather3A_253 = tpu.vector_load_idx %arg6[%add3A_252] : memref<16512xf32, #tpu.memory_space<vmem>>[vector<16xi32>], vector<16xf32>,
      %add3A_254 = arith.constant 1 : i32
      %add3A_255 = vector.broadcast %add3A_254 : i32 to vector<16xi32>
      %add3A_256 = arith.addi %add3A_252, %add3A_255 : vector<16xi32>
      %gather3A_257 = tpu.vector_load_idx %arg6[%add3A_256] : memref<16512xf32, #tpu.memory_space<vmem>>[vector<16xi32>], vector<16xf32>,
      %gather3A_258 = tpu.vector_load_idx %arg8[%add3A_252] : memref<16512xf32, #tpu.memory_space<vmem>>[vector<16xi32>], vector<16xf32>,
      %add3A_259 = arith.constant 1 : i32
      %add3A_260 = vector.broadcast %add3A_259 : i32 to vector<16xi32>
      %add3A_261 = arith.addi %add3A_252, %add3A_260 : vector<16xi32>
      %gather3A_262 = tpu.vector_load_idx %arg8[%add3A_261] : memref<16512xf32, #tpu.memory_space<vmem>>[vector<16xi32>], vector<16xf32>,
      %convert_element_type3A_263 = arith.sitofp %scan3A_239 : i32 to f32
      %mul3A_264 = arith.constant 0.00781249907 : f32
      %mul3A_265 = arith.mulf %convert_element_type3A_263, %mul3A_264 : f32
      %sub3A_266 = vector.broadcast %mul3A_265 : f32 to vector<16xf32>
      %sub3A_267 = arith.subf %sub3A_266, %gather3A_253 : vector<16xf32>
      %sub3A_268 = arith.subf %gather3A_257, %gather3A_253 : vector<16xf32>
      %div3A_269 = arith.divf %sub3A_267, %sub3A_268 : vector<16xf32>
      %jit3A_270 = arith.constant 0.000000e+00 : f32
      %jit3A_271 = arith.constant 1.000000e+00 : f32
      %max3A_272 = vector.broadcast %jit3A_270 : f32 to vector<16xf32>
      %max3A_273 = arith.maximumf %max3A_272, %div3A_269 : vector<16xf32>
      %min3A_274 = vector.broadcast %jit3A_271 : f32 to vector<16xf32>
      %min3A_275 = arith.minimumf %min3A_274, %max3A_273 : vector<16xf32>
      %sub3A_276 = arith.subf %gather3A_262, %gather3A_258 : vector<16xf32>
      %mul3A_277 = arith.mulf %min3A_275, %sub3A_276 : vector<16xf32>
      %add3A_278 = arith.addf %gather3A_258, %mul3A_277 : vector<16xf32>
      %mul3A_279 = arith.constant 128 : i32
      %mul3A_280 = arith.muli %scan3A_239, %mul3A_279 : i32
      %add3A_281 = arith.constant 0 : i32
      %add3A_282 = arith.addi %mul3A_280, %add3A_281 : i32
      %swap3A_283 = arith.index_cast %add3A_282 : i32 to index
      %swap3A_284 = tpu.vector_load %arg9[%swap3A_283] {strides = array<i32>} : memref<16512xf32, #tpu.memory_space<vmem>>, vector<16xf32>,
      tpu.vector_store %arg9[%swap3A_283], %add3A_278 {strides = array<i32>} : memref<16512xf32, #tpu.memory_space<vmem>>, vector<16xf32>,
      scf.yield %add3A_248 : vector<16xi32>
    }
    %scan3A_26 = arith.constant 129 : i32
    %add3A_27 = arith.constant 16 : i32
    %add3A_28 = vector.broadcast %add3A_27 : i32 to vector<16xi32>
    %add3A_29 = arith.addi %iota3A, %add3A_28 : vector<16xi32>
    %mul3A_30 = arith.constant 129 : i32
    %mul3A_31 = vector.broadcast %mul3A_30 : i32 to vector<16xi32>
    %mul3A_32 = arith.muli %add3A_29, %mul3A_31 : vector<16xi32>
    %scan3A_33 = arith.constant 0 : i32
    %scan3A_34 = arith.constant 0 : i32
    %scan3A_35 = arith.constant 128 : i32
    %scan3A_36 = arith.addi %scan3A_34, %scan3A_35 : i32
    %scan3A_37 = arith.constant 4 : i32
    scf.for %scan3A_153 = %scan3A_34 to %scan3A_36 step %scan3A_37  : i32 {
      %mul3A_154 = arith.constant 128 : i32
      %mul3A_155 = arith.muli %scan3A_153, %mul3A_154 : i32
      %add3A_156 = arith.constant 16 : i32
      %add3A_157 = arith.addi %mul3A_155, %add3A_156 : i32
      %get3A = arith.index_cast %add3A_157 : i32 to index
      %get3A_158 = tpu.vector_load %arg7[%get3A] {strides = array<i32>} : memref<16384xi32, #tpu.memory_space<vmem>>, vector<16xi32>,
      %mul3A_159 = arith.constant 16 : i32
      %mul3A_160 = vector.broadcast %mul3A_159 : i32 to vector<16xi32>
      %mul3A_161 = arith.muli %get3A_158, %mul3A_160 : vector<16xi32>
      %add3A_162 = arith.addi %mul3A_161, %iota3A : vector<16xi32>
      tpu.vector_store_idx %arg10[%add3A_162], %broadcast_in_dim3A_1 {add = true} : memref<2080xi32, #tpu.memory_space<vmem>>[vector<16xi32>], vector<16xi32>,
      %scan3A_163 = arith.constant 1 : i32
      %scan3A_164 = arith.addi %scan3A_153, %scan3A_163 : i32
      %mul3A_165 = arith.constant 128 : i32
      %mul3A_166 = arith.muli %scan3A_164, %mul3A_165 : i32
      %add3A_167 = arith.constant 16 : i32
      %add3A_168 = arith.addi %mul3A_166, %add3A_167 : i32
      %get3A_169 = arith.index_cast %add3A_168 : i32 to index
      %get3A_170 = tpu.vector_load %arg7[%get3A_169] {strides = array<i32>} : memref<16384xi32, #tpu.memory_space<vmem>>, vector<16xi32>,
      %mul3A_171 = arith.constant 16 : i32
      %mul3A_172 = vector.broadcast %mul3A_171 : i32 to vector<16xi32>
      %mul3A_173 = arith.muli %get3A_170, %mul3A_172 : vector<16xi32>
      %add3A_174 = arith.addi %mul3A_173, %iota3A : vector<16xi32>
      tpu.vector_store_idx %arg10[%add3A_174], %broadcast_in_dim3A_1 {add = true} : memref<2080xi32, #tpu.memory_space<vmem>>[vector<16xi32>], vector<16xi32>,
      %scan3A_175 = arith.constant 2 : i32
      %scan3A_176 = arith.addi %scan3A_153, %scan3A_175 : i32
      %mul3A_177 = arith.constant 128 : i32
      %mul3A_178 = arith.muli %scan3A_176, %mul3A_177 : i32
      %add3A_179 = arith.constant 16 : i32
      %add3A_180 = arith.addi %mul3A_178, %add3A_179 : i32
      %get3A_181 = arith.index_cast %add3A_180 : i32 to index
      %get3A_182 = tpu.vector_load %arg7[%get3A_181] {strides = array<i32>} : memref<16384xi32, #tpu.memory_space<vmem>>, vector<16xi32>,
      %mul3A_183 = arith.constant 16 : i32
      %mul3A_184 = vector.broadcast %mul3A_183 : i32 to vector<16xi32>
      %mul3A_185 = arith.muli %get3A_182, %mul3A_184 : vector<16xi32>
      %add3A_186 = arith.addi %mul3A_185, %iota3A : vector<16xi32>
      tpu.vector_store_idx %arg10[%add3A_186], %broadcast_in_dim3A_1 {add = true} : memref<2080xi32, #tpu.memory_space<vmem>>[vector<16xi32>], vector<16xi32>,
      %scan3A_187 = arith.constant 3 : i32
      %scan3A_188 = arith.addi %scan3A_153, %scan3A_187 : i32
      %mul3A_189 = arith.constant 128 : i32
      %mul3A_190 = arith.muli %scan3A_188, %mul3A_189 : i32
      %add3A_191 = arith.constant 16 : i32
      %add3A_192 = arith.addi %mul3A_190, %add3A_191 : i32
      %get3A_193 = arith.index_cast %add3A_192 : i32 to index
      %get3A_194 = tpu.vector_load %arg7[%get3A_193] {strides = array<i32>} : memref<16384xi32, #tpu.memory_space<vmem>>, vector<16xi32>,
      %mul3A_195 = arith.constant 16 : i32
      %mul3A_196 = vector.broadcast %mul3A_195 : i32 to vector<16xi32>
      %mul3A_197 = arith.muli %get3A_194, %mul3A_196 : vector<16xi32>
      %add3A_198 = arith.addi %mul3A_197, %iota3A : vector<16xi32>
      tpu.vector_store_idx %arg10[%add3A_198], %broadcast_in_dim3A_1 {add = true} : memref<2080xi32, #tpu.memory_space<vmem>>[vector<16xi32>], vector<16xi32>,
    }
    %scan3A_38 = arith.constant 128 : i32
    %scan3A_39 = arith.constant 0 : i32
    %scan3A_40 = arith.constant 129 : i32
    %scan3A_41 = arith.addi %scan3A_39, %scan3A_40 : i32
    %scan3A_42 = arith.constant 3 : i32
    %scan3A_43 = scf.for %scan3A_153 = %scan3A_39 to %scan3A_41 step %scan3A_42 iter_args(%scan3A_154 = %broadcast_in_dim3A_1) -> (vector<16xi32>)  : i32 {
      %mul3A_155 = arith.constant 16 : i32
      %mul3A_156 = arith.muli %scan3A_153, %mul3A_155 : i32
      %get3A = arith.index_cast %mul3A_156 : i32 to index
      %get3A_157 = tpu.vector_load %arg10[%get3A] {strides = array<i32>} : memref<2080xi32, #tpu.memory_space<vmem>>, vector<16xi32>,
      %mul3A_158 = arith.constant 16 : i32
      %mul3A_159 = arith.muli %scan3A_153, %mul3A_158 : i32
      %swap3A = arith.index_cast %mul3A_159 : i32 to index
      %swap3A_160 = tpu.vector_load %arg10[%swap3A] {strides = array<i32>} : memref<2080xi32, #tpu.memory_space<vmem>>, vector<16xi32>,
      tpu.vector_store %arg10[%swap3A], %broadcast_in_dim3A_3 {strides = array<i32>} : memref<2080xi32, #tpu.memory_space<vmem>>, vector<16xi32>,
      %add3A_161 = arith.addi %scan3A_154, %get3A_157 : vector<16xi32>
      %sub3A = arith.constant 1 : i32
      %sub3A_162 = vector.broadcast %sub3A : i32 to vector<16xi32>
      %sub3A_163 = arith.subi %add3A_161, %sub3A_162 : vector<16xi32>
      %add3A_164 = arith.addi %mul3A_32, %sub3A_163 : vector<16xi32>
      %gather3A = tpu.vector_load_idx %arg6[%add3A_164] : memref<16512xf32, #tpu.memory_space<vmem>>[vector<16xi32>], vector<16xf32>,
      %add3A_165 = arith.constant 1 : i32
      %add3A_166 = vector.broadcast %add3A_165 : i32 to vector<16xi32>
      %add3A_167 = arith.addi %add3A_164, %add3A_166 : vector<16xi32>
      %gather3A_168 = tpu.vector_load_idx %arg6[%add3A_167] : memref<16512xf32, #tpu.memory_space<vmem>>[vector<16xi32>], vector<16xf32>,
      %gather3A_169 = tpu.vector_load_idx %arg8[%add3A_164] : memref<16512xf32, #tpu.memory_space<vmem>>[vector<16xi32>], vector<16xf32>,
      %add3A_170 = arith.constant 1 : i32
      %add3A_171 = vector.broadcast %add3A_170 : i32 to vector<16xi32>
      %add3A_172 = arith.addi %add3A_164, %add3A_171 : vector<16xi32>
      %gather3A_173 = tpu.vector_load_idx %arg8[%add3A_172] : memref<16512xf32, #tpu.memory_space<vmem>>[vector<16xi32>], vector<16xf32>,
      %convert_element_type3A = arith.sitofp %scan3A_153 : i32 to f32
      %mul3A_174 = arith.constant 0.00781249907 : f32
      %mul3A_175 = arith.mulf %convert_element_type3A, %mul3A_174 : f32
      %sub3A_176 = vector.broadcast %mul3A_175 : f32 to vector<16xf32>
      %sub3A_177 = arith.subf %sub3A_176, %gather3A : vector<16xf32>
      %sub3A_178 = arith.subf %gather3A_168, %gather3A : vector<16xf32>
      %div3A = arith.divf %sub3A_177, %sub3A_178 : vector<16xf32>
      %jit3A = arith.constant 0.000000e+00 : f32
      %jit3A_179 = arith.constant 1.000000e+00 : f32
      %max3A = vector.broadcast %jit3A : f32 to vector<16xf32>
      %max3A_180 = arith.maximumf %max3A, %div3A : vector<16xf32>
      %min3A = vector.broadcast %jit3A_179 : f32 to vector<16xf32>
      %min3A_181 = arith.minimumf %min3A, %max3A_180 : vector<16xf32>
      %sub3A_182 = arith.subf %gather3A_173, %gather3A_169 : vector<16xf32>
      %mul3A_183 = arith.mulf %min3A_181, %sub3A_182 : vector<16xf32>
      %add3A_184 = arith.addf %gather3A_169, %mul3A_183 : vector<16xf32>
      %mul3A_185 = arith.constant 128 : i32
      %mul3A_186 = arith.muli %scan3A_153, %mul3A_185 : i32
      %add3A_187 = arith.constant 16 : i32
      %add3A_188 = arith.addi %mul3A_186, %add3A_187 : i32
      %swap3A_189 = arith.index_cast %add3A_188 : i32 to index
      %swap3A_190 = tpu.vector_load %arg9[%swap3A_189] {strides = array<i32>} : memref<16512xf32, #tpu.memory_space<vmem>>, vector<16xf32>,
      tpu.vector_store %arg9[%swap3A_189], %add3A_184 {strides = array<i32>} : memref<16512xf32, #tpu.memory_space<vmem>>, vector<16xf32>,
      %scan3A_191 = arith.constant 1 : i32
      %scan3A_192 = arith.addi %scan3A_153, %scan3A_191 : i32
      %mul3A_193 = arith.constant 16 : i32
      %mul3A_194 = arith.muli %scan3A_192, %mul3A_193 : i32
      %get3A_195 = arith.index_cast %mul3A_194 : i32 to index
      %get3A_196 = tpu.vector_load %arg10[%get3A_195] {strides = array<i32>} : memref<2080xi32, #tpu.memory_space<vmem>>, vector<16xi32>,
      %mul3A_197 = arith.constant 16 : i32
      %mul3A_198 = arith.muli %scan3A_192, %mul3A_197 : i32
      %swap3A_199 = arith.index_cast %mul3A_198 : i32 to index
      %swap3A_200 = tpu.vector_load %arg10[%swap3A_199] {strides = array<i32>} : memref<2080xi32, #tpu.memory_space<vmem>>, vector<16xi32>,
      tpu.vector_store %arg10[%swap3A_199], %broadcast_in_dim3A_3 {strides = array<i32>} : memref<2080xi32, #tpu.memory_space<vmem>>, vector<16xi32>,
      %add3A_201 = arith.addi %add3A_161, %get3A_196 : vector<16xi32>
      %sub3A_202 = arith.constant 1 : i32
      %sub3A_203 = vector.broadcast %sub3A_202 : i32 to vector<16xi32>
      %sub3A_204 = arith.subi %add3A_201, %sub3A_203 : vector<16xi32>
      %add3A_205 = arith.addi %mul3A_32, %sub3A_204 : vector<16xi32>
      %gather3A_206 = tpu.vector_load_idx %arg6[%add3A_205] : memref<16512xf32, #tpu.memory_space<vmem>>[vector<16xi32>], vector<16xf32>,
      %add3A_207 = arith.constant 1 : i32
      %add3A_208 = vector.broadcast %add3A_207 : i32 to vector<16xi32>
      %add3A_209 = arith.addi %add3A_205, %add3A_208 : vector<16xi32>
      %gather3A_210 = tpu.vector_load_idx %arg6[%add3A_209] : memref<16512xf32, #tpu.memory_space<vmem>>[vector<16xi32>], vector<16xf32>,
      %gather3A_211 = tpu.vector_load_idx %arg8[%add3A_205] : memref<16512xf32, #tpu.memory_space<vmem>>[vector<16xi32>], vector<16xf32>,
      %add3A_212 = arith.constant 1 : i32
      %add3A_213 = vector.broadcast %add3A_212 : i32 to vector<16xi32>
      %add3A_214 = arith.addi %add3A_205, %add3A_213 : vector<16xi32>
      %gather3A_215 = tpu.vector_load_idx %arg8[%add3A_214] : memref<16512xf32, #tpu.memory_space<vmem>>[vector<16xi32>], vector<16xf32>,
      %convert_element_type3A_216 = arith.sitofp %scan3A_192 : i32 to f32
      %mul3A_217 = arith.constant 0.00781249907 : f32
      %mul3A_218 = arith.mulf %convert_element_type3A_216, %mul3A_217 : f32
      %sub3A_219 = vector.broadcast %mul3A_218 : f32 to vector<16xf32>
      %sub3A_220 = arith.subf %sub3A_219, %gather3A_206 : vector<16xf32>
      %sub3A_221 = arith.subf %gather3A_210, %gather3A_206 : vector<16xf32>
      %div3A_222 = arith.divf %sub3A_220, %sub3A_221 : vector<16xf32>
      %jit3A_223 = arith.constant 0.000000e+00 : f32
      %jit3A_224 = arith.constant 1.000000e+00 : f32
      %max3A_225 = vector.broadcast %jit3A_223 : f32 to vector<16xf32>
      %max3A_226 = arith.maximumf %max3A_225, %div3A_222 : vector<16xf32>
      %min3A_227 = vector.broadcast %jit3A_224 : f32 to vector<16xf32>
      %min3A_228 = arith.minimumf %min3A_227, %max3A_226 : vector<16xf32>
      %sub3A_229 = arith.subf %gather3A_215, %gather3A_211 : vector<16xf32>
      %mul3A_230 = arith.mulf %min3A_228, %sub3A_229 : vector<16xf32>
      %add3A_231 = arith.addf %gather3A_211, %mul3A_230 : vector<16xf32>
      %mul3A_232 = arith.constant 128 : i32
      %mul3A_233 = arith.muli %scan3A_192, %mul3A_232 : i32
      %add3A_234 = arith.constant 16 : i32
      %add3A_235 = arith.addi %mul3A_233, %add3A_234 : i32
      %swap3A_236 = arith.index_cast %add3A_235 : i32 to index
      %swap3A_237 = tpu.vector_load %arg9[%swap3A_236] {strides = array<i32>} : memref<16512xf32, #tpu.memory_space<vmem>>, vector<16xf32>,
      tpu.vector_store %arg9[%swap3A_236], %add3A_231 {strides = array<i32>} : memref<16512xf32, #tpu.memory_space<vmem>>, vector<16xf32>,
      %scan3A_238 = arith.constant 2 : i32
      %scan3A_239 = arith.addi %scan3A_153, %scan3A_238 : i32
      %mul3A_240 = arith.constant 16 : i32
      %mul3A_241 = arith.muli %scan3A_239, %mul3A_240 : i32
      %get3A_242 = arith.index_cast %mul3A_241 : i32 to index
      %get3A_243 = tpu.vector_load %arg10[%get3A_242] {strides = array<i32>} : memref<2080xi32, #tpu.memory_space<vmem>>, vector<16xi32>,
      %mul3A_244 = arith.constant 16 : i32
      %mul3A_245 = arith.muli %scan3A_239, %mul3A_244 : i32
      %swap3A_246 = arith.index_cast %mul3A_245 : i32 to index
      %swap3A_247 = tpu.vector_load %arg10[%swap3A_246] {strides = array<i32>} : memref<2080xi32, #tpu.memory_space<vmem>>, vector<16xi32>,
      tpu.vector_store %arg10[%swap3A_246], %broadcast_in_dim3A_3 {strides = array<i32>} : memref<2080xi32, #tpu.memory_space<vmem>>, vector<16xi32>,
      %add3A_248 = arith.addi %add3A_201, %get3A_243 : vector<16xi32>
      %sub3A_249 = arith.constant 1 : i32
      %sub3A_250 = vector.broadcast %sub3A_249 : i32 to vector<16xi32>
      %sub3A_251 = arith.subi %add3A_248, %sub3A_250 : vector<16xi32>
      %add3A_252 = arith.addi %mul3A_32, %sub3A_251 : vector<16xi32>
      %gather3A_253 = tpu.vector_load_idx %arg6[%add3A_252] : memref<16512xf32, #tpu.memory_space<vmem>>[vector<16xi32>], vector<16xf32>,
      %add3A_254 = arith.constant 1 : i32
      %add3A_255 = vector.broadcast %add3A_254 : i32 to vector<16xi32>
      %add3A_256 = arith.addi %add3A_252, %add3A_255 : vector<16xi32>
      %gather3A_257 = tpu.vector_load_idx %arg6[%add3A_256] : memref<16512xf32, #tpu.memory_space<vmem>>[vector<16xi32>], vector<16xf32>,
      %gather3A_258 = tpu.vector_load_idx %arg8[%add3A_252] : memref<16512xf32, #tpu.memory_space<vmem>>[vector<16xi32>], vector<16xf32>,
      %add3A_259 = arith.constant 1 : i32
      %add3A_260 = vector.broadcast %add3A_259 : i32 to vector<16xi32>
      %add3A_261 = arith.addi %add3A_252, %add3A_260 : vector<16xi32>
      %gather3A_262 = tpu.vector_load_idx %arg8[%add3A_261] : memref<16512xf32, #tpu.memory_space<vmem>>[vector<16xi32>], vector<16xf32>,
      %convert_element_type3A_263 = arith.sitofp %scan3A_239 : i32 to f32
      %mul3A_264 = arith.constant 0.00781249907 : f32
      %mul3A_265 = arith.mulf %convert_element_type3A_263, %mul3A_264 : f32
      %sub3A_266 = vector.broadcast %mul3A_265 : f32 to vector<16xf32>
      %sub3A_267 = arith.subf %sub3A_266, %gather3A_253 : vector<16xf32>
      %sub3A_268 = arith.subf %gather3A_257, %gather3A_253 : vector<16xf32>
      %div3A_269 = arith.divf %sub3A_267, %sub3A_268 : vector<16xf32>
      %jit3A_270 = arith.constant 0.000000e+00 : f32
      %jit3A_271 = arith.constant 1.000000e+00 : f32
      %max3A_272 = vector.broadcast %jit3A_270 : f32 to vector<16xf32>
      %max3A_273 = arith.maximumf %max3A_272, %div3A_269 : vector<16xf32>
      %min3A_274 = vector.broadcast %jit3A_271 : f32 to vector<16xf32>
      %min3A_275 = arith.minimumf %min3A_274, %max3A_273 : vector<16xf32>
      %sub3A_276 = arith.subf %gather3A_262, %gather3A_258 : vector<16xf32>
      %mul3A_277 = arith.mulf %min3A_275, %sub3A_276 : vector<16xf32>
      %add3A_278 = arith.addf %gather3A_258, %mul3A_277 : vector<16xf32>
      %mul3A_279 = arith.constant 128 : i32
      %mul3A_280 = arith.muli %scan3A_239, %mul3A_279 : i32
      %add3A_281 = arith.constant 16 : i32
      %add3A_282 = arith.addi %mul3A_280, %add3A_281 : i32
      %swap3A_283 = arith.index_cast %add3A_282 : i32 to index
      %swap3A_284 = tpu.vector_load %arg9[%swap3A_283] {strides = array<i32>} : memref<16512xf32, #tpu.memory_space<vmem>>, vector<16xf32>,
      tpu.vector_store %arg9[%swap3A_283], %add3A_278 {strides = array<i32>} : memref<16512xf32, #tpu.memory_space<vmem>>, vector<16xf32>,
      scf.yield %add3A_248 : vector<16xi32>
    }
    %scan3A_44 = arith.constant 129 : i32
    %add3A_45 = arith.constant 32 : i32
    %add3A_46 = vector.broadcast %add3A_45 : i32 to vector<16xi32>
    %add3A_47 = arith.addi %iota3A, %add3A_46 : vector<16xi32>
    %mul3A_48 = arith.constant 129 : i32
    %mul3A_49 = vector.broadcast %mul3A_48 : i32 to vector<16xi32>
    %mul3A_50 = arith.muli %add3A_47, %mul3A_49 : vector<16xi32>
    %scan3A_51 = arith.constant 0 : i32
    %scan3A_52 = arith.constant 0 : i32
    %scan3A_53 = arith.constant 128 : i32
    %scan3A_54 = arith.addi %scan3A_52, %scan3A_53 : i32
    %scan3A_55 = arith.constant 4 : i32
    scf.for %scan3A_153 = %scan3A_52 to %scan3A_54 step %scan3A_55  : i32 {
      %mul3A_154 = arith.constant 128 : i32
      %mul3A_155 = arith.muli %scan3A_153, %mul3A_154 : i32
      %add3A_156 = arith.constant 32 : i32
      %add3A_157 = arith.addi %mul3A_155, %add3A_156 : i32
      %get3A = arith.index_cast %add3A_157 : i32 to index
      %get3A_158 = tpu.vector_load %arg7[%get3A] {strides = array<i32>} : memref<16384xi32, #tpu.memory_space<vmem>>, vector<16xi32>,
      %mul3A_159 = arith.constant 16 : i32
      %mul3A_160 = vector.broadcast %mul3A_159 : i32 to vector<16xi32>
      %mul3A_161 = arith.muli %get3A_158, %mul3A_160 : vector<16xi32>
      %add3A_162 = arith.addi %mul3A_161, %iota3A : vector<16xi32>
      tpu.vector_store_idx %arg10[%add3A_162], %broadcast_in_dim3A_1 {add = true} : memref<2080xi32, #tpu.memory_space<vmem>>[vector<16xi32>], vector<16xi32>,
      %scan3A_163 = arith.constant 1 : i32
      %scan3A_164 = arith.addi %scan3A_153, %scan3A_163 : i32
      %mul3A_165 = arith.constant 128 : i32
      %mul3A_166 = arith.muli %scan3A_164, %mul3A_165 : i32
      %add3A_167 = arith.constant 32 : i32
      %add3A_168 = arith.addi %mul3A_166, %add3A_167 : i32
      %get3A_169 = arith.index_cast %add3A_168 : i32 to index
      %get3A_170 = tpu.vector_load %arg7[%get3A_169] {strides = array<i32>} : memref<16384xi32, #tpu.memory_space<vmem>>, vector<16xi32>,
      %mul3A_171 = arith.constant 16 : i32
      %mul3A_172 = vector.broadcast %mul3A_171 : i32 to vector<16xi32>
      %mul3A_173 = arith.muli %get3A_170, %mul3A_172 : vector<16xi32>
      %add3A_174 = arith.addi %mul3A_173, %iota3A : vector<16xi32>
      tpu.vector_store_idx %arg10[%add3A_174], %broadcast_in_dim3A_1 {add = true} : memref<2080xi32, #tpu.memory_space<vmem>>[vector<16xi32>], vector<16xi32>,
      %scan3A_175 = arith.constant 2 : i32
      %scan3A_176 = arith.addi %scan3A_153, %scan3A_175 : i32
      %mul3A_177 = arith.constant 128 : i32
      %mul3A_178 = arith.muli %scan3A_176, %mul3A_177 : i32
      %add3A_179 = arith.constant 32 : i32
      %add3A_180 = arith.addi %mul3A_178, %add3A_179 : i32
      %get3A_181 = arith.index_cast %add3A_180 : i32 to index
      %get3A_182 = tpu.vector_load %arg7[%get3A_181] {strides = array<i32>} : memref<16384xi32, #tpu.memory_space<vmem>>, vector<16xi32>,
      %mul3A_183 = arith.constant 16 : i32
      %mul3A_184 = vector.broadcast %mul3A_183 : i32 to vector<16xi32>
      %mul3A_185 = arith.muli %get3A_182, %mul3A_184 : vector<16xi32>
      %add3A_186 = arith.addi %mul3A_185, %iota3A : vector<16xi32>
      tpu.vector_store_idx %arg10[%add3A_186], %broadcast_in_dim3A_1 {add = true} : memref<2080xi32, #tpu.memory_space<vmem>>[vector<16xi32>], vector<16xi32>,
      %scan3A_187 = arith.constant 3 : i32
      %scan3A_188 = arith.addi %scan3A_153, %scan3A_187 : i32
      %mul3A_189 = arith.constant 128 : i32
      %mul3A_190 = arith.muli %scan3A_188, %mul3A_189 : i32
      %add3A_191 = arith.constant 32 : i32
      %add3A_192 = arith.addi %mul3A_190, %add3A_191 : i32
      %get3A_193 = arith.index_cast %add3A_192 : i32 to index
      %get3A_194 = tpu.vector_load %arg7[%get3A_193] {strides = array<i32>} : memref<16384xi32, #tpu.memory_space<vmem>>, vector<16xi32>,
      %mul3A_195 = arith.constant 16 : i32
      %mul3A_196 = vector.broadcast %mul3A_195 : i32 to vector<16xi32>
      %mul3A_197 = arith.muli %get3A_194, %mul3A_196 : vector<16xi32>
      %add3A_198 = arith.addi %mul3A_197, %iota3A : vector<16xi32>
      tpu.vector_store_idx %arg10[%add3A_198], %broadcast_in_dim3A_1 {add = true} : memref<2080xi32, #tpu.memory_space<vmem>>[vector<16xi32>], vector<16xi32>,
    }
    %scan3A_56 = arith.constant 128 : i32
    %scan3A_57 = arith.constant 0 : i32
    %scan3A_58 = arith.constant 129 : i32
    %scan3A_59 = arith.addi %scan3A_57, %scan3A_58 : i32
    %scan3A_60 = arith.constant 3 : i32
    %scan3A_61 = scf.for %scan3A_153 = %scan3A_57 to %scan3A_59 step %scan3A_60 iter_args(%scan3A_154 = %broadcast_in_dim3A_1) -> (vector<16xi32>)  : i32 {
      %mul3A_155 = arith.constant 16 : i32
      %mul3A_156 = arith.muli %scan3A_153, %mul3A_155 : i32
      %get3A = arith.index_cast %mul3A_156 : i32 to index
      %get3A_157 = tpu.vector_load %arg10[%get3A] {strides = array<i32>} : memref<2080xi32, #tpu.memory_space<vmem>>, vector<16xi32>,
      %mul3A_158 = arith.constant 16 : i32
      %mul3A_159 = arith.muli %scan3A_153, %mul3A_158 : i32
      %swap3A = arith.index_cast %mul3A_159 : i32 to index
      %swap3A_160 = tpu.vector_load %arg10[%swap3A] {strides = array<i32>} : memref<2080xi32, #tpu.memory_space<vmem>>, vector<16xi32>,
      tpu.vector_store %arg10[%swap3A], %broadcast_in_dim3A_3 {strides = array<i32>} : memref<2080xi32, #tpu.memory_space<vmem>>, vector<16xi32>,
      %add3A_161 = arith.addi %scan3A_154, %get3A_157 : vector<16xi32>
      %sub3A = arith.constant 1 : i32
      %sub3A_162 = vector.broadcast %sub3A : i32 to vector<16xi32>
      %sub3A_163 = arith.subi %add3A_161, %sub3A_162 : vector<16xi32>
      %add3A_164 = arith.addi %mul3A_50, %sub3A_163 : vector<16xi32>
      %gather3A = tpu.vector_load_idx %arg6[%add3A_164] : memref<16512xf32, #tpu.memory_space<vmem>>[vector<16xi32>], vector<16xf32>,
      %add3A_165 = arith.constant 1 : i32
      %add3A_166 = vector.broadcast %add3A_165 : i32 to vector<16xi32>
      %add3A_167 = arith.addi %add3A_164, %add3A_166 : vector<16xi32>
      %gather3A_168 = tpu.vector_load_idx %arg6[%add3A_167] : memref<16512xf32, #tpu.memory_space<vmem>>[vector<16xi32>], vector<16xf32>,
      %gather3A_169 = tpu.vector_load_idx %arg8[%add3A_164] : memref<16512xf32, #tpu.memory_space<vmem>>[vector<16xi32>], vector<16xf32>,
      %add3A_170 = arith.constant 1 : i32
      %add3A_171 = vector.broadcast %add3A_170 : i32 to vector<16xi32>
      %add3A_172 = arith.addi %add3A_164, %add3A_171 : vector<16xi32>
      %gather3A_173 = tpu.vector_load_idx %arg8[%add3A_172] : memref<16512xf32, #tpu.memory_space<vmem>>[vector<16xi32>], vector<16xf32>,
      %convert_element_type3A = arith.sitofp %scan3A_153 : i32 to f32
      %mul3A_174 = arith.constant 0.00781249907 : f32
      %mul3A_175 = arith.mulf %convert_element_type3A, %mul3A_174 : f32
      %sub3A_176 = vector.broadcast %mul3A_175 : f32 to vector<16xf32>
      %sub3A_177 = arith.subf %sub3A_176, %gather3A : vector<16xf32>
      %sub3A_178 = arith.subf %gather3A_168, %gather3A : vector<16xf32>
      %div3A = arith.divf %sub3A_177, %sub3A_178 : vector<16xf32>
      %jit3A = arith.constant 0.000000e+00 : f32
      %jit3A_179 = arith.constant 1.000000e+00 : f32
      %max3A = vector.broadcast %jit3A : f32 to vector<16xf32>
      %max3A_180 = arith.maximumf %max3A, %div3A : vector<16xf32>
      %min3A = vector.broadcast %jit3A_179 : f32 to vector<16xf32>
      %min3A_181 = arith.minimumf %min3A, %max3A_180 : vector<16xf32>
      %sub3A_182 = arith.subf %gather3A_173, %gather3A_169 : vector<16xf32>
      %mul3A_183 = arith.mulf %min3A_181, %sub3A_182 : vector<16xf32>
      %add3A_184 = arith.addf %gather3A_169, %mul3A_183 : vector<16xf32>
      %mul3A_185 = arith.constant 128 : i32
      %mul3A_186 = arith.muli %scan3A_153, %mul3A_185 : i32
      %add3A_187 = arith.constant 32 : i32
      %add3A_188 = arith.addi %mul3A_186, %add3A_187 : i32
      %swap3A_189 = arith.index_cast %add3A_188 : i32 to index
      %swap3A_190 = tpu.vector_load %arg9[%swap3A_189] {strides = array<i32>} : memref<16512xf32, #tpu.memory_space<vmem>>, vector<16xf32>,
      tpu.vector_store %arg9[%swap3A_189], %add3A_184 {strides = array<i32>} : memref<16512xf32, #tpu.memory_space<vmem>>, vector<16xf32>,
      %scan3A_191 = arith.constant 1 : i32
      %scan3A_192 = arith.addi %scan3A_153, %scan3A_191 : i32
      %mul3A_193 = arith.constant 16 : i32
      %mul3A_194 = arith.muli %scan3A_192, %mul3A_193 : i32
      %get3A_195 = arith.index_cast %mul3A_194 : i32 to index
      %get3A_196 = tpu.vector_load %arg10[%get3A_195] {strides = array<i32>} : memref<2080xi32, #tpu.memory_space<vmem>>, vector<16xi32>,
      %mul3A_197 = arith.constant 16 : i32
      %mul3A_198 = arith.muli %scan3A_192, %mul3A_197 : i32
      %swap3A_199 = arith.index_cast %mul3A_198 : i32 to index
      %swap3A_200 = tpu.vector_load %arg10[%swap3A_199] {strides = array<i32>} : memref<2080xi32, #tpu.memory_space<vmem>>, vector<16xi32>,
      tpu.vector_store %arg10[%swap3A_199], %broadcast_in_dim3A_3 {strides = array<i32>} : memref<2080xi32, #tpu.memory_space<vmem>>, vector<16xi32>,
      %add3A_201 = arith.addi %add3A_161, %get3A_196 : vector<16xi32>
      %sub3A_202 = arith.constant 1 : i32
      %sub3A_203 = vector.broadcast %sub3A_202 : i32 to vector<16xi32>
      %sub3A_204 = arith.subi %add3A_201, %sub3A_203 : vector<16xi32>
      %add3A_205 = arith.addi %mul3A_50, %sub3A_204 : vector<16xi32>
      %gather3A_206 = tpu.vector_load_idx %arg6[%add3A_205] : memref<16512xf32, #tpu.memory_space<vmem>>[vector<16xi32>], vector<16xf32>,
      %add3A_207 = arith.constant 1 : i32
      %add3A_208 = vector.broadcast %add3A_207 : i32 to vector<16xi32>
      %add3A_209 = arith.addi %add3A_205, %add3A_208 : vector<16xi32>
      %gather3A_210 = tpu.vector_load_idx %arg6[%add3A_209] : memref<16512xf32, #tpu.memory_space<vmem>>[vector<16xi32>], vector<16xf32>,
      %gather3A_211 = tpu.vector_load_idx %arg8[%add3A_205] : memref<16512xf32, #tpu.memory_space<vmem>>[vector<16xi32>], vector<16xf32>,
      %add3A_212 = arith.constant 1 : i32
      %add3A_213 = vector.broadcast %add3A_212 : i32 to vector<16xi32>
      %add3A_214 = arith.addi %add3A_205, %add3A_213 : vector<16xi32>
      %gather3A_215 = tpu.vector_load_idx %arg8[%add3A_214] : memref<16512xf32, #tpu.memory_space<vmem>>[vector<16xi32>], vector<16xf32>,
      %convert_element_type3A_216 = arith.sitofp %scan3A_192 : i32 to f32
      %mul3A_217 = arith.constant 0.00781249907 : f32
      %mul3A_218 = arith.mulf %convert_element_type3A_216, %mul3A_217 : f32
      %sub3A_219 = vector.broadcast %mul3A_218 : f32 to vector<16xf32>
      %sub3A_220 = arith.subf %sub3A_219, %gather3A_206 : vector<16xf32>
      %sub3A_221 = arith.subf %gather3A_210, %gather3A_206 : vector<16xf32>
      %div3A_222 = arith.divf %sub3A_220, %sub3A_221 : vector<16xf32>
      %jit3A_223 = arith.constant 0.000000e+00 : f32
      %jit3A_224 = arith.constant 1.000000e+00 : f32
      %max3A_225 = vector.broadcast %jit3A_223 : f32 to vector<16xf32>
      %max3A_226 = arith.maximumf %max3A_225, %div3A_222 : vector<16xf32>
      %min3A_227 = vector.broadcast %jit3A_224 : f32 to vector<16xf32>
      %min3A_228 = arith.minimumf %min3A_227, %max3A_226 : vector<16xf32>
      %sub3A_229 = arith.subf %gather3A_215, %gather3A_211 : vector<16xf32>
      %mul3A_230 = arith.mulf %min3A_228, %sub3A_229 : vector<16xf32>
      %add3A_231 = arith.addf %gather3A_211, %mul3A_230 : vector<16xf32>
      %mul3A_232 = arith.constant 128 : i32
      %mul3A_233 = arith.muli %scan3A_192, %mul3A_232 : i32
      %add3A_234 = arith.constant 32 : i32
      %add3A_235 = arith.addi %mul3A_233, %add3A_234 : i32
      %swap3A_236 = arith.index_cast %add3A_235 : i32 to index
      %swap3A_237 = tpu.vector_load %arg9[%swap3A_236] {strides = array<i32>} : memref<16512xf32, #tpu.memory_space<vmem>>, vector<16xf32>,
      tpu.vector_store %arg9[%swap3A_236], %add3A_231 {strides = array<i32>} : memref<16512xf32, #tpu.memory_space<vmem>>, vector<16xf32>,
      %scan3A_238 = arith.constant 2 : i32
      %scan3A_239 = arith.addi %scan3A_153, %scan3A_238 : i32
      %mul3A_240 = arith.constant 16 : i32
      %mul3A_241 = arith.muli %scan3A_239, %mul3A_240 : i32
      %get3A_242 = arith.index_cast %mul3A_241 : i32 to index
      %get3A_243 = tpu.vector_load %arg10[%get3A_242] {strides = array<i32>} : memref<2080xi32, #tpu.memory_space<vmem>>, vector<16xi32>,
      %mul3A_244 = arith.constant 16 : i32
      %mul3A_245 = arith.muli %scan3A_239, %mul3A_244 : i32
      %swap3A_246 = arith.index_cast %mul3A_245 : i32 to index
      %swap3A_247 = tpu.vector_load %arg10[%swap3A_246] {strides = array<i32>} : memref<2080xi32, #tpu.memory_space<vmem>>, vector<16xi32>,
      tpu.vector_store %arg10[%swap3A_246], %broadcast_in_dim3A_3 {strides = array<i32>} : memref<2080xi32, #tpu.memory_space<vmem>>, vector<16xi32>,
      %add3A_248 = arith.addi %add3A_201, %get3A_243 : vector<16xi32>
      %sub3A_249 = arith.constant 1 : i32
      %sub3A_250 = vector.broadcast %sub3A_249 : i32 to vector<16xi32>
      %sub3A_251 = arith.subi %add3A_248, %sub3A_250 : vector<16xi32>
      %add3A_252 = arith.addi %mul3A_50, %sub3A_251 : vector<16xi32>
      %gather3A_253 = tpu.vector_load_idx %arg6[%add3A_252] : memref<16512xf32, #tpu.memory_space<vmem>>[vector<16xi32>], vector<16xf32>,
      %add3A_254 = arith.constant 1 : i32
      %add3A_255 = vector.broadcast %add3A_254 : i32 to vector<16xi32>
      %add3A_256 = arith.addi %add3A_252, %add3A_255 : vector<16xi32>
      %gather3A_257 = tpu.vector_load_idx %arg6[%add3A_256] : memref<16512xf32, #tpu.memory_space<vmem>>[vector<16xi32>], vector<16xf32>,
      %gather3A_258 = tpu.vector_load_idx %arg8[%add3A_252] : memref<16512xf32, #tpu.memory_space<vmem>>[vector<16xi32>], vector<16xf32>,
      %add3A_259 = arith.constant 1 : i32
      %add3A_260 = vector.broadcast %add3A_259 : i32 to vector<16xi32>
      %add3A_261 = arith.addi %add3A_252, %add3A_260 : vector<16xi32>
      %gather3A_262 = tpu.vector_load_idx %arg8[%add3A_261] : memref<16512xf32, #tpu.memory_space<vmem>>[vector<16xi32>], vector<16xf32>,
      %convert_element_type3A_263 = arith.sitofp %scan3A_239 : i32 to f32
      %mul3A_264 = arith.constant 0.00781249907 : f32
      %mul3A_265 = arith.mulf %convert_element_type3A_263, %mul3A_264 : f32
      %sub3A_266 = vector.broadcast %mul3A_265 : f32 to vector<16xf32>
      %sub3A_267 = arith.subf %sub3A_266, %gather3A_253 : vector<16xf32>
      %sub3A_268 = arith.subf %gather3A_257, %gather3A_253 : vector<16xf32>
      %div3A_269 = arith.divf %sub3A_267, %sub3A_268 : vector<16xf32>
      %jit3A_270 = arith.constant 0.000000e+00 : f32
      %jit3A_271 = arith.constant 1.000000e+00 : f32
      %max3A_272 = vector.broadcast %jit3A_270 : f32 to vector<16xf32>
      %max3A_273 = arith.maximumf %max3A_272, %div3A_269 : vector<16xf32>
      %min3A_274 = vector.broadcast %jit3A_271 : f32 to vector<16xf32>
      %min3A_275 = arith.minimumf %min3A_274, %max3A_273 : vector<16xf32>
      %sub3A_276 = arith.subf %gather3A_262, %gather3A_258 : vector<16xf32>
      %mul3A_277 = arith.mulf %min3A_275, %sub3A_276 : vector<16xf32>
      %add3A_278 = arith.addf %gather3A_258, %mul3A_277 : vector<16xf32>
      %mul3A_279 = arith.constant 128 : i32
      %mul3A_280 = arith.muli %scan3A_239, %mul3A_279 : i32
      %add3A_281 = arith.constant 32 : i32
      %add3A_282 = arith.addi %mul3A_280, %add3A_281 : i32
      %swap3A_283 = arith.index_cast %add3A_282 : i32 to index
      %swap3A_284 = tpu.vector_load %arg9[%swap3A_283] {strides = array<i32>} : memref<16512xf32, #tpu.memory_space<vmem>>, vector<16xf32>,
      tpu.vector_store %arg9[%swap3A_283], %add3A_278 {strides = array<i32>} : memref<16512xf32, #tpu.memory_space<vmem>>, vector<16xf32>,
      scf.yield %add3A_248 : vector<16xi32>
    }
    %scan3A_62 = arith.constant 129 : i32
    %add3A_63 = arith.constant 48 : i32
    %add3A_64 = vector.broadcast %add3A_63 : i32 to vector<16xi32>
    %add3A_65 = arith.addi %iota3A, %add3A_64 : vector<16xi32>
    %mul3A_66 = arith.constant 129 : i32
    %mul3A_67 = vector.broadcast %mul3A_66 : i32 to vector<16xi32>
    %mul3A_68 = arith.muli %add3A_65, %mul3A_67 : vector<16xi32>
    %scan3A_69 = arith.constant 0 : i32
    %scan3A_70 = arith.constant 0 : i32
    %scan3A_71 = arith.constant 128 : i32
    %scan3A_72 = arith.addi %scan3A_70, %scan3A_71 : i32
    %scan3A_73 = arith.constant 4 : i32
    scf.for %scan3A_153 = %scan3A_70 to %scan3A_72 step %scan3A_73  : i32 {
      %mul3A_154 = arith.constant 128 : i32
      %mul3A_155 = arith.muli %scan3A_153, %mul3A_154 : i32
      %add3A_156 = arith.constant 48 : i32
      %add3A_157 = arith.addi %mul3A_155, %add3A_156 : i32
      %get3A = arith.index_cast %add3A_157 : i32 to index
      %get3A_158 = tpu.vector_load %arg7[%get3A] {strides = array<i32>} : memref<16384xi32, #tpu.memory_space<vmem>>, vector<16xi32>,
      %mul3A_159 = arith.constant 16 : i32
      %mul3A_160 = vector.broadcast %mul3A_159 : i32 to vector<16xi32>
      %mul3A_161 = arith.muli %get3A_158, %mul3A_160 : vector<16xi32>
      %add3A_162 = arith.addi %mul3A_161, %iota3A : vector<16xi32>
      tpu.vector_store_idx %arg10[%add3A_162], %broadcast_in_dim3A_1 {add = true} : memref<2080xi32, #tpu.memory_space<vmem>>[vector<16xi32>], vector<16xi32>,
      %scan3A_163 = arith.constant 1 : i32
      %scan3A_164 = arith.addi %scan3A_153, %scan3A_163 : i32
      %mul3A_165 = arith.constant 128 : i32
      %mul3A_166 = arith.muli %scan3A_164, %mul3A_165 : i32
      %add3A_167 = arith.constant 48 : i32
      %add3A_168 = arith.addi %mul3A_166, %add3A_167 : i32
      %get3A_169 = arith.index_cast %add3A_168 : i32 to index
      %get3A_170 = tpu.vector_load %arg7[%get3A_169] {strides = array<i32>} : memref<16384xi32, #tpu.memory_space<vmem>>, vector<16xi32>,
      %mul3A_171 = arith.constant 16 : i32
      %mul3A_172 = vector.broadcast %mul3A_171 : i32 to vector<16xi32>
      %mul3A_173 = arith.muli %get3A_170, %mul3A_172 : vector<16xi32>
      %add3A_174 = arith.addi %mul3A_173, %iota3A : vector<16xi32>
      tpu.vector_store_idx %arg10[%add3A_174], %broadcast_in_dim3A_1 {add = true} : memref<2080xi32, #tpu.memory_space<vmem>>[vector<16xi32>], vector<16xi32>,
      %scan3A_175 = arith.constant 2 : i32
      %scan3A_176 = arith.addi %scan3A_153, %scan3A_175 : i32
      %mul3A_177 = arith.constant 128 : i32
      %mul3A_178 = arith.muli %scan3A_176, %mul3A_177 : i32
      %add3A_179 = arith.constant 48 : i32
      %add3A_180 = arith.addi %mul3A_178, %add3A_179 : i32
      %get3A_181 = arith.index_cast %add3A_180 : i32 to index
      %get3A_182 = tpu.vector_load %arg7[%get3A_181] {strides = array<i32>} : memref<16384xi32, #tpu.memory_space<vmem>>, vector<16xi32>,
      %mul3A_183 = arith.constant 16 : i32
      %mul3A_184 = vector.broadcast %mul3A_183 : i32 to vector<16xi32>
      %mul3A_185 = arith.muli %get3A_182, %mul3A_184 : vector<16xi32>
      %add3A_186 = arith.addi %mul3A_185, %iota3A : vector<16xi32>
      tpu.vector_store_idx %arg10[%add3A_186], %broadcast_in_dim3A_1 {add = true} : memref<2080xi32, #tpu.memory_space<vmem>>[vector<16xi32>], vector<16xi32>,
      %scan3A_187 = arith.constant 3 : i32
      %scan3A_188 = arith.addi %scan3A_153, %scan3A_187 : i32
      %mul3A_189 = arith.constant 128 : i32
      %mul3A_190 = arith.muli %scan3A_188, %mul3A_189 : i32
      %add3A_191 = arith.constant 48 : i32
      %add3A_192 = arith.addi %mul3A_190, %add3A_191 : i32
      %get3A_193 = arith.index_cast %add3A_192 : i32 to index
      %get3A_194 = tpu.vector_load %arg7[%get3A_193] {strides = array<i32>} : memref<16384xi32, #tpu.memory_space<vmem>>, vector<16xi32>,
      %mul3A_195 = arith.constant 16 : i32
      %mul3A_196 = vector.broadcast %mul3A_195 : i32 to vector<16xi32>
      %mul3A_197 = arith.muli %get3A_194, %mul3A_196 : vector<16xi32>
      %add3A_198 = arith.addi %mul3A_197, %iota3A : vector<16xi32>
      tpu.vector_store_idx %arg10[%add3A_198], %broadcast_in_dim3A_1 {add = true} : memref<2080xi32, #tpu.memory_space<vmem>>[vector<16xi32>], vector<16xi32>,
    }
    %scan3A_74 = arith.constant 128 : i32
    %scan3A_75 = arith.constant 0 : i32
    %scan3A_76 = arith.constant 129 : i32
    %scan3A_77 = arith.addi %scan3A_75, %scan3A_76 : i32
    %scan3A_78 = arith.constant 3 : i32
    %scan3A_79 = scf.for %scan3A_153 = %scan3A_75 to %scan3A_77 step %scan3A_78 iter_args(%scan3A_154 = %broadcast_in_dim3A_1) -> (vector<16xi32>)  : i32 {
      %mul3A_155 = arith.constant 16 : i32
      %mul3A_156 = arith.muli %scan3A_153, %mul3A_155 : i32
      %get3A = arith.index_cast %mul3A_156 : i32 to index
      %get3A_157 = tpu.vector_load %arg10[%get3A] {strides = array<i32>} : memref<2080xi32, #tpu.memory_space<vmem>>, vector<16xi32>,
      %mul3A_158 = arith.constant 16 : i32
      %mul3A_159 = arith.muli %scan3A_153, %mul3A_158 : i32
      %swap3A = arith.index_cast %mul3A_159 : i32 to index
      %swap3A_160 = tpu.vector_load %arg10[%swap3A] {strides = array<i32>} : memref<2080xi32, #tpu.memory_space<vmem>>, vector<16xi32>,
      tpu.vector_store %arg10[%swap3A], %broadcast_in_dim3A_3 {strides = array<i32>} : memref<2080xi32, #tpu.memory_space<vmem>>, vector<16xi32>,
      %add3A_161 = arith.addi %scan3A_154, %get3A_157 : vector<16xi32>
      %sub3A = arith.constant 1 : i32
      %sub3A_162 = vector.broadcast %sub3A : i32 to vector<16xi32>
      %sub3A_163 = arith.subi %add3A_161, %sub3A_162 : vector<16xi32>
      %add3A_164 = arith.addi %mul3A_68, %sub3A_163 : vector<16xi32>
      %gather3A = tpu.vector_load_idx %arg6[%add3A_164] : memref<16512xf32, #tpu.memory_space<vmem>>[vector<16xi32>], vector<16xf32>,
      %add3A_165 = arith.constant 1 : i32
      %add3A_166 = vector.broadcast %add3A_165 : i32 to vector<16xi32>
      %add3A_167 = arith.addi %add3A_164, %add3A_166 : vector<16xi32>
      %gather3A_168 = tpu.vector_load_idx %arg6[%add3A_167] : memref<16512xf32, #tpu.memory_space<vmem>>[vector<16xi32>], vector<16xf32>,
      %gather3A_169 = tpu.vector_load_idx %arg8[%add3A_164] : memref<16512xf32, #tpu.memory_space<vmem>>[vector<16xi32>], vector<16xf32>,
      %add3A_170 = arith.constant 1 : i32
      %add3A_171 = vector.broadcast %add3A_170 : i32 to vector<16xi32>
      %add3A_172 = arith.addi %add3A_164, %add3A_171 : vector<16xi32>
      %gather3A_173 = tpu.vector_load_idx %arg8[%add3A_172] : memref<16512xf32, #tpu.memory_space<vmem>>[vector<16xi32>], vector<16xf32>,
      %convert_element_type3A = arith.sitofp %scan3A_153 : i32 to f32
      %mul3A_174 = arith.constant 0.00781249907 : f32
      %mul3A_175 = arith.mulf %convert_element_type3A, %mul3A_174 : f32
      %sub3A_176 = vector.broadcast %mul3A_175 : f32 to vector<16xf32>
      %sub3A_177 = arith.subf %sub3A_176, %gather3A : vector<16xf32>
      %sub3A_178 = arith.subf %gather3A_168, %gather3A : vector<16xf32>
      %div3A = arith.divf %sub3A_177, %sub3A_178 : vector<16xf32>
      %jit3A = arith.constant 0.000000e+00 : f32
      %jit3A_179 = arith.constant 1.000000e+00 : f32
      %max3A = vector.broadcast %jit3A : f32 to vector<16xf32>
      %max3A_180 = arith.maximumf %max3A, %div3A : vector<16xf32>
      %min3A = vector.broadcast %jit3A_179 : f32 to vector<16xf32>
      %min3A_181 = arith.minimumf %min3A, %max3A_180 : vector<16xf32>
      %sub3A_182 = arith.subf %gather3A_173, %gather3A_169 : vector<16xf32>
      %mul3A_183 = arith.mulf %min3A_181, %sub3A_182 : vector<16xf32>
      %add3A_184 = arith.addf %gather3A_169, %mul3A_183 : vector<16xf32>
      %mul3A_185 = arith.constant 128 : i32
      %mul3A_186 = arith.muli %scan3A_153, %mul3A_185 : i32
      %add3A_187 = arith.constant 48 : i32
      %add3A_188 = arith.addi %mul3A_186, %add3A_187 : i32
      %swap3A_189 = arith.index_cast %add3A_188 : i32 to index
      %swap3A_190 = tpu.vector_load %arg9[%swap3A_189] {strides = array<i32>} : memref<16512xf32, #tpu.memory_space<vmem>>, vector<16xf32>,
      tpu.vector_store %arg9[%swap3A_189], %add3A_184 {strides = array<i32>} : memref<16512xf32, #tpu.memory_space<vmem>>, vector<16xf32>,
      %scan3A_191 = arith.constant 1 : i32
      %scan3A_192 = arith.addi %scan3A_153, %scan3A_191 : i32
      %mul3A_193 = arith.constant 16 : i32
      %mul3A_194 = arith.muli %scan3A_192, %mul3A_193 : i32
      %get3A_195 = arith.index_cast %mul3A_194 : i32 to index
      %get3A_196 = tpu.vector_load %arg10[%get3A_195] {strides = array<i32>} : memref<2080xi32, #tpu.memory_space<vmem>>, vector<16xi32>,
      %mul3A_197 = arith.constant 16 : i32
      %mul3A_198 = arith.muli %scan3A_192, %mul3A_197 : i32
      %swap3A_199 = arith.index_cast %mul3A_198 : i32 to index
      %swap3A_200 = tpu.vector_load %arg10[%swap3A_199] {strides = array<i32>} : memref<2080xi32, #tpu.memory_space<vmem>>, vector<16xi32>,
      tpu.vector_store %arg10[%swap3A_199], %broadcast_in_dim3A_3 {strides = array<i32>} : memref<2080xi32, #tpu.memory_space<vmem>>, vector<16xi32>,
      %add3A_201 = arith.addi %add3A_161, %get3A_196 : vector<16xi32>
      %sub3A_202 = arith.constant 1 : i32
      %sub3A_203 = vector.broadcast %sub3A_202 : i32 to vector<16xi32>
      %sub3A_204 = arith.subi %add3A_201, %sub3A_203 : vector<16xi32>
      %add3A_205 = arith.addi %mul3A_68, %sub3A_204 : vector<16xi32>
      %gather3A_206 = tpu.vector_load_idx %arg6[%add3A_205] : memref<16512xf32, #tpu.memory_space<vmem>>[vector<16xi32>], vector<16xf32>,
      %add3A_207 = arith.constant 1 : i32
      %add3A_208 = vector.broadcast %add3A_207 : i32 to vector<16xi32>
      %add3A_209 = arith.addi %add3A_205, %add3A_208 : vector<16xi32>
      %gather3A_210 = tpu.vector_load_idx %arg6[%add3A_209] : memref<16512xf32, #tpu.memory_space<vmem>>[vector<16xi32>], vector<16xf32>,
      %gather3A_211 = tpu.vector_load_idx %arg8[%add3A_205] : memref<16512xf32, #tpu.memory_space<vmem>>[vector<16xi32>], vector<16xf32>,
      %add3A_212 = arith.constant 1 : i32
      %add3A_213 = vector.broadcast %add3A_212 : i32 to vector<16xi32>
      %add3A_214 = arith.addi %add3A_205, %add3A_213 : vector<16xi32>
      %gather3A_215 = tpu.vector_load_idx %arg8[%add3A_214] : memref<16512xf32, #tpu.memory_space<vmem>>[vector<16xi32>], vector<16xf32>,
      %convert_element_type3A_216 = arith.sitofp %scan3A_192 : i32 to f32
      %mul3A_217 = arith.constant 0.00781249907 : f32
      %mul3A_218 = arith.mulf %convert_element_type3A_216, %mul3A_217 : f32
      %sub3A_219 = vector.broadcast %mul3A_218 : f32 to vector<16xf32>
      %sub3A_220 = arith.subf %sub3A_219, %gather3A_206 : vector<16xf32>
      %sub3A_221 = arith.subf %gather3A_210, %gather3A_206 : vector<16xf32>
      %div3A_222 = arith.divf %sub3A_220, %sub3A_221 : vector<16xf32>
      %jit3A_223 = arith.constant 0.000000e+00 : f32
      %jit3A_224 = arith.constant 1.000000e+00 : f32
      %max3A_225 = vector.broadcast %jit3A_223 : f32 to vector<16xf32>
      %max3A_226 = arith.maximumf %max3A_225, %div3A_222 : vector<16xf32>
      %min3A_227 = vector.broadcast %jit3A_224 : f32 to vector<16xf32>
      %min3A_228 = arith.minimumf %min3A_227, %max3A_226 : vector<16xf32>
      %sub3A_229 = arith.subf %gather3A_215, %gather3A_211 : vector<16xf32>
      %mul3A_230 = arith.mulf %min3A_228, %sub3A_229 : vector<16xf32>
      %add3A_231 = arith.addf %gather3A_211, %mul3A_230 : vector<16xf32>
      %mul3A_232 = arith.constant 128 : i32
      %mul3A_233 = arith.muli %scan3A_192, %mul3A_232 : i32
      %add3A_234 = arith.constant 48 : i32
      %add3A_235 = arith.addi %mul3A_233, %add3A_234 : i32
      %swap3A_236 = arith.index_cast %add3A_235 : i32 to index
      %swap3A_237 = tpu.vector_load %arg9[%swap3A_236] {strides = array<i32>} : memref<16512xf32, #tpu.memory_space<vmem>>, vector<16xf32>,
      tpu.vector_store %arg9[%swap3A_236], %add3A_231 {strides = array<i32>} : memref<16512xf32, #tpu.memory_space<vmem>>, vector<16xf32>,
      %scan3A_238 = arith.constant 2 : i32
      %scan3A_239 = arith.addi %scan3A_153, %scan3A_238 : i32
      %mul3A_240 = arith.constant 16 : i32
      %mul3A_241 = arith.muli %scan3A_239, %mul3A_240 : i32
      %get3A_242 = arith.index_cast %mul3A_241 : i32 to index
      %get3A_243 = tpu.vector_load %arg10[%get3A_242] {strides = array<i32>} : memref<2080xi32, #tpu.memory_space<vmem>>, vector<16xi32>,
      %mul3A_244 = arith.constant 16 : i32
      %mul3A_245 = arith.muli %scan3A_239, %mul3A_244 : i32
      %swap3A_246 = arith.index_cast %mul3A_245 : i32 to index
      %swap3A_247 = tpu.vector_load %arg10[%swap3A_246] {strides = array<i32>} : memref<2080xi32, #tpu.memory_space<vmem>>, vector<16xi32>,
      tpu.vector_store %arg10[%swap3A_246], %broadcast_in_dim3A_3 {strides = array<i32>} : memref<2080xi32, #tpu.memory_space<vmem>>, vector<16xi32>,
      %add3A_248 = arith.addi %add3A_201, %get3A_243 : vector<16xi32>
      %sub3A_249 = arith.constant 1 : i32
      %sub3A_250 = vector.broadcast %sub3A_249 : i32 to vector<16xi32>
      %sub3A_251 = arith.subi %add3A_248, %sub3A_250 : vector<16xi32>
      %add3A_252 = arith.addi %mul3A_68, %sub3A_251 : vector<16xi32>
      %gather3A_253 = tpu.vector_load_idx %arg6[%add3A_252] : memref<16512xf32, #tpu.memory_space<vmem>>[vector<16xi32>], vector<16xf32>,
      %add3A_254 = arith.constant 1 : i32
      %add3A_255 = vector.broadcast %add3A_254 : i32 to vector<16xi32>
      %add3A_256 = arith.addi %add3A_252, %add3A_255 : vector<16xi32>
      %gather3A_257 = tpu.vector_load_idx %arg6[%add3A_256] : memref<16512xf32, #tpu.memory_space<vmem>>[vector<16xi32>], vector<16xf32>,
      %gather3A_258 = tpu.vector_load_idx %arg8[%add3A_252] : memref<16512xf32, #tpu.memory_space<vmem>>[vector<16xi32>], vector<16xf32>,
      %add3A_259 = arith.constant 1 : i32
      %add3A_260 = vector.broadcast %add3A_259 : i32 to vector<16xi32>
      %add3A_261 = arith.addi %add3A_252, %add3A_260 : vector<16xi32>
      %gather3A_262 = tpu.vector_load_idx %arg8[%add3A_261] : memref<16512xf32, #tpu.memory_space<vmem>>[vector<16xi32>], vector<16xf32>,
      %convert_element_type3A_263 = arith.sitofp %scan3A_239 : i32 to f32
      %mul3A_264 = arith.constant 0.00781249907 : f32
      %mul3A_265 = arith.mulf %convert_element_type3A_263, %mul3A_264 : f32
      %sub3A_266 = vector.broadcast %mul3A_265 : f32 to vector<16xf32>
      %sub3A_267 = arith.subf %sub3A_266, %gather3A_253 : vector<16xf32>
      %sub3A_268 = arith.subf %gather3A_257, %gather3A_253 : vector<16xf32>
      %div3A_269 = arith.divf %sub3A_267, %sub3A_268 : vector<16xf32>
      %jit3A_270 = arith.constant 0.000000e+00 : f32
      %jit3A_271 = arith.constant 1.000000e+00 : f32
      %max3A_272 = vector.broadcast %jit3A_270 : f32 to vector<16xf32>
      %max3A_273 = arith.maximumf %max3A_272, %div3A_269 : vector<16xf32>
      %min3A_274 = vector.broadcast %jit3A_271 : f32 to vector<16xf32>
      %min3A_275 = arith.minimumf %min3A_274, %max3A_273 : vector<16xf32>
      %sub3A_276 = arith.subf %gather3A_262, %gather3A_258 : vector<16xf32>
      %mul3A_277 = arith.mulf %min3A_275, %sub3A_276 : vector<16xf32>
      %add3A_278 = arith.addf %gather3A_258, %mul3A_277 : vector<16xf32>
      %mul3A_279 = arith.constant 128 : i32
      %mul3A_280 = arith.muli %scan3A_239, %mul3A_279 : i32
      %add3A_281 = arith.constant 48 : i32
      %add3A_282 = arith.addi %mul3A_280, %add3A_281 : i32
      %swap3A_283 = arith.index_cast %add3A_282 : i32 to index
      %swap3A_284 = tpu.vector_load %arg9[%swap3A_283] {strides = array<i32>} : memref<16512xf32, #tpu.memory_space<vmem>>, vector<16xf32>,
      tpu.vector_store %arg9[%swap3A_283], %add3A_278 {strides = array<i32>} : memref<16512xf32, #tpu.memory_space<vmem>>, vector<16xf32>,
      scf.yield %add3A_248 : vector<16xi32>
    }
    %scan3A_80 = arith.constant 129 : i32
    %add3A_81 = arith.constant 64 : i32
    %add3A_82 = vector.broadcast %add3A_81 : i32 to vector<16xi32>
    %add3A_83 = arith.addi %iota3A, %add3A_82 : vector<16xi32>
    %mul3A_84 = arith.constant 129 : i32
    %mul3A_85 = vector.broadcast %mul3A_84 : i32 to vector<16xi32>
    %mul3A_86 = arith.muli %add3A_83, %mul3A_85 : vector<16xi32>
    %scan3A_87 = arith.constant 0 : i32
    %scan3A_88 = arith.constant 0 : i32
    %scan3A_89 = arith.constant 128 : i32
    %scan3A_90 = arith.addi %scan3A_88, %scan3A_89 : i32
    %scan3A_91 = arith.constant 4 : i32
    scf.for %scan3A_153 = %scan3A_88 to %scan3A_90 step %scan3A_91  : i32 {
      %mul3A_154 = arith.constant 128 : i32
      %mul3A_155 = arith.muli %scan3A_153, %mul3A_154 : i32
      %add3A_156 = arith.constant 64 : i32
      %add3A_157 = arith.addi %mul3A_155, %add3A_156 : i32
      %get3A = arith.index_cast %add3A_157 : i32 to index
      %get3A_158 = tpu.vector_load %arg7[%get3A] {strides = array<i32>} : memref<16384xi32, #tpu.memory_space<vmem>>, vector<16xi32>,
      %mul3A_159 = arith.constant 16 : i32
      %mul3A_160 = vector.broadcast %mul3A_159 : i32 to vector<16xi32>
      %mul3A_161 = arith.muli %get3A_158, %mul3A_160 : vector<16xi32>
      %add3A_162 = arith.addi %mul3A_161, %iota3A : vector<16xi32>
      tpu.vector_store_idx %arg10[%add3A_162], %broadcast_in_dim3A_1 {add = true} : memref<2080xi32, #tpu.memory_space<vmem>>[vector<16xi32>], vector<16xi32>,
      %scan3A_163 = arith.constant 1 : i32
      %scan3A_164 = arith.addi %scan3A_153, %scan3A_163 : i32
      %mul3A_165 = arith.constant 128 : i32
      %mul3A_166 = arith.muli %scan3A_164, %mul3A_165 : i32
      %add3A_167 = arith.constant 64 : i32
      %add3A_168 = arith.addi %mul3A_166, %add3A_167 : i32
      %get3A_169 = arith.index_cast %add3A_168 : i32 to index
      %get3A_170 = tpu.vector_load %arg7[%get3A_169] {strides = array<i32>} : memref<16384xi32, #tpu.memory_space<vmem>>, vector<16xi32>,
      %mul3A_171 = arith.constant 16 : i32
      %mul3A_172 = vector.broadcast %mul3A_171 : i32 to vector<16xi32>
      %mul3A_173 = arith.muli %get3A_170, %mul3A_172 : vector<16xi32>
      %add3A_174 = arith.addi %mul3A_173, %iota3A : vector<16xi32>
      tpu.vector_store_idx %arg10[%add3A_174], %broadcast_in_dim3A_1 {add = true} : memref<2080xi32, #tpu.memory_space<vmem>>[vector<16xi32>], vector<16xi32>,
      %scan3A_175 = arith.constant 2 : i32
      %scan3A_176 = arith.addi %scan3A_153, %scan3A_175 : i32
      %mul3A_177 = arith.constant 128 : i32
      %mul3A_178 = arith.muli %scan3A_176, %mul3A_177 : i32
      %add3A_179 = arith.constant 64 : i32
      %add3A_180 = arith.addi %mul3A_178, %add3A_179 : i32
      %get3A_181 = arith.index_cast %add3A_180 : i32 to index
      %get3A_182 = tpu.vector_load %arg7[%get3A_181] {strides = array<i32>} : memref<16384xi32, #tpu.memory_space<vmem>>, vector<16xi32>,
      %mul3A_183 = arith.constant 16 : i32
      %mul3A_184 = vector.broadcast %mul3A_183 : i32 to vector<16xi32>
      %mul3A_185 = arith.muli %get3A_182, %mul3A_184 : vector<16xi32>
      %add3A_186 = arith.addi %mul3A_185, %iota3A : vector<16xi32>
      tpu.vector_store_idx %arg10[%add3A_186], %broadcast_in_dim3A_1 {add = true} : memref<2080xi32, #tpu.memory_space<vmem>>[vector<16xi32>], vector<16xi32>,
      %scan3A_187 = arith.constant 3 : i32
      %scan3A_188 = arith.addi %scan3A_153, %scan3A_187 : i32
      %mul3A_189 = arith.constant 128 : i32
      %mul3A_190 = arith.muli %scan3A_188, %mul3A_189 : i32
      %add3A_191 = arith.constant 64 : i32
      %add3A_192 = arith.addi %mul3A_190, %add3A_191 : i32
      %get3A_193 = arith.index_cast %add3A_192 : i32 to index
      %get3A_194 = tpu.vector_load %arg7[%get3A_193] {strides = array<i32>} : memref<16384xi32, #tpu.memory_space<vmem>>, vector<16xi32>,
      %mul3A_195 = arith.constant 16 : i32
      %mul3A_196 = vector.broadcast %mul3A_195 : i32 to vector<16xi32>
      %mul3A_197 = arith.muli %get3A_194, %mul3A_196 : vector<16xi32>
      %add3A_198 = arith.addi %mul3A_197, %iota3A : vector<16xi32>
      tpu.vector_store_idx %arg10[%add3A_198], %broadcast_in_dim3A_1 {add = true} : memref<2080xi32, #tpu.memory_space<vmem>>[vector<16xi32>], vector<16xi32>,
    }
    %scan3A_92 = arith.constant 128 : i32
    %scan3A_93 = arith.constant 0 : i32
    %scan3A_94 = arith.constant 129 : i32
    %scan3A_95 = arith.addi %scan3A_93, %scan3A_94 : i32
    %scan3A_96 = arith.constant 3 : i32
    %scan3A_97 = scf.for %scan3A_153 = %scan3A_93 to %scan3A_95 step %scan3A_96 iter_args(%scan3A_154 = %broadcast_in_dim3A_1) -> (vector<16xi32>)  : i32 {
      %mul3A_155 = arith.constant 16 : i32
      %mul3A_156 = arith.muli %scan3A_153, %mul3A_155 : i32
      %get3A = arith.index_cast %mul3A_156 : i32 to index
      %get3A_157 = tpu.vector_load %arg10[%get3A] {strides = array<i32>} : memref<2080xi32, #tpu.memory_space<vmem>>, vector<16xi32>,
      %mul3A_158 = arith.constant 16 : i32
      %mul3A_159 = arith.muli %scan3A_153, %mul3A_158 : i32
      %swap3A = arith.index_cast %mul3A_159 : i32 to index
      %swap3A_160 = tpu.vector_load %arg10[%swap3A] {strides = array<i32>} : memref<2080xi32, #tpu.memory_space<vmem>>, vector<16xi32>,
      tpu.vector_store %arg10[%swap3A], %broadcast_in_dim3A_3 {strides = array<i32>} : memref<2080xi32, #tpu.memory_space<vmem>>, vector<16xi32>,
      %add3A_161 = arith.addi %scan3A_154, %get3A_157 : vector<16xi32>
      %sub3A = arith.constant 1 : i32
      %sub3A_162 = vector.broadcast %sub3A : i32 to vector<16xi32>
      %sub3A_163 = arith.subi %add3A_161, %sub3A_162 : vector<16xi32>
      %add3A_164 = arith.addi %mul3A_86, %sub3A_163 : vector<16xi32>
      %gather3A = tpu.vector_load_idx %arg6[%add3A_164] : memref<16512xf32, #tpu.memory_space<vmem>>[vector<16xi32>], vector<16xf32>,
      %add3A_165 = arith.constant 1 : i32
      %add3A_166 = vector.broadcast %add3A_165 : i32 to vector<16xi32>
      %add3A_167 = arith.addi %add3A_164, %add3A_166 : vector<16xi32>
      %gather3A_168 = tpu.vector_load_idx %arg6[%add3A_167] : memref<16512xf32, #tpu.memory_space<vmem>>[vector<16xi32>], vector<16xf32>,
      %gather3A_169 = tpu.vector_load_idx %arg8[%add3A_164] : memref<16512xf32, #tpu.memory_space<vmem>>[vector<16xi32>], vector<16xf32>,
      %add3A_170 = arith.constant 1 : i32
      %add3A_171 = vector.broadcast %add3A_170 : i32 to vector<16xi32>
      %add3A_172 = arith.addi %add3A_164, %add3A_171 : vector<16xi32>
      %gather3A_173 = tpu.vector_load_idx %arg8[%add3A_172] : memref<16512xf32, #tpu.memory_space<vmem>>[vector<16xi32>], vector<16xf32>,
      %convert_element_type3A = arith.sitofp %scan3A_153 : i32 to f32
      %mul3A_174 = arith.constant 0.00781249907 : f32
      %mul3A_175 = arith.mulf %convert_element_type3A, %mul3A_174 : f32
      %sub3A_176 = vector.broadcast %mul3A_175 : f32 to vector<16xf32>
      %sub3A_177 = arith.subf %sub3A_176, %gather3A : vector<16xf32>
      %sub3A_178 = arith.subf %gather3A_168, %gather3A : vector<16xf32>
      %div3A = arith.divf %sub3A_177, %sub3A_178 : vector<16xf32>
      %jit3A = arith.constant 0.000000e+00 : f32
      %jit3A_179 = arith.constant 1.000000e+00 : f32
      %max3A = vector.broadcast %jit3A : f32 to vector<16xf32>
      %max3A_180 = arith.maximumf %max3A, %div3A : vector<16xf32>
      %min3A = vector.broadcast %jit3A_179 : f32 to vector<16xf32>
      %min3A_181 = arith.minimumf %min3A, %max3A_180 : vector<16xf32>
      %sub3A_182 = arith.subf %gather3A_173, %gather3A_169 : vector<16xf32>
      %mul3A_183 = arith.mulf %min3A_181, %sub3A_182 : vector<16xf32>
      %add3A_184 = arith.addf %gather3A_169, %mul3A_183 : vector<16xf32>
      %mul3A_185 = arith.constant 128 : i32
      %mul3A_186 = arith.muli %scan3A_153, %mul3A_185 : i32
      %add3A_187 = arith.constant 64 : i32
      %add3A_188 = arith.addi %mul3A_186, %add3A_187 : i32
      %swap3A_189 = arith.index_cast %add3A_188 : i32 to index
      %swap3A_190 = tpu.vector_load %arg9[%swap3A_189] {strides = array<i32>} : memref<16512xf32, #tpu.memory_space<vmem>>, vector<16xf32>,
      tpu.vector_store %arg9[%swap3A_189], %add3A_184 {strides = array<i32>} : memref<16512xf32, #tpu.memory_space<vmem>>, vector<16xf32>,
      %scan3A_191 = arith.constant 1 : i32
      %scan3A_192 = arith.addi %scan3A_153, %scan3A_191 : i32
      %mul3A_193 = arith.constant 16 : i32
      %mul3A_194 = arith.muli %scan3A_192, %mul3A_193 : i32
      %get3A_195 = arith.index_cast %mul3A_194 : i32 to index
      %get3A_196 = tpu.vector_load %arg10[%get3A_195] {strides = array<i32>} : memref<2080xi32, #tpu.memory_space<vmem>>, vector<16xi32>,
      %mul3A_197 = arith.constant 16 : i32
      %mul3A_198 = arith.muli %scan3A_192, %mul3A_197 : i32
      %swap3A_199 = arith.index_cast %mul3A_198 : i32 to index
      %swap3A_200 = tpu.vector_load %arg10[%swap3A_199] {strides = array<i32>} : memref<2080xi32, #tpu.memory_space<vmem>>, vector<16xi32>,
      tpu.vector_store %arg10[%swap3A_199], %broadcast_in_dim3A_3 {strides = array<i32>} : memref<2080xi32, #tpu.memory_space<vmem>>, vector<16xi32>,
      %add3A_201 = arith.addi %add3A_161, %get3A_196 : vector<16xi32>
      %sub3A_202 = arith.constant 1 : i32
      %sub3A_203 = vector.broadcast %sub3A_202 : i32 to vector<16xi32>
      %sub3A_204 = arith.subi %add3A_201, %sub3A_203 : vector<16xi32>
      %add3A_205 = arith.addi %mul3A_86, %sub3A_204 : vector<16xi32>
      %gather3A_206 = tpu.vector_load_idx %arg6[%add3A_205] : memref<16512xf32, #tpu.memory_space<vmem>>[vector<16xi32>], vector<16xf32>,
      %add3A_207 = arith.constant 1 : i32
      %add3A_208 = vector.broadcast %add3A_207 : i32 to vector<16xi32>
      %add3A_209 = arith.addi %add3A_205, %add3A_208 : vector<16xi32>
      %gather3A_210 = tpu.vector_load_idx %arg6[%add3A_209] : memref<16512xf32, #tpu.memory_space<vmem>>[vector<16xi32>], vector<16xf32>,
      %gather3A_211 = tpu.vector_load_idx %arg8[%add3A_205] : memref<16512xf32, #tpu.memory_space<vmem>>[vector<16xi32>], vector<16xf32>,
      %add3A_212 = arith.constant 1 : i32
      %add3A_213 = vector.broadcast %add3A_212 : i32 to vector<16xi32>
      %add3A_214 = arith.addi %add3A_205, %add3A_213 : vector<16xi32>
      %gather3A_215 = tpu.vector_load_idx %arg8[%add3A_214] : memref<16512xf32, #tpu.memory_space<vmem>>[vector<16xi32>], vector<16xf32>,
      %convert_element_type3A_216 = arith.sitofp %scan3A_192 : i32 to f32
      %mul3A_217 = arith.constant 0.00781249907 : f32
      %mul3A_218 = arith.mulf %convert_element_type3A_216, %mul3A_217 : f32
      %sub3A_219 = vector.broadcast %mul3A_218 : f32 to vector<16xf32>
      %sub3A_220 = arith.subf %sub3A_219, %gather3A_206 : vector<16xf32>
      %sub3A_221 = arith.subf %gather3A_210, %gather3A_206 : vector<16xf32>
      %div3A_222 = arith.divf %sub3A_220, %sub3A_221 : vector<16xf32>
      %jit3A_223 = arith.constant 0.000000e+00 : f32
      %jit3A_224 = arith.constant 1.000000e+00 : f32
      %max3A_225 = vector.broadcast %jit3A_223 : f32 to vector<16xf32>
      %max3A_226 = arith.maximumf %max3A_225, %div3A_222 : vector<16xf32>
      %min3A_227 = vector.broadcast %jit3A_224 : f32 to vector<16xf32>
      %min3A_228 = arith.minimumf %min3A_227, %max3A_226 : vector<16xf32>
      %sub3A_229 = arith.subf %gather3A_215, %gather3A_211 : vector<16xf32>
      %mul3A_230 = arith.mulf %min3A_228, %sub3A_229 : vector<16xf32>
      %add3A_231 = arith.addf %gather3A_211, %mul3A_230 : vector<16xf32>
      %mul3A_232 = arith.constant 128 : i32
      %mul3A_233 = arith.muli %scan3A_192, %mul3A_232 : i32
      %add3A_234 = arith.constant 64 : i32
      %add3A_235 = arith.addi %mul3A_233, %add3A_234 : i32
      %swap3A_236 = arith.index_cast %add3A_235 : i32 to index
      %swap3A_237 = tpu.vector_load %arg9[%swap3A_236] {strides = array<i32>} : memref<16512xf32, #tpu.memory_space<vmem>>, vector<16xf32>,
      tpu.vector_store %arg9[%swap3A_236], %add3A_231 {strides = array<i32>} : memref<16512xf32, #tpu.memory_space<vmem>>, vector<16xf32>,
      %scan3A_238 = arith.constant 2 : i32
      %scan3A_239 = arith.addi %scan3A_153, %scan3A_238 : i32
      %mul3A_240 = arith.constant 16 : i32
      %mul3A_241 = arith.muli %scan3A_239, %mul3A_240 : i32
      %get3A_242 = arith.index_cast %mul3A_241 : i32 to index
      %get3A_243 = tpu.vector_load %arg10[%get3A_242] {strides = array<i32>} : memref<2080xi32, #tpu.memory_space<vmem>>, vector<16xi32>,
      %mul3A_244 = arith.constant 16 : i32
      %mul3A_245 = arith.muli %scan3A_239, %mul3A_244 : i32
      %swap3A_246 = arith.index_cast %mul3A_245 : i32 to index
      %swap3A_247 = tpu.vector_load %arg10[%swap3A_246] {strides = array<i32>} : memref<2080xi32, #tpu.memory_space<vmem>>, vector<16xi32>,
      tpu.vector_store %arg10[%swap3A_246], %broadcast_in_dim3A_3 {strides = array<i32>} : memref<2080xi32, #tpu.memory_space<vmem>>, vector<16xi32>,
      %add3A_248 = arith.addi %add3A_201, %get3A_243 : vector<16xi32>
      %sub3A_249 = arith.constant 1 : i32
      %sub3A_250 = vector.broadcast %sub3A_249 : i32 to vector<16xi32>
      %sub3A_251 = arith.subi %add3A_248, %sub3A_250 : vector<16xi32>
      %add3A_252 = arith.addi %mul3A_86, %sub3A_251 : vector<16xi32>
      %gather3A_253 = tpu.vector_load_idx %arg6[%add3A_252] : memref<16512xf32, #tpu.memory_space<vmem>>[vector<16xi32>], vector<16xf32>,
      %add3A_254 = arith.constant 1 : i32
      %add3A_255 = vector.broadcast %add3A_254 : i32 to vector<16xi32>
      %add3A_256 = arith.addi %add3A_252, %add3A_255 : vector<16xi32>
      %gather3A_257 = tpu.vector_load_idx %arg6[%add3A_256] : memref<16512xf32, #tpu.memory_space<vmem>>[vector<16xi32>], vector<16xf32>,
      %gather3A_258 = tpu.vector_load_idx %arg8[%add3A_252] : memref<16512xf32, #tpu.memory_space<vmem>>[vector<16xi32>], vector<16xf32>,
      %add3A_259 = arith.constant 1 : i32
      %add3A_260 = vector.broadcast %add3A_259 : i32 to vector<16xi32>
      %add3A_261 = arith.addi %add3A_252, %add3A_260 : vector<16xi32>
      %gather3A_262 = tpu.vector_load_idx %arg8[%add3A_261] : memref<16512xf32, #tpu.memory_space<vmem>>[vector<16xi32>], vector<16xf32>,
      %convert_element_type3A_263 = arith.sitofp %scan3A_239 : i32 to f32
      %mul3A_264 = arith.constant 0.00781249907 : f32
      %mul3A_265 = arith.mulf %convert_element_type3A_263, %mul3A_264 : f32
      %sub3A_266 = vector.broadcast %mul3A_265 : f32 to vector<16xf32>
      %sub3A_267 = arith.subf %sub3A_266, %gather3A_253 : vector<16xf32>
      %sub3A_268 = arith.subf %gather3A_257, %gather3A_253 : vector<16xf32>
      %div3A_269 = arith.divf %sub3A_267, %sub3A_268 : vector<16xf32>
      %jit3A_270 = arith.constant 0.000000e+00 : f32
      %jit3A_271 = arith.constant 1.000000e+00 : f32
      %max3A_272 = vector.broadcast %jit3A_270 : f32 to vector<16xf32>
      %max3A_273 = arith.maximumf %max3A_272, %div3A_269 : vector<16xf32>
      %min3A_274 = vector.broadcast %jit3A_271 : f32 to vector<16xf32>
      %min3A_275 = arith.minimumf %min3A_274, %max3A_273 : vector<16xf32>
      %sub3A_276 = arith.subf %gather3A_262, %gather3A_258 : vector<16xf32>
      %mul3A_277 = arith.mulf %min3A_275, %sub3A_276 : vector<16xf32>
      %add3A_278 = arith.addf %gather3A_258, %mul3A_277 : vector<16xf32>
      %mul3A_279 = arith.constant 128 : i32
      %mul3A_280 = arith.muli %scan3A_239, %mul3A_279 : i32
      %add3A_281 = arith.constant 64 : i32
      %add3A_282 = arith.addi %mul3A_280, %add3A_281 : i32
      %swap3A_283 = arith.index_cast %add3A_282 : i32 to index
      %swap3A_284 = tpu.vector_load %arg9[%swap3A_283] {strides = array<i32>} : memref<16512xf32, #tpu.memory_space<vmem>>, vector<16xf32>,
      tpu.vector_store %arg9[%swap3A_283], %add3A_278 {strides = array<i32>} : memref<16512xf32, #tpu.memory_space<vmem>>, vector<16xf32>,
      scf.yield %add3A_248 : vector<16xi32>
    }
    %scan3A_98 = arith.constant 129 : i32
    %add3A_99 = arith.constant 80 : i32
    %add3A_100 = vector.broadcast %add3A_99 : i32 to vector<16xi32>
    %add3A_101 = arith.addi %iota3A, %add3A_100 : vector<16xi32>
    %mul3A_102 = arith.constant 129 : i32
    %mul3A_103 = vector.broadcast %mul3A_102 : i32 to vector<16xi32>
    %mul3A_104 = arith.muli %add3A_101, %mul3A_103 : vector<16xi32>
    %scan3A_105 = arith.constant 0 : i32
    %scan3A_106 = arith.constant 0 : i32
    %scan3A_107 = arith.constant 128 : i32
    %scan3A_108 = arith.addi %scan3A_106, %scan3A_107 : i32
    %scan3A_109 = arith.constant 4 : i32
    scf.for %scan3A_153 = %scan3A_106 to %scan3A_108 step %scan3A_109  : i32 {
      %mul3A_154 = arith.constant 128 : i32
      %mul3A_155 = arith.muli %scan3A_153, %mul3A_154 : i32
      %add3A_156 = arith.constant 80 : i32
      %add3A_157 = arith.addi %mul3A_155, %add3A_156 : i32
      %get3A = arith.index_cast %add3A_157 : i32 to index
      %get3A_158 = tpu.vector_load %arg7[%get3A] {strides = array<i32>} : memref<16384xi32, #tpu.memory_space<vmem>>, vector<16xi32>,
      %mul3A_159 = arith.constant 16 : i32
      %mul3A_160 = vector.broadcast %mul3A_159 : i32 to vector<16xi32>
      %mul3A_161 = arith.muli %get3A_158, %mul3A_160 : vector<16xi32>
      %add3A_162 = arith.addi %mul3A_161, %iota3A : vector<16xi32>
      tpu.vector_store_idx %arg10[%add3A_162], %broadcast_in_dim3A_1 {add = true} : memref<2080xi32, #tpu.memory_space<vmem>>[vector<16xi32>], vector<16xi32>,
      %scan3A_163 = arith.constant 1 : i32
      %scan3A_164 = arith.addi %scan3A_153, %scan3A_163 : i32
      %mul3A_165 = arith.constant 128 : i32
      %mul3A_166 = arith.muli %scan3A_164, %mul3A_165 : i32
      %add3A_167 = arith.constant 80 : i32
      %add3A_168 = arith.addi %mul3A_166, %add3A_167 : i32
      %get3A_169 = arith.index_cast %add3A_168 : i32 to index
      %get3A_170 = tpu.vector_load %arg7[%get3A_169] {strides = array<i32>} : memref<16384xi32, #tpu.memory_space<vmem>>, vector<16xi32>,
      %mul3A_171 = arith.constant 16 : i32
      %mul3A_172 = vector.broadcast %mul3A_171 : i32 to vector<16xi32>
      %mul3A_173 = arith.muli %get3A_170, %mul3A_172 : vector<16xi32>
      %add3A_174 = arith.addi %mul3A_173, %iota3A : vector<16xi32>
      tpu.vector_store_idx %arg10[%add3A_174], %broadcast_in_dim3A_1 {add = true} : memref<2080xi32, #tpu.memory_space<vmem>>[vector<16xi32>], vector<16xi32>,
      %scan3A_175 = arith.constant 2 : i32
      %scan3A_176 = arith.addi %scan3A_153, %scan3A_175 : i32
      %mul3A_177 = arith.constant 128 : i32
      %mul3A_178 = arith.muli %scan3A_176, %mul3A_177 : i32
      %add3A_179 = arith.constant 80 : i32
      %add3A_180 = arith.addi %mul3A_178, %add3A_179 : i32
      %get3A_181 = arith.index_cast %add3A_180 : i32 to index
      %get3A_182 = tpu.vector_load %arg7[%get3A_181] {strides = array<i32>} : memref<16384xi32, #tpu.memory_space<vmem>>, vector<16xi32>,
      %mul3A_183 = arith.constant 16 : i32
      %mul3A_184 = vector.broadcast %mul3A_183 : i32 to vector<16xi32>
      %mul3A_185 = arith.muli %get3A_182, %mul3A_184 : vector<16xi32>
      %add3A_186 = arith.addi %mul3A_185, %iota3A : vector<16xi32>
      tpu.vector_store_idx %arg10[%add3A_186], %broadcast_in_dim3A_1 {add = true} : memref<2080xi32, #tpu.memory_space<vmem>>[vector<16xi32>], vector<16xi32>,
      %scan3A_187 = arith.constant 3 : i32
      %scan3A_188 = arith.addi %scan3A_153, %scan3A_187 : i32
      %mul3A_189 = arith.constant 128 : i32
      %mul3A_190 = arith.muli %scan3A_188, %mul3A_189 : i32
      %add3A_191 = arith.constant 80 : i32
      %add3A_192 = arith.addi %mul3A_190, %add3A_191 : i32
      %get3A_193 = arith.index_cast %add3A_192 : i32 to index
      %get3A_194 = tpu.vector_load %arg7[%get3A_193] {strides = array<i32>} : memref<16384xi32, #tpu.memory_space<vmem>>, vector<16xi32>,
      %mul3A_195 = arith.constant 16 : i32
      %mul3A_196 = vector.broadcast %mul3A_195 : i32 to vector<16xi32>
      %mul3A_197 = arith.muli %get3A_194, %mul3A_196 : vector<16xi32>
      %add3A_198 = arith.addi %mul3A_197, %iota3A : vector<16xi32>
      tpu.vector_store_idx %arg10[%add3A_198], %broadcast_in_dim3A_1 {add = true} : memref<2080xi32, #tpu.memory_space<vmem>>[vector<16xi32>], vector<16xi32>,
    }
    %scan3A_110 = arith.constant 128 : i32
    %scan3A_111 = arith.constant 0 : i32
    %scan3A_112 = arith.constant 129 : i32
    %scan3A_113 = arith.addi %scan3A_111, %scan3A_112 : i32
    %scan3A_114 = arith.constant 3 : i32
    %scan3A_115 = scf.for %scan3A_153 = %scan3A_111 to %scan3A_113 step %scan3A_114 iter_args(%scan3A_154 = %broadcast_in_dim3A_1) -> (vector<16xi32>)  : i32 {
      %mul3A_155 = arith.constant 16 : i32
      %mul3A_156 = arith.muli %scan3A_153, %mul3A_155 : i32
      %get3A = arith.index_cast %mul3A_156 : i32 to index
      %get3A_157 = tpu.vector_load %arg10[%get3A] {strides = array<i32>} : memref<2080xi32, #tpu.memory_space<vmem>>, vector<16xi32>,
      %mul3A_158 = arith.constant 16 : i32
      %mul3A_159 = arith.muli %scan3A_153, %mul3A_158 : i32
      %swap3A = arith.index_cast %mul3A_159 : i32 to index
      %swap3A_160 = tpu.vector_load %arg10[%swap3A] {strides = array<i32>} : memref<2080xi32, #tpu.memory_space<vmem>>, vector<16xi32>,
      tpu.vector_store %arg10[%swap3A], %broadcast_in_dim3A_3 {strides = array<i32>} : memref<2080xi32, #tpu.memory_space<vmem>>, vector<16xi32>,
      %add3A_161 = arith.addi %scan3A_154, %get3A_157 : vector<16xi32>
      %sub3A = arith.constant 1 : i32
      %sub3A_162 = vector.broadcast %sub3A : i32 to vector<16xi32>
      %sub3A_163 = arith.subi %add3A_161, %sub3A_162 : vector<16xi32>
      %add3A_164 = arith.addi %mul3A_104, %sub3A_163 : vector<16xi32>
      %gather3A = tpu.vector_load_idx %arg6[%add3A_164] : memref<16512xf32, #tpu.memory_space<vmem>>[vector<16xi32>], vector<16xf32>,
      %add3A_165 = arith.constant 1 : i32
      %add3A_166 = vector.broadcast %add3A_165 : i32 to vector<16xi32>
      %add3A_167 = arith.addi %add3A_164, %add3A_166 : vector<16xi32>
      %gather3A_168 = tpu.vector_load_idx %arg6[%add3A_167] : memref<16512xf32, #tpu.memory_space<vmem>>[vector<16xi32>], vector<16xf32>,
      %gather3A_169 = tpu.vector_load_idx %arg8[%add3A_164] : memref<16512xf32, #tpu.memory_space<vmem>>[vector<16xi32>], vector<16xf32>,
      %add3A_170 = arith.constant 1 : i32
      %add3A_171 = vector.broadcast %add3A_170 : i32 to vector<16xi32>
      %add3A_172 = arith.addi %add3A_164, %add3A_171 : vector<16xi32>
      %gather3A_173 = tpu.vector_load_idx %arg8[%add3A_172] : memref<16512xf32, #tpu.memory_space<vmem>>[vector<16xi32>], vector<16xf32>,
      %convert_element_type3A = arith.sitofp %scan3A_153 : i32 to f32
      %mul3A_174 = arith.constant 0.00781249907 : f32
      %mul3A_175 = arith.mulf %convert_element_type3A, %mul3A_174 : f32
      %sub3A_176 = vector.broadcast %mul3A_175 : f32 to vector<16xf32>
      %sub3A_177 = arith.subf %sub3A_176, %gather3A : vector<16xf32>
      %sub3A_178 = arith.subf %gather3A_168, %gather3A : vector<16xf32>
      %div3A = arith.divf %sub3A_177, %sub3A_178 : vector<16xf32>
      %jit3A = arith.constant 0.000000e+00 : f32
      %jit3A_179 = arith.constant 1.000000e+00 : f32
      %max3A = vector.broadcast %jit3A : f32 to vector<16xf32>
      %max3A_180 = arith.maximumf %max3A, %div3A : vector<16xf32>
      %min3A = vector.broadcast %jit3A_179 : f32 to vector<16xf32>
      %min3A_181 = arith.minimumf %min3A, %max3A_180 : vector<16xf32>
      %sub3A_182 = arith.subf %gather3A_173, %gather3A_169 : vector<16xf32>
      %mul3A_183 = arith.mulf %min3A_181, %sub3A_182 : vector<16xf32>
      %add3A_184 = arith.addf %gather3A_169, %mul3A_183 : vector<16xf32>
      %mul3A_185 = arith.constant 128 : i32
      %mul3A_186 = arith.muli %scan3A_153, %mul3A_185 : i32
      %add3A_187 = arith.constant 80 : i32
      %add3A_188 = arith.addi %mul3A_186, %add3A_187 : i32
      %swap3A_189 = arith.index_cast %add3A_188 : i32 to index
      %swap3A_190 = tpu.vector_load %arg9[%swap3A_189] {strides = array<i32>} : memref<16512xf32, #tpu.memory_space<vmem>>, vector<16xf32>,
      tpu.vector_store %arg9[%swap3A_189], %add3A_184 {strides = array<i32>} : memref<16512xf32, #tpu.memory_space<vmem>>, vector<16xf32>,
      %scan3A_191 = arith.constant 1 : i32
      %scan3A_192 = arith.addi %scan3A_153, %scan3A_191 : i32
      %mul3A_193 = arith.constant 16 : i32
      %mul3A_194 = arith.muli %scan3A_192, %mul3A_193 : i32
      %get3A_195 = arith.index_cast %mul3A_194 : i32 to index
      %get3A_196 = tpu.vector_load %arg10[%get3A_195] {strides = array<i32>} : memref<2080xi32, #tpu.memory_space<vmem>>, vector<16xi32>,
      %mul3A_197 = arith.constant 16 : i32
      %mul3A_198 = arith.muli %scan3A_192, %mul3A_197 : i32
      %swap3A_199 = arith.index_cast %mul3A_198 : i32 to index
      %swap3A_200 = tpu.vector_load %arg10[%swap3A_199] {strides = array<i32>} : memref<2080xi32, #tpu.memory_space<vmem>>, vector<16xi32>,
      tpu.vector_store %arg10[%swap3A_199], %broadcast_in_dim3A_3 {strides = array<i32>} : memref<2080xi32, #tpu.memory_space<vmem>>, vector<16xi32>,
      %add3A_201 = arith.addi %add3A_161, %get3A_196 : vector<16xi32>
      %sub3A_202 = arith.constant 1 : i32
      %sub3A_203 = vector.broadcast %sub3A_202 : i32 to vector<16xi32>
      %sub3A_204 = arith.subi %add3A_201, %sub3A_203 : vector<16xi32>
      %add3A_205 = arith.addi %mul3A_104, %sub3A_204 : vector<16xi32>
      %gather3A_206 = tpu.vector_load_idx %arg6[%add3A_205] : memref<16512xf32, #tpu.memory_space<vmem>>[vector<16xi32>], vector<16xf32>,
      %add3A_207 = arith.constant 1 : i32
      %add3A_208 = vector.broadcast %add3A_207 : i32 to vector<16xi32>
      %add3A_209 = arith.addi %add3A_205, %add3A_208 : vector<16xi32>
      %gather3A_210 = tpu.vector_load_idx %arg6[%add3A_209] : memref<16512xf32, #tpu.memory_space<vmem>>[vector<16xi32>], vector<16xf32>,
      %gather3A_211 = tpu.vector_load_idx %arg8[%add3A_205] : memref<16512xf32, #tpu.memory_space<vmem>>[vector<16xi32>], vector<16xf32>,
      %add3A_212 = arith.constant 1 : i32
      %add3A_213 = vector.broadcast %add3A_212 : i32 to vector<16xi32>
      %add3A_214 = arith.addi %add3A_205, %add3A_213 : vector<16xi32>
      %gather3A_215 = tpu.vector_load_idx %arg8[%add3A_214] : memref<16512xf32, #tpu.memory_space<vmem>>[vector<16xi32>], vector<16xf32>,
      %convert_element_type3A_216 = arith.sitofp %scan3A_192 : i32 to f32
      %mul3A_217 = arith.constant 0.00781249907 : f32
      %mul3A_218 = arith.mulf %convert_element_type3A_216, %mul3A_217 : f32
      %sub3A_219 = vector.broadcast %mul3A_218 : f32 to vector<16xf32>
      %sub3A_220 = arith.subf %sub3A_219, %gather3A_206 : vector<16xf32>
      %sub3A_221 = arith.subf %gather3A_210, %gather3A_206 : vector<16xf32>
      %div3A_222 = arith.divf %sub3A_220, %sub3A_221 : vector<16xf32>
      %jit3A_223 = arith.constant 0.000000e+00 : f32
      %jit3A_224 = arith.constant 1.000000e+00 : f32
      %max3A_225 = vector.broadcast %jit3A_223 : f32 to vector<16xf32>
      %max3A_226 = arith.maximumf %max3A_225, %div3A_222 : vector<16xf32>
      %min3A_227 = vector.broadcast %jit3A_224 : f32 to vector<16xf32>
      %min3A_228 = arith.minimumf %min3A_227, %max3A_226 : vector<16xf32>
      %sub3A_229 = arith.subf %gather3A_215, %gather3A_211 : vector<16xf32>
      %mul3A_230 = arith.mulf %min3A_228, %sub3A_229 : vector<16xf32>
      %add3A_231 = arith.addf %gather3A_211, %mul3A_230 : vector<16xf32>
      %mul3A_232 = arith.constant 128 : i32
      %mul3A_233 = arith.muli %scan3A_192, %mul3A_232 : i32
      %add3A_234 = arith.constant 80 : i32
      %add3A_235 = arith.addi %mul3A_233, %add3A_234 : i32
      %swap3A_236 = arith.index_cast %add3A_235 : i32 to index
      %swap3A_237 = tpu.vector_load %arg9[%swap3A_236] {strides = array<i32>} : memref<16512xf32, #tpu.memory_space<vmem>>, vector<16xf32>,
      tpu.vector_store %arg9[%swap3A_236], %add3A_231 {strides = array<i32>} : memref<16512xf32, #tpu.memory_space<vmem>>, vector<16xf32>,
      %scan3A_238 = arith.constant 2 : i32
      %scan3A_239 = arith.addi %scan3A_153, %scan3A_238 : i32
      %mul3A_240 = arith.constant 16 : i32
      %mul3A_241 = arith.muli %scan3A_239, %mul3A_240 : i32
      %get3A_242 = arith.index_cast %mul3A_241 : i32 to index
      %get3A_243 = tpu.vector_load %arg10[%get3A_242] {strides = array<i32>} : memref<2080xi32, #tpu.memory_space<vmem>>, vector<16xi32>,
      %mul3A_244 = arith.constant 16 : i32
      %mul3A_245 = arith.muli %scan3A_239, %mul3A_244 : i32
      %swap3A_246 = arith.index_cast %mul3A_245 : i32 to index
      %swap3A_247 = tpu.vector_load %arg10[%swap3A_246] {strides = array<i32>} : memref<2080xi32, #tpu.memory_space<vmem>>, vector<16xi32>,
      tpu.vector_store %arg10[%swap3A_246], %broadcast_in_dim3A_3 {strides = array<i32>} : memref<2080xi32, #tpu.memory_space<vmem>>, vector<16xi32>,
      %add3A_248 = arith.addi %add3A_201, %get3A_243 : vector<16xi32>
      %sub3A_249 = arith.constant 1 : i32
      %sub3A_250 = vector.broadcast %sub3A_249 : i32 to vector<16xi32>
      %sub3A_251 = arith.subi %add3A_248, %sub3A_250 : vector<16xi32>
      %add3A_252 = arith.addi %mul3A_104, %sub3A_251 : vector<16xi32>
      %gather3A_253 = tpu.vector_load_idx %arg6[%add3A_252] : memref<16512xf32, #tpu.memory_space<vmem>>[vector<16xi32>], vector<16xf32>,
      %add3A_254 = arith.constant 1 : i32
      %add3A_255 = vector.broadcast %add3A_254 : i32 to vector<16xi32>
      %add3A_256 = arith.addi %add3A_252, %add3A_255 : vector<16xi32>
      %gather3A_257 = tpu.vector_load_idx %arg6[%add3A_256] : memref<16512xf32, #tpu.memory_space<vmem>>[vector<16xi32>], vector<16xf32>,
      %gather3A_258 = tpu.vector_load_idx %arg8[%add3A_252] : memref<16512xf32, #tpu.memory_space<vmem>>[vector<16xi32>], vector<16xf32>,
      %add3A_259 = arith.constant 1 : i32
      %add3A_260 = vector.broadcast %add3A_259 : i32 to vector<16xi32>
      %add3A_261 = arith.addi %add3A_252, %add3A_260 : vector<16xi32>
      %gather3A_262 = tpu.vector_load_idx %arg8[%add3A_261] : memref<16512xf32, #tpu.memory_space<vmem>>[vector<16xi32>], vector<16xf32>,
      %convert_element_type3A_263 = arith.sitofp %scan3A_239 : i32 to f32
      %mul3A_264 = arith.constant 0.00781249907 : f32
      %mul3A_265 = arith.mulf %convert_element_type3A_263, %mul3A_264 : f32
      %sub3A_266 = vector.broadcast %mul3A_265 : f32 to vector<16xf32>
      %sub3A_267 = arith.subf %sub3A_266, %gather3A_253 : vector<16xf32>
      %sub3A_268 = arith.subf %gather3A_257, %gather3A_253 : vector<16xf32>
      %div3A_269 = arith.divf %sub3A_267, %sub3A_268 : vector<16xf32>
      %jit3A_270 = arith.constant 0.000000e+00 : f32
      %jit3A_271 = arith.constant 1.000000e+00 : f32
      %max3A_272 = vector.broadcast %jit3A_270 : f32 to vector<16xf32>
      %max3A_273 = arith.maximumf %max3A_272, %div3A_269 : vector<16xf32>
      %min3A_274 = vector.broadcast %jit3A_271 : f32 to vector<16xf32>
      %min3A_275 = arith.minimumf %min3A_274, %max3A_273 : vector<16xf32>
      %sub3A_276 = arith.subf %gather3A_262, %gather3A_258 : vector<16xf32>
      %mul3A_277 = arith.mulf %min3A_275, %sub3A_276 : vector<16xf32>
      %add3A_278 = arith.addf %gather3A_258, %mul3A_277 : vector<16xf32>
      %mul3A_279 = arith.constant 128 : i32
      %mul3A_280 = arith.muli %scan3A_239, %mul3A_279 : i32
      %add3A_281 = arith.constant 80 : i32
      %add3A_282 = arith.addi %mul3A_280, %add3A_281 : i32
      %swap3A_283 = arith.index_cast %add3A_282 : i32 to index
      %swap3A_284 = tpu.vector_load %arg9[%swap3A_283] {strides = array<i32>} : memref<16512xf32, #tpu.memory_space<vmem>>, vector<16xf32>,
      tpu.vector_store %arg9[%swap3A_283], %add3A_278 {strides = array<i32>} : memref<16512xf32, #tpu.memory_space<vmem>>, vector<16xf32>,
      scf.yield %add3A_248 : vector<16xi32>
    }
    %scan3A_116 = arith.constant 129 : i32
    %add3A_117 = arith.constant 96 : i32
    %add3A_118 = vector.broadcast %add3A_117 : i32 to vector<16xi32>
    %add3A_119 = arith.addi %iota3A, %add3A_118 : vector<16xi32>
    %mul3A_120 = arith.constant 129 : i32
    %mul3A_121 = vector.broadcast %mul3A_120 : i32 to vector<16xi32>
    %mul3A_122 = arith.muli %add3A_119, %mul3A_121 : vector<16xi32>
    %scan3A_123 = arith.constant 0 : i32
    %scan3A_124 = arith.constant 0 : i32
    %scan3A_125 = arith.constant 128 : i32
    %scan3A_126 = arith.addi %scan3A_124, %scan3A_125 : i32
    %scan3A_127 = arith.constant 4 : i32
    scf.for %scan3A_153 = %scan3A_124 to %scan3A_126 step %scan3A_127  : i32 {
      %mul3A_154 = arith.constant 128 : i32
      %mul3A_155 = arith.muli %scan3A_153, %mul3A_154 : i32
      %add3A_156 = arith.constant 96 : i32
      %add3A_157 = arith.addi %mul3A_155, %add3A_156 : i32
      %get3A = arith.index_cast %add3A_157 : i32 to index
      %get3A_158 = tpu.vector_load %arg7[%get3A] {strides = array<i32>} : memref<16384xi32, #tpu.memory_space<vmem>>, vector<16xi32>,
      %mul3A_159 = arith.constant 16 : i32
      %mul3A_160 = vector.broadcast %mul3A_159 : i32 to vector<16xi32>
      %mul3A_161 = arith.muli %get3A_158, %mul3A_160 : vector<16xi32>
      %add3A_162 = arith.addi %mul3A_161, %iota3A : vector<16xi32>
      tpu.vector_store_idx %arg10[%add3A_162], %broadcast_in_dim3A_1 {add = true} : memref<2080xi32, #tpu.memory_space<vmem>>[vector<16xi32>], vector<16xi32>,
      %scan3A_163 = arith.constant 1 : i32
      %scan3A_164 = arith.addi %scan3A_153, %scan3A_163 : i32
      %mul3A_165 = arith.constant 128 : i32
      %mul3A_166 = arith.muli %scan3A_164, %mul3A_165 : i32
      %add3A_167 = arith.constant 96 : i32
      %add3A_168 = arith.addi %mul3A_166, %add3A_167 : i32
      %get3A_169 = arith.index_cast %add3A_168 : i32 to index
      %get3A_170 = tpu.vector_load %arg7[%get3A_169] {strides = array<i32>} : memref<16384xi32, #tpu.memory_space<vmem>>, vector<16xi32>,
      %mul3A_171 = arith.constant 16 : i32
      %mul3A_172 = vector.broadcast %mul3A_171 : i32 to vector<16xi32>
      %mul3A_173 = arith.muli %get3A_170, %mul3A_172 : vector<16xi32>
      %add3A_174 = arith.addi %mul3A_173, %iota3A : vector<16xi32>
      tpu.vector_store_idx %arg10[%add3A_174], %broadcast_in_dim3A_1 {add = true} : memref<2080xi32, #tpu.memory_space<vmem>>[vector<16xi32>], vector<16xi32>,
      %scan3A_175 = arith.constant 2 : i32
      %scan3A_176 = arith.addi %scan3A_153, %scan3A_175 : i32
      %mul3A_177 = arith.constant 128 : i32
      %mul3A_178 = arith.muli %scan3A_176, %mul3A_177 : i32
      %add3A_179 = arith.constant 96 : i32
      %add3A_180 = arith.addi %mul3A_178, %add3A_179 : i32
      %get3A_181 = arith.index_cast %add3A_180 : i32 to index
      %get3A_182 = tpu.vector_load %arg7[%get3A_181] {strides = array<i32>} : memref<16384xi32, #tpu.memory_space<vmem>>, vector<16xi32>,
      %mul3A_183 = arith.constant 16 : i32
      %mul3A_184 = vector.broadcast %mul3A_183 : i32 to vector<16xi32>
      %mul3A_185 = arith.muli %get3A_182, %mul3A_184 : vector<16xi32>
      %add3A_186 = arith.addi %mul3A_185, %iota3A : vector<16xi32>
      tpu.vector_store_idx %arg10[%add3A_186], %broadcast_in_dim3A_1 {add = true} : memref<2080xi32, #tpu.memory_space<vmem>>[vector<16xi32>], vector<16xi32>,
      %scan3A_187 = arith.constant 3 : i32
      %scan3A_188 = arith.addi %scan3A_153, %scan3A_187 : i32
      %mul3A_189 = arith.constant 128 : i32
      %mul3A_190 = arith.muli %scan3A_188, %mul3A_189 : i32
      %add3A_191 = arith.constant 96 : i32
      %add3A_192 = arith.addi %mul3A_190, %add3A_191 : i32
      %get3A_193 = arith.index_cast %add3A_192 : i32 to index
      %get3A_194 = tpu.vector_load %arg7[%get3A_193] {strides = array<i32>} : memref<16384xi32, #tpu.memory_space<vmem>>, vector<16xi32>,
      %mul3A_195 = arith.constant 16 : i32
      %mul3A_196 = vector.broadcast %mul3A_195 : i32 to vector<16xi32>
      %mul3A_197 = arith.muli %get3A_194, %mul3A_196 : vector<16xi32>
      %add3A_198 = arith.addi %mul3A_197, %iota3A : vector<16xi32>
      tpu.vector_store_idx %arg10[%add3A_198], %broadcast_in_dim3A_1 {add = true} : memref<2080xi32, #tpu.memory_space<vmem>>[vector<16xi32>], vector<16xi32>,
    }
    %scan3A_128 = arith.constant 128 : i32
    %scan3A_129 = arith.constant 0 : i32
    %scan3A_130 = arith.constant 129 : i32
    %scan3A_131 = arith.addi %scan3A_129, %scan3A_130 : i32
    %scan3A_132 = arith.constant 3 : i32
    %scan3A_133 = scf.for %scan3A_153 = %scan3A_129 to %scan3A_131 step %scan3A_132 iter_args(%scan3A_154 = %broadcast_in_dim3A_1) -> (vector<16xi32>)  : i32 {
      %mul3A_155 = arith.constant 16 : i32
      %mul3A_156 = arith.muli %scan3A_153, %mul3A_155 : i32
      %get3A = arith.index_cast %mul3A_156 : i32 to index
      %get3A_157 = tpu.vector_load %arg10[%get3A] {strides = array<i32>} : memref<2080xi32, #tpu.memory_space<vmem>>, vector<16xi32>,
      %mul3A_158 = arith.constant 16 : i32
      %mul3A_159 = arith.muli %scan3A_153, %mul3A_158 : i32
      %swap3A = arith.index_cast %mul3A_159 : i32 to index
      %swap3A_160 = tpu.vector_load %arg10[%swap3A] {strides = array<i32>} : memref<2080xi32, #tpu.memory_space<vmem>>, vector<16xi32>,
      tpu.vector_store %arg10[%swap3A], %broadcast_in_dim3A_3 {strides = array<i32>} : memref<2080xi32, #tpu.memory_space<vmem>>, vector<16xi32>,
      %add3A_161 = arith.addi %scan3A_154, %get3A_157 : vector<16xi32>
      %sub3A = arith.constant 1 : i32
      %sub3A_162 = vector.broadcast %sub3A : i32 to vector<16xi32>
      %sub3A_163 = arith.subi %add3A_161, %sub3A_162 : vector<16xi32>
      %add3A_164 = arith.addi %mul3A_122, %sub3A_163 : vector<16xi32>
      %gather3A = tpu.vector_load_idx %arg6[%add3A_164] : memref<16512xf32, #tpu.memory_space<vmem>>[vector<16xi32>], vector<16xf32>,
      %add3A_165 = arith.constant 1 : i32
      %add3A_166 = vector.broadcast %add3A_165 : i32 to vector<16xi32>
      %add3A_167 = arith.addi %add3A_164, %add3A_166 : vector<16xi32>
      %gather3A_168 = tpu.vector_load_idx %arg6[%add3A_167] : memref<16512xf32, #tpu.memory_space<vmem>>[vector<16xi32>], vector<16xf32>,
      %gather3A_169 = tpu.vector_load_idx %arg8[%add3A_164] : memref<16512xf32, #tpu.memory_space<vmem>>[vector<16xi32>], vector<16xf32>,
      %add3A_170 = arith.constant 1 : i32
      %add3A_171 = vector.broadcast %add3A_170 : i32 to vector<16xi32>
      %add3A_172 = arith.addi %add3A_164, %add3A_171 : vector<16xi32>
      %gather3A_173 = tpu.vector_load_idx %arg8[%add3A_172] : memref<16512xf32, #tpu.memory_space<vmem>>[vector<16xi32>], vector<16xf32>,
      %convert_element_type3A = arith.sitofp %scan3A_153 : i32 to f32
      %mul3A_174 = arith.constant 0.00781249907 : f32
      %mul3A_175 = arith.mulf %convert_element_type3A, %mul3A_174 : f32
      %sub3A_176 = vector.broadcast %mul3A_175 : f32 to vector<16xf32>
      %sub3A_177 = arith.subf %sub3A_176, %gather3A : vector<16xf32>
      %sub3A_178 = arith.subf %gather3A_168, %gather3A : vector<16xf32>
      %div3A = arith.divf %sub3A_177, %sub3A_178 : vector<16xf32>
      %jit3A = arith.constant 0.000000e+00 : f32
      %jit3A_179 = arith.constant 1.000000e+00 : f32
      %max3A = vector.broadcast %jit3A : f32 to vector<16xf32>
      %max3A_180 = arith.maximumf %max3A, %div3A : vector<16xf32>
      %min3A = vector.broadcast %jit3A_179 : f32 to vector<16xf32>
      %min3A_181 = arith.minimumf %min3A, %max3A_180 : vector<16xf32>
      %sub3A_182 = arith.subf %gather3A_173, %gather3A_169 : vector<16xf32>
      %mul3A_183 = arith.mulf %min3A_181, %sub3A_182 : vector<16xf32>
      %add3A_184 = arith.addf %gather3A_169, %mul3A_183 : vector<16xf32>
      %mul3A_185 = arith.constant 128 : i32
      %mul3A_186 = arith.muli %scan3A_153, %mul3A_185 : i32
      %add3A_187 = arith.constant 96 : i32
      %add3A_188 = arith.addi %mul3A_186, %add3A_187 : i32
      %swap3A_189 = arith.index_cast %add3A_188 : i32 to index
      %swap3A_190 = tpu.vector_load %arg9[%swap3A_189] {strides = array<i32>} : memref<16512xf32, #tpu.memory_space<vmem>>, vector<16xf32>,
      tpu.vector_store %arg9[%swap3A_189], %add3A_184 {strides = array<i32>} : memref<16512xf32, #tpu.memory_space<vmem>>, vector<16xf32>,
      %scan3A_191 = arith.constant 1 : i32
      %scan3A_192 = arith.addi %scan3A_153, %scan3A_191 : i32
      %mul3A_193 = arith.constant 16 : i32
      %mul3A_194 = arith.muli %scan3A_192, %mul3A_193 : i32
      %get3A_195 = arith.index_cast %mul3A_194 : i32 to index
      %get3A_196 = tpu.vector_load %arg10[%get3A_195] {strides = array<i32>} : memref<2080xi32, #tpu.memory_space<vmem>>, vector<16xi32>,
      %mul3A_197 = arith.constant 16 : i32
      %mul3A_198 = arith.muli %scan3A_192, %mul3A_197 : i32
      %swap3A_199 = arith.index_cast %mul3A_198 : i32 to index
      %swap3A_200 = tpu.vector_load %arg10[%swap3A_199] {strides = array<i32>} : memref<2080xi32, #tpu.memory_space<vmem>>, vector<16xi32>,
      tpu.vector_store %arg10[%swap3A_199], %broadcast_in_dim3A_3 {strides = array<i32>} : memref<2080xi32, #tpu.memory_space<vmem>>, vector<16xi32>,
      %add3A_201 = arith.addi %add3A_161, %get3A_196 : vector<16xi32>
      %sub3A_202 = arith.constant 1 : i32
      %sub3A_203 = vector.broadcast %sub3A_202 : i32 to vector<16xi32>
      %sub3A_204 = arith.subi %add3A_201, %sub3A_203 : vector<16xi32>
      %add3A_205 = arith.addi %mul3A_122, %sub3A_204 : vector<16xi32>
      %gather3A_206 = tpu.vector_load_idx %arg6[%add3A_205] : memref<16512xf32, #tpu.memory_space<vmem>>[vector<16xi32>], vector<16xf32>,
      %add3A_207 = arith.constant 1 : i32
      %add3A_208 = vector.broadcast %add3A_207 : i32 to vector<16xi32>
      %add3A_209 = arith.addi %add3A_205, %add3A_208 : vector<16xi32>
      %gather3A_210 = tpu.vector_load_idx %arg6[%add3A_209] : memref<16512xf32, #tpu.memory_space<vmem>>[vector<16xi32>], vector<16xf32>,
      %gather3A_211 = tpu.vector_load_idx %arg8[%add3A_205] : memref<16512xf32, #tpu.memory_space<vmem>>[vector<16xi32>], vector<16xf32>,
      %add3A_212 = arith.constant 1 : i32
      %add3A_213 = vector.broadcast %add3A_212 : i32 to vector<16xi32>
      %add3A_214 = arith.addi %add3A_205, %add3A_213 : vector<16xi32>
      %gather3A_215 = tpu.vector_load_idx %arg8[%add3A_214] : memref<16512xf32, #tpu.memory_space<vmem>>[vector<16xi32>], vector<16xf32>,
      %convert_element_type3A_216 = arith.sitofp %scan3A_192 : i32 to f32
      %mul3A_217 = arith.constant 0.00781249907 : f32
      %mul3A_218 = arith.mulf %convert_element_type3A_216, %mul3A_217 : f32
      %sub3A_219 = vector.broadcast %mul3A_218 : f32 to vector<16xf32>
      %sub3A_220 = arith.subf %sub3A_219, %gather3A_206 : vector<16xf32>
      %sub3A_221 = arith.subf %gather3A_210, %gather3A_206 : vector<16xf32>
      %div3A_222 = arith.divf %sub3A_220, %sub3A_221 : vector<16xf32>
      %jit3A_223 = arith.constant 0.000000e+00 : f32
      %jit3A_224 = arith.constant 1.000000e+00 : f32
      %max3A_225 = vector.broadcast %jit3A_223 : f32 to vector<16xf32>
      %max3A_226 = arith.maximumf %max3A_225, %div3A_222 : vector<16xf32>
      %min3A_227 = vector.broadcast %jit3A_224 : f32 to vector<16xf32>
      %min3A_228 = arith.minimumf %min3A_227, %max3A_226 : vector<16xf32>
      %sub3A_229 = arith.subf %gather3A_215, %gather3A_211 : vector<16xf32>
      %mul3A_230 = arith.mulf %min3A_228, %sub3A_229 : vector<16xf32>
      %add3A_231 = arith.addf %gather3A_211, %mul3A_230 : vector<16xf32>
      %mul3A_232 = arith.constant 128 : i32
      %mul3A_233 = arith.muli %scan3A_192, %mul3A_232 : i32
      %add3A_234 = arith.constant 96 : i32
      %add3A_235 = arith.addi %mul3A_233, %add3A_234 : i32
      %swap3A_236 = arith.index_cast %add3A_235 : i32 to index
      %swap3A_237 = tpu.vector_load %arg9[%swap3A_236] {strides = array<i32>} : memref<16512xf32, #tpu.memory_space<vmem>>, vector<16xf32>,
      tpu.vector_store %arg9[%swap3A_236], %add3A_231 {strides = array<i32>} : memref<16512xf32, #tpu.memory_space<vmem>>, vector<16xf32>,
      %scan3A_238 = arith.constant 2 : i32
      %scan3A_239 = arith.addi %scan3A_153, %scan3A_238 : i32
      %mul3A_240 = arith.constant 16 : i32
      %mul3A_241 = arith.muli %scan3A_239, %mul3A_240 : i32
      %get3A_242 = arith.index_cast %mul3A_241 : i32 to index
      %get3A_243 = tpu.vector_load %arg10[%get3A_242] {strides = array<i32>} : memref<2080xi32, #tpu.memory_space<vmem>>, vector<16xi32>,
      %mul3A_244 = arith.constant 16 : i32
      %mul3A_245 = arith.muli %scan3A_239, %mul3A_244 : i32
      %swap3A_246 = arith.index_cast %mul3A_245 : i32 to index
      %swap3A_247 = tpu.vector_load %arg10[%swap3A_246] {strides = array<i32>} : memref<2080xi32, #tpu.memory_space<vmem>>, vector<16xi32>,
      tpu.vector_store %arg10[%swap3A_246], %broadcast_in_dim3A_3 {strides = array<i32>} : memref<2080xi32, #tpu.memory_space<vmem>>, vector<16xi32>,
      %add3A_248 = arith.addi %add3A_201, %get3A_243 : vector<16xi32>
      %sub3A_249 = arith.constant 1 : i32
      %sub3A_250 = vector.broadcast %sub3A_249 : i32 to vector<16xi32>
      %sub3A_251 = arith.subi %add3A_248, %sub3A_250 : vector<16xi32>
      %add3A_252 = arith.addi %mul3A_122, %sub3A_251 : vector<16xi32>
      %gather3A_253 = tpu.vector_load_idx %arg6[%add3A_252] : memref<16512xf32, #tpu.memory_space<vmem>>[vector<16xi32>], vector<16xf32>,
      %add3A_254 = arith.constant 1 : i32
      %add3A_255 = vector.broadcast %add3A_254 : i32 to vector<16xi32>
      %add3A_256 = arith.addi %add3A_252, %add3A_255 : vector<16xi32>
      %gather3A_257 = tpu.vector_load_idx %arg6[%add3A_256] : memref<16512xf32, #tpu.memory_space<vmem>>[vector<16xi32>], vector<16xf32>,
      %gather3A_258 = tpu.vector_load_idx %arg8[%add3A_252] : memref<16512xf32, #tpu.memory_space<vmem>>[vector<16xi32>], vector<16xf32>,
      %add3A_259 = arith.constant 1 : i32
      %add3A_260 = vector.broadcast %add3A_259 : i32 to vector<16xi32>
      %add3A_261 = arith.addi %add3A_252, %add3A_260 : vector<16xi32>
      %gather3A_262 = tpu.vector_load_idx %arg8[%add3A_261] : memref<16512xf32, #tpu.memory_space<vmem>>[vector<16xi32>], vector<16xf32>,
      %convert_element_type3A_263 = arith.sitofp %scan3A_239 : i32 to f32
      %mul3A_264 = arith.constant 0.00781249907 : f32
      %mul3A_265 = arith.mulf %convert_element_type3A_263, %mul3A_264 : f32
      %sub3A_266 = vector.broadcast %mul3A_265 : f32 to vector<16xf32>
      %sub3A_267 = arith.subf %sub3A_266, %gather3A_253 : vector<16xf32>
      %sub3A_268 = arith.subf %gather3A_257, %gather3A_253 : vector<16xf32>
      %div3A_269 = arith.divf %sub3A_267, %sub3A_268 : vector<16xf32>
      %jit3A_270 = arith.constant 0.000000e+00 : f32
      %jit3A_271 = arith.constant 1.000000e+00 : f32
      %max3A_272 = vector.broadcast %jit3A_270 : f32 to vector<16xf32>
      %max3A_273 = arith.maximumf %max3A_272, %div3A_269 : vector<16xf32>
      %min3A_274 = vector.broadcast %jit3A_271 : f32 to vector<16xf32>
      %min3A_275 = arith.minimumf %min3A_274, %max3A_273 : vector<16xf32>
      %sub3A_276 = arith.subf %gather3A_262, %gather3A_258 : vector<16xf32>
      %mul3A_277 = arith.mulf %min3A_275, %sub3A_276 : vector<16xf32>
      %add3A_278 = arith.addf %gather3A_258, %mul3A_277 : vector<16xf32>
      %mul3A_279 = arith.constant 128 : i32
      %mul3A_280 = arith.muli %scan3A_239, %mul3A_279 : i32
      %add3A_281 = arith.constant 96 : i32
      %add3A_282 = arith.addi %mul3A_280, %add3A_281 : i32
      %swap3A_283 = arith.index_cast %add3A_282 : i32 to index
      %swap3A_284 = tpu.vector_load %arg9[%swap3A_283] {strides = array<i32>} : memref<16512xf32, #tpu.memory_space<vmem>>, vector<16xf32>,
      tpu.vector_store %arg9[%swap3A_283], %add3A_278 {strides = array<i32>} : memref<16512xf32, #tpu.memory_space<vmem>>, vector<16xf32>,
      scf.yield %add3A_248 : vector<16xi32>
    }
    %scan3A_134 = arith.constant 129 : i32
    %add3A_135 = arith.constant 112 : i32
    %add3A_136 = vector.broadcast %add3A_135 : i32 to vector<16xi32>
    %add3A_137 = arith.addi %iota3A, %add3A_136 : vector<16xi32>
    %mul3A_138 = arith.constant 129 : i32
    %mul3A_139 = vector.broadcast %mul3A_138 : i32 to vector<16xi32>
    %mul3A_140 = arith.muli %add3A_137, %mul3A_139 : vector<16xi32>
    %scan3A_141 = arith.constant 0 : i32
    %scan3A_142 = arith.constant 0 : i32
    %scan3A_143 = arith.constant 128 : i32
    %scan3A_144 = arith.addi %scan3A_142, %scan3A_143 : i32
    %scan3A_145 = arith.constant 4 : i32
    scf.for %scan3A_153 = %scan3A_142 to %scan3A_144 step %scan3A_145  : i32 {
      %mul3A_154 = arith.constant 128 : i32
      %mul3A_155 = arith.muli %scan3A_153, %mul3A_154 : i32
      %add3A_156 = arith.constant 112 : i32
      %add3A_157 = arith.addi %mul3A_155, %add3A_156 : i32
      %get3A = arith.index_cast %add3A_157 : i32 to index
      %get3A_158 = tpu.vector_load %arg7[%get3A] {strides = array<i32>} : memref<16384xi32, #tpu.memory_space<vmem>>, vector<16xi32>,
      %mul3A_159 = arith.constant 16 : i32
      %mul3A_160 = vector.broadcast %mul3A_159 : i32 to vector<16xi32>
      %mul3A_161 = arith.muli %get3A_158, %mul3A_160 : vector<16xi32>
      %add3A_162 = arith.addi %mul3A_161, %iota3A : vector<16xi32>
      tpu.vector_store_idx %arg10[%add3A_162], %broadcast_in_dim3A_1 {add = true} : memref<2080xi32, #tpu.memory_space<vmem>>[vector<16xi32>], vector<16xi32>,
      %scan3A_163 = arith.constant 1 : i32
      %scan3A_164 = arith.addi %scan3A_153, %scan3A_163 : i32
      %mul3A_165 = arith.constant 128 : i32
      %mul3A_166 = arith.muli %scan3A_164, %mul3A_165 : i32
      %add3A_167 = arith.constant 112 : i32
      %add3A_168 = arith.addi %mul3A_166, %add3A_167 : i32
      %get3A_169 = arith.index_cast %add3A_168 : i32 to index
      %get3A_170 = tpu.vector_load %arg7[%get3A_169] {strides = array<i32>} : memref<16384xi32, #tpu.memory_space<vmem>>, vector<16xi32>,
      %mul3A_171 = arith.constant 16 : i32
      %mul3A_172 = vector.broadcast %mul3A_171 : i32 to vector<16xi32>
      %mul3A_173 = arith.muli %get3A_170, %mul3A_172 : vector<16xi32>
      %add3A_174 = arith.addi %mul3A_173, %iota3A : vector<16xi32>
      tpu.vector_store_idx %arg10[%add3A_174], %broadcast_in_dim3A_1 {add = true} : memref<2080xi32, #tpu.memory_space<vmem>>[vector<16xi32>], vector<16xi32>,
      %scan3A_175 = arith.constant 2 : i32
      %scan3A_176 = arith.addi %scan3A_153, %scan3A_175 : i32
      %mul3A_177 = arith.constant 128 : i32
      %mul3A_178 = arith.muli %scan3A_176, %mul3A_177 : i32
      %add3A_179 = arith.constant 112 : i32
      %add3A_180 = arith.addi %mul3A_178, %add3A_179 : i32
      %get3A_181 = arith.index_cast %add3A_180 : i32 to index
      %get3A_182 = tpu.vector_load %arg7[%get3A_181] {strides = array<i32>} : memref<16384xi32, #tpu.memory_space<vmem>>, vector<16xi32>,
      %mul3A_183 = arith.constant 16 : i32
      %mul3A_184 = vector.broadcast %mul3A_183 : i32 to vector<16xi32>
      %mul3A_185 = arith.muli %get3A_182, %mul3A_184 : vector<16xi32>
      %add3A_186 = arith.addi %mul3A_185, %iota3A : vector<16xi32>
      tpu.vector_store_idx %arg10[%add3A_186], %broadcast_in_dim3A_1 {add = true} : memref<2080xi32, #tpu.memory_space<vmem>>[vector<16xi32>], vector<16xi32>,
      %scan3A_187 = arith.constant 3 : i32
      %scan3A_188 = arith.addi %scan3A_153, %scan3A_187 : i32
      %mul3A_189 = arith.constant 128 : i32
      %mul3A_190 = arith.muli %scan3A_188, %mul3A_189 : i32
      %add3A_191 = arith.constant 112 : i32
      %add3A_192 = arith.addi %mul3A_190, %add3A_191 : i32
      %get3A_193 = arith.index_cast %add3A_192 : i32 to index
      %get3A_194 = tpu.vector_load %arg7[%get3A_193] {strides = array<i32>} : memref<16384xi32, #tpu.memory_space<vmem>>, vector<16xi32>,
      %mul3A_195 = arith.constant 16 : i32
      %mul3A_196 = vector.broadcast %mul3A_195 : i32 to vector<16xi32>
      %mul3A_197 = arith.muli %get3A_194, %mul3A_196 : vector<16xi32>
      %add3A_198 = arith.addi %mul3A_197, %iota3A : vector<16xi32>
      tpu.vector_store_idx %arg10[%add3A_198], %broadcast_in_dim3A_1 {add = true} : memref<2080xi32, #tpu.memory_space<vmem>>[vector<16xi32>], vector<16xi32>,
    }
    %scan3A_146 = arith.constant 128 : i32
    %scan3A_147 = arith.constant 0 : i32
    %scan3A_148 = arith.constant 129 : i32
    %scan3A_149 = arith.addi %scan3A_147, %scan3A_148 : i32
    %scan3A_150 = arith.constant 3 : i32
    %scan3A_151 = scf.for %scan3A_153 = %scan3A_147 to %scan3A_149 step %scan3A_150 iter_args(%scan3A_154 = %broadcast_in_dim3A_1) -> (vector<16xi32>)  : i32 {
      %mul3A_155 = arith.constant 16 : i32
      %mul3A_156 = arith.muli %scan3A_153, %mul3A_155 : i32
      %get3A = arith.index_cast %mul3A_156 : i32 to index
      %get3A_157 = tpu.vector_load %arg10[%get3A] {strides = array<i32>} : memref<2080xi32, #tpu.memory_space<vmem>>, vector<16xi32>,
      %mul3A_158 = arith.constant 16 : i32
      %mul3A_159 = arith.muli %scan3A_153, %mul3A_158 : i32
      %swap3A = arith.index_cast %mul3A_159 : i32 to index
      %swap3A_160 = tpu.vector_load %arg10[%swap3A] {strides = array<i32>} : memref<2080xi32, #tpu.memory_space<vmem>>, vector<16xi32>,
      tpu.vector_store %arg10[%swap3A], %broadcast_in_dim3A_3 {strides = array<i32>} : memref<2080xi32, #tpu.memory_space<vmem>>, vector<16xi32>,
      %add3A_161 = arith.addi %scan3A_154, %get3A_157 : vector<16xi32>
      %sub3A = arith.constant 1 : i32
      %sub3A_162 = vector.broadcast %sub3A : i32 to vector<16xi32>
      %sub3A_163 = arith.subi %add3A_161, %sub3A_162 : vector<16xi32>
      %add3A_164 = arith.addi %mul3A_140, %sub3A_163 : vector<16xi32>
      %gather3A = tpu.vector_load_idx %arg6[%add3A_164] : memref<16512xf32, #tpu.memory_space<vmem>>[vector<16xi32>], vector<16xf32>,
      %add3A_165 = arith.constant 1 : i32
      %add3A_166 = vector.broadcast %add3A_165 : i32 to vector<16xi32>
      %add3A_167 = arith.addi %add3A_164, %add3A_166 : vector<16xi32>
      %gather3A_168 = tpu.vector_load_idx %arg6[%add3A_167] : memref<16512xf32, #tpu.memory_space<vmem>>[vector<16xi32>], vector<16xf32>,
      %gather3A_169 = tpu.vector_load_idx %arg8[%add3A_164] : memref<16512xf32, #tpu.memory_space<vmem>>[vector<16xi32>], vector<16xf32>,
      %add3A_170 = arith.constant 1 : i32
      %add3A_171 = vector.broadcast %add3A_170 : i32 to vector<16xi32>
      %add3A_172 = arith.addi %add3A_164, %add3A_171 : vector<16xi32>
      %gather3A_173 = tpu.vector_load_idx %arg8[%add3A_172] : memref<16512xf32, #tpu.memory_space<vmem>>[vector<16xi32>], vector<16xf32>,
      %convert_element_type3A = arith.sitofp %scan3A_153 : i32 to f32
      %mul3A_174 = arith.constant 0.00781249907 : f32
      %mul3A_175 = arith.mulf %convert_element_type3A, %mul3A_174 : f32
      %sub3A_176 = vector.broadcast %mul3A_175 : f32 to vector<16xf32>
      %sub3A_177 = arith.subf %sub3A_176, %gather3A : vector<16xf32>
      %sub3A_178 = arith.subf %gather3A_168, %gather3A : vector<16xf32>
      %div3A = arith.divf %sub3A_177, %sub3A_178 : vector<16xf32>
      %jit3A = arith.constant 0.000000e+00 : f32
      %jit3A_179 = arith.constant 1.000000e+00 : f32
      %max3A = vector.broadcast %jit3A : f32 to vector<16xf32>
      %max3A_180 = arith.maximumf %max3A, %div3A : vector<16xf32>
      %min3A = vector.broadcast %jit3A_179 : f32 to vector<16xf32>
      %min3A_181 = arith.minimumf %min3A, %max3A_180 : vector<16xf32>
      %sub3A_182 = arith.subf %gather3A_173, %gather3A_169 : vector<16xf32>
      %mul3A_183 = arith.mulf %min3A_181, %sub3A_182 : vector<16xf32>
      %add3A_184 = arith.addf %gather3A_169, %mul3A_183 : vector<16xf32>
      %mul3A_185 = arith.constant 128 : i32
      %mul3A_186 = arith.muli %scan3A_153, %mul3A_185 : i32
      %add3A_187 = arith.constant 112 : i32
      %add3A_188 = arith.addi %mul3A_186, %add3A_187 : i32
      %swap3A_189 = arith.index_cast %add3A_188 : i32 to index
      %swap3A_190 = tpu.vector_load %arg9[%swap3A_189] {strides = array<i32>} : memref<16512xf32, #tpu.memory_space<vmem>>, vector<16xf32>,
      tpu.vector_store %arg9[%swap3A_189], %add3A_184 {strides = array<i32>} : memref<16512xf32, #tpu.memory_space<vmem>>, vector<16xf32>,
      %scan3A_191 = arith.constant 1 : i32
      %scan3A_192 = arith.addi %scan3A_153, %scan3A_191 : i32
      %mul3A_193 = arith.constant 16 : i32
      %mul3A_194 = arith.muli %scan3A_192, %mul3A_193 : i32
      %get3A_195 = arith.index_cast %mul3A_194 : i32 to index
      %get3A_196 = tpu.vector_load %arg10[%get3A_195] {strides = array<i32>} : memref<2080xi32, #tpu.memory_space<vmem>>, vector<16xi32>,
      %mul3A_197 = arith.constant 16 : i32
      %mul3A_198 = arith.muli %scan3A_192, %mul3A_197 : i32
      %swap3A_199 = arith.index_cast %mul3A_198 : i32 to index
      %swap3A_200 = tpu.vector_load %arg10[%swap3A_199] {strides = array<i32>} : memref<2080xi32, #tpu.memory_space<vmem>>, vector<16xi32>,
      tpu.vector_store %arg10[%swap3A_199], %broadcast_in_dim3A_3 {strides = array<i32>} : memref<2080xi32, #tpu.memory_space<vmem>>, vector<16xi32>,
      %add3A_201 = arith.addi %add3A_161, %get3A_196 : vector<16xi32>
      %sub3A_202 = arith.constant 1 : i32
      %sub3A_203 = vector.broadcast %sub3A_202 : i32 to vector<16xi32>
      %sub3A_204 = arith.subi %add3A_201, %sub3A_203 : vector<16xi32>
      %add3A_205 = arith.addi %mul3A_140, %sub3A_204 : vector<16xi32>
      %gather3A_206 = tpu.vector_load_idx %arg6[%add3A_205] : memref<16512xf32, #tpu.memory_space<vmem>>[vector<16xi32>], vector<16xf32>,
      %add3A_207 = arith.constant 1 : i32
      %add3A_208 = vector.broadcast %add3A_207 : i32 to vector<16xi32>
      %add3A_209 = arith.addi %add3A_205, %add3A_208 : vector<16xi32>
      %gather3A_210 = tpu.vector_load_idx %arg6[%add3A_209] : memref<16512xf32, #tpu.memory_space<vmem>>[vector<16xi32>], vector<16xf32>,
      %gather3A_211 = tpu.vector_load_idx %arg8[%add3A_205] : memref<16512xf32, #tpu.memory_space<vmem>>[vector<16xi32>], vector<16xf32>,
      %add3A_212 = arith.constant 1 : i32
      %add3A_213 = vector.broadcast %add3A_212 : i32 to vector<16xi32>
      %add3A_214 = arith.addi %add3A_205, %add3A_213 : vector<16xi32>
      %gather3A_215 = tpu.vector_load_idx %arg8[%add3A_214] : memref<16512xf32, #tpu.memory_space<vmem>>[vector<16xi32>], vector<16xf32>,
      %convert_element_type3A_216 = arith.sitofp %scan3A_192 : i32 to f32
      %mul3A_217 = arith.constant 0.00781249907 : f32
      %mul3A_218 = arith.mulf %convert_element_type3A_216, %mul3A_217 : f32
      %sub3A_219 = vector.broadcast %mul3A_218 : f32 to vector<16xf32>
      %sub3A_220 = arith.subf %sub3A_219, %gather3A_206 : vector<16xf32>
      %sub3A_221 = arith.subf %gather3A_210, %gather3A_206 : vector<16xf32>
      %div3A_222 = arith.divf %sub3A_220, %sub3A_221 : vector<16xf32>
      %jit3A_223 = arith.constant 0.000000e+00 : f32
      %jit3A_224 = arith.constant 1.000000e+00 : f32
      %max3A_225 = vector.broadcast %jit3A_223 : f32 to vector<16xf32>
      %max3A_226 = arith.maximumf %max3A_225, %div3A_222 : vector<16xf32>
      %min3A_227 = vector.broadcast %jit3A_224 : f32 to vector<16xf32>
      %min3A_228 = arith.minimumf %min3A_227, %max3A_226 : vector<16xf32>
      %sub3A_229 = arith.subf %gather3A_215, %gather3A_211 : vector<16xf32>
      %mul3A_230 = arith.mulf %min3A_228, %sub3A_229 : vector<16xf32>
      %add3A_231 = arith.addf %gather3A_211, %mul3A_230 : vector<16xf32>
      %mul3A_232 = arith.constant 128 : i32
      %mul3A_233 = arith.muli %scan3A_192, %mul3A_232 : i32
      %add3A_234 = arith.constant 112 : i32
      %add3A_235 = arith.addi %mul3A_233, %add3A_234 : i32
      %swap3A_236 = arith.index_cast %add3A_235 : i32 to index
      %swap3A_237 = tpu.vector_load %arg9[%swap3A_236] {strides = array<i32>} : memref<16512xf32, #tpu.memory_space<vmem>>, vector<16xf32>,
      tpu.vector_store %arg9[%swap3A_236], %add3A_231 {strides = array<i32>} : memref<16512xf32, #tpu.memory_space<vmem>>, vector<16xf32>,
      %scan3A_238 = arith.constant 2 : i32
      %scan3A_239 = arith.addi %scan3A_153, %scan3A_238 : i32
      %mul3A_240 = arith.constant 16 : i32
      %mul3A_241 = arith.muli %scan3A_239, %mul3A_240 : i32
      %get3A_242 = arith.index_cast %mul3A_241 : i32 to index
      %get3A_243 = tpu.vector_load %arg10[%get3A_242] {strides = array<i32>} : memref<2080xi32, #tpu.memory_space<vmem>>, vector<16xi32>,
      %mul3A_244 = arith.constant 16 : i32
      %mul3A_245 = arith.muli %scan3A_239, %mul3A_244 : i32
      %swap3A_246 = arith.index_cast %mul3A_245 : i32 to index
      %swap3A_247 = tpu.vector_load %arg10[%swap3A_246] {strides = array<i32>} : memref<2080xi32, #tpu.memory_space<vmem>>, vector<16xi32>,
      tpu.vector_store %arg10[%swap3A_246], %broadcast_in_dim3A_3 {strides = array<i32>} : memref<2080xi32, #tpu.memory_space<vmem>>, vector<16xi32>,
      %add3A_248 = arith.addi %add3A_201, %get3A_243 : vector<16xi32>
      %sub3A_249 = arith.constant 1 : i32
      %sub3A_250 = vector.broadcast %sub3A_249 : i32 to vector<16xi32>
      %sub3A_251 = arith.subi %add3A_248, %sub3A_250 : vector<16xi32>
      %add3A_252 = arith.addi %mul3A_140, %sub3A_251 : vector<16xi32>
      %gather3A_253 = tpu.vector_load_idx %arg6[%add3A_252] : memref<16512xf32, #tpu.memory_space<vmem>>[vector<16xi32>], vector<16xf32>,
      %add3A_254 = arith.constant 1 : i32
      %add3A_255 = vector.broadcast %add3A_254 : i32 to vector<16xi32>
      %add3A_256 = arith.addi %add3A_252, %add3A_255 : vector<16xi32>
      %gather3A_257 = tpu.vector_load_idx %arg6[%add3A_256] : memref<16512xf32, #tpu.memory_space<vmem>>[vector<16xi32>], vector<16xf32>,
      %gather3A_258 = tpu.vector_load_idx %arg8[%add3A_252] : memref<16512xf32, #tpu.memory_space<vmem>>[vector<16xi32>], vector<16xf32>,
      %add3A_259 = arith.constant 1 : i32
      %add3A_260 = vector.broadcast %add3A_259 : i32 to vector<16xi32>
      %add3A_261 = arith.addi %add3A_252, %add3A_260 : vector<16xi32>
      %gather3A_262 = tpu.vector_load_idx %arg8[%add3A_261] : memref<16512xf32, #tpu.memory_space<vmem>>[vector<16xi32>], vector<16xf32>,
      %convert_element_type3A_263 = arith.sitofp %scan3A_239 : i32 to f32
      %mul3A_264 = arith.constant 0.00781249907 : f32
      %mul3A_265 = arith.mulf %convert_element_type3A_263, %mul3A_264 : f32
      %sub3A_266 = vector.broadcast %mul3A_265 : f32 to vector<16xf32>
      %sub3A_267 = arith.subf %sub3A_266, %gather3A_253 : vector<16xf32>
      %sub3A_268 = arith.subf %gather3A_257, %gather3A_253 : vector<16xf32>
      %div3A_269 = arith.divf %sub3A_267, %sub3A_268 : vector<16xf32>
      %jit3A_270 = arith.constant 0.000000e+00 : f32
      %jit3A_271 = arith.constant 1.000000e+00 : f32
      %max3A_272 = vector.broadcast %jit3A_270 : f32 to vector<16xf32>
      %max3A_273 = arith.maximumf %max3A_272, %div3A_269 : vector<16xf32>
      %min3A_274 = vector.broadcast %jit3A_271 : f32 to vector<16xf32>
      %min3A_275 = arith.minimumf %min3A_274, %max3A_273 : vector<16xf32>
      %sub3A_276 = arith.subf %gather3A_262, %gather3A_258 : vector<16xf32>
      %mul3A_277 = arith.mulf %min3A_275, %sub3A_276 : vector<16xf32>
      %add3A_278 = arith.addf %gather3A_258, %mul3A_277 : vector<16xf32>
      %mul3A_279 = arith.constant 128 : i32
      %mul3A_280 = arith.muli %scan3A_239, %mul3A_279 : i32
      %add3A_281 = arith.constant 112 : i32
      %add3A_282 = arith.addi %mul3A_280, %add3A_281 : i32
      %swap3A_283 = arith.index_cast %add3A_282 : i32 to index
      %swap3A_284 = tpu.vector_load %arg9[%swap3A_283] {strides = array<i32>} : memref<16512xf32, #tpu.memory_space<vmem>>, vector<16xf32>,
      tpu.vector_store %arg9[%swap3A_283], %add3A_278 {strides = array<i32>} : memref<16512xf32, #tpu.memory_space<vmem>>, vector<16xf32>,
      scf.yield %add3A_248 : vector<16xi32>
    }
    %scan3A_152 = arith.constant 129 : i32
    "tpu.region"() ({
      %run_scoped3A = tpu.sem_alloc : memref<!tpu.dma_semaphore, #tpu.memory_space<semaphore_mem>>
      %dma_start3A = arith.constant 0 : i32
      %dma_start3A_153 = tpu.memref_slice %arg5[%add3A, %dma_start3A] : memref<32x16512xf32, #tpu.memory_space<hbm>> -> memref<1x16512xf32, #tpu.memory_space<hbm>>
      %dma_start3A_154 = tpu.memref_squeeze %dma_start3A_153 : memref<1x16512xf32, #tpu.memory_space<hbm>> -> memref<16512xf32, #tpu.memory_space<hbm>>
      %dma_start3A_155 = arith.constant 0 : i32
      %dma_start3A_156 = tpu.memref_slice %arg5[%add3A, %dma_start3A_155] : memref<32x16512xf32, #tpu.memory_space<hbm>> -> memref<1x16512xf32, #tpu.memory_space<hbm>>
      %dma_start3A_157 = tpu.memref_squeeze %dma_start3A_156 : memref<1x16512xf32, #tpu.memory_space<hbm>> -> memref<16512xf32, #tpu.memory_space<hbm>>
      tpu.enqueue_dma source(%arg9 : memref<16512xf32, #tpu.memory_space<vmem>>) target(%dma_start3A_157 : memref<16512xf32, #tpu.memory_space<hbm>>) target_semaphore(%run_scoped3A : memref<!tpu.dma_semaphore, #tpu.memory_space<semaphore_mem>>)
      %dma_wait3A = arith.constant 0 : i32
      %dma_wait3A_158 = tpu.memref_slice %arg5[%add3A, %dma_wait3A] : memref<32x16512xf32, #tpu.memory_space<hbm>> -> memref<1x16512xf32, #tpu.memory_space<hbm>>
      %dma_wait3A_159 = tpu.memref_squeeze %dma_wait3A_158 : memref<1x16512xf32, #tpu.memory_space<hbm>> -> memref<16512xf32, #tpu.memory_space<hbm>>
      %dma_wait3A_160 = arith.constant 0 : i32
      %dma_wait3A_161 = tpu.memref_slice %arg5[%add3A, %dma_wait3A_160] : memref<32x16512xf32, #tpu.memory_space<hbm>> -> memref<1x16512xf32, #tpu.memory_space<hbm>>
      %dma_wait3A_162 = tpu.memref_squeeze %dma_wait3A_161 : memref<1x16512xf32, #tpu.memory_space<hbm>> -> memref<16512xf32, #tpu.memory_space<hbm>>
      tpu.wait_dma2 semaphore(%run_scoped3A : memref<!tpu.dma_semaphore, #tpu.memory_space<semaphore_mem>>) src(%arg9 : memref<16512xf32, #tpu.memory_space<vmem>>) dst(%dma_wait3A_162 : memref<16512xf32, #tpu.memory_space<hbm>>)
      tpu.yield
    }) : () -> ()
    return
  }
}

module attributes {stable_mosaic.version = 14 : i64} {
  func.func @_prep_body(%arg0: i32, %arg1: memref<512x128xf32, #tpu.memory_space<vmem>>, %arg2: memref<512x129xf32, #tpu.memory_space<vmem>>, %arg3: memref<512x128xi32, #tpu.memory_space<vmem>>) attributes {dimension_semantics = [#tpu.dimension_semantics<arbitrary>], iteration_bounds = array<i64: 8>, scalar_prefetch = 0 : i64, scratch_operands = 0 : i64, tpu.core_type = #tpu.core_type<tc>, window_params = [{transform_indices = @transform_0, window_bounds = array<i64: 512, 128>}, {transform_indices = @transform_1, window_bounds = array<i64: 512, 129>}, {transform_indices = @transform_2, window_bounds = array<i64: 512, 128>}]} {
    %get3A = arith.constant 0 : index
    %get3A_0 = arith.constant 0 : index
    %get3A_1 = vector.load %arg1[%get3A, %get3A_0] : memref<512x128xf32, #tpu.memory_space<vmem>>, vector<512x128xf32>
    %slice3A = vector.extract_strided_slice %get3A_1 {offsets = [0, 0], sizes = [512, 1], strides = [1, 1]} : vector<512x128xf32> to vector<512x1xf32>
    %slice3A_2 = vector.extract_strided_slice %get3A_1 {offsets = [0, 0], sizes = [512, 127], strides = [1, 1]} : vector<512x128xf32> to vector<512x127xf32>
    %concatenate3A = tpu.concatenate %slice3A, %slice3A_2 in 1 : vector<512x1xf32>, vector<512x127xf32> -> vector<512x128xf32>
    %slice3A_3 = vector.extract_strided_slice %get3A_1 {offsets = [0, 1], sizes = [512, 127], strides = [1, 1]} : vector<512x128xf32> to vector<512x127xf32>
    %slice3A_4 = vector.extract_strided_slice %get3A_1 {offsets = [0, 127], sizes = [512, 1], strides = [1, 1]} : vector<512x128xf32> to vector<512x1xf32>
    %concatenate3A_5 = tpu.concatenate %slice3A_3, %slice3A_4 in 1 : vector<512x127xf32>, vector<512x1xf32> -> vector<512x128xf32>
    %max3A = arith.maximumf %concatenate3A, %get3A_1 : vector<512x128xf32>
    %max3A_6 = arith.maximumf %get3A_1, %concatenate3A_5 : vector<512x128xf32>
    %add3A = arith.addf %max3A, %max3A_6 : vector<512x128xf32>
    %mul3A = arith.constant 5.000000e-01 : f32
    %mul3A_7 = vector.broadcast %mul3A : f32 to vector<512x128xf32>
    %mul3A_8 = arith.mulf %mul3A_7, %add3A : vector<512x128xf32>
    %add3A_9 = arith.constant 0.00999999977 : f32
    %add3A_10 = vector.broadcast %add3A_9 : f32 to vector<512x128xf32>
    %add3A_11 = arith.addf %mul3A_8, %add3A_10 : vector<512x128xf32>
    %reduce_sum3A = arith.constant dense<0.000000e+00> : vector<512xf32>
    %reduce_sum3A_12 = vector.multi_reduction <add>, %add3A_11, %reduce_sum3A [1] : vector<512x128xf32> to vector<512xf32>
    %broadcast_in_dim3A = vector.shape_cast %reduce_sum3A_12 : vector<512xf32> to vector<512x1xf32>
    %sub3A = arith.constant 9.99999974E-6 : f32
    %sub3A_13 = vector.broadcast %sub3A : f32 to vector<512x1xf32>
    %sub3A_14 = arith.subf %sub3A_13, %broadcast_in_dim3A : vector<512x1xf32>
    %max3A_15 = arith.constant 0.000000e+00 : f32
    %max3A_16 = vector.broadcast %max3A_15 : f32 to vector<512x1xf32>
    %max3A_17 = arith.maximumf %max3A_16, %sub3A_14 : vector<512x1xf32>
    %div3A = arith.constant 1.280000e+02 : f32
    %div3A_18 = vector.broadcast %div3A : f32 to vector<512x1xf32>
    %div3A_19 = arith.divf %max3A_17, %div3A_18 : vector<512x1xf32>
    %add3A_20 = vector.broadcast %div3A_19 : vector<512x1xf32> to vector<512x128xf32>
    %add3A_21 = arith.addf %add3A_11, %add3A_20 : vector<512x128xf32>
    %add3A_22 = arith.addf %broadcast_in_dim3A, %max3A_17 : vector<512x1xf32>
    %div3A_23 = vector.broadcast %add3A_22 : vector<512x1xf32> to vector<512x128xf32>
    %div3A_24 = arith.divf %add3A_21, %div3A_23 : vector<512x128xf32>
    %broadcast_in_dim3A_25 = arith.constant 0.000000e+00 : f32
    %broadcast_in_dim3A_26 = vector.broadcast %broadcast_in_dim3A_25 : f32 to vector<512x1xf32>
    %slice3A_27 = vector.extract_strided_slice %div3A_24 {offsets = [0, 0], sizes = [512, 127], strides = [1, 1]} : vector<512x128xf32> to vector<512x127xf32>
    %concatenate3A_28 = tpu.concatenate %broadcast_in_dim3A_26, %slice3A_27 in 1 : vector<512x1xf32>, vector<512x127xf32> -> vector<512x128xf32>
    %add3A_29 = arith.addf %div3A_24, %concatenate3A_28 : vector<512x128xf32>
    %broadcast_in_dim3A_30 = arith.constant 0.000000e+00 : f32
    %broadcast_in_dim3A_31 = vector.broadcast %broadcast_in_dim3A_30 : f32 to vector<512x2xf32>
    %slice3A_32 = vector.extract_strided_slice %add3A_29 {offsets = [0, 0], sizes = [512, 126], strides = [1, 1]} : vector<512x128xf32> to vector<512x126xf32>
    %concatenate3A_33 = tpu.concatenate %broadcast_in_dim3A_31, %slice3A_32 in 1 : vector<512x2xf32>, vector<512x126xf32> -> vector<512x128xf32>
    %add3A_34 = arith.addf %add3A_29, %concatenate3A_33 : vector<512x128xf32>
    %broadcast_in_dim3A_35 = arith.constant 0.000000e+00 : f32
    %broadcast_in_dim3A_36 = vector.broadcast %broadcast_in_dim3A_35 : f32 to vector<512x4xf32>
    %slice3A_37 = vector.extract_strided_slice %add3A_34 {offsets = [0, 0], sizes = [512, 124], strides = [1, 1]} : vector<512x128xf32> to vector<512x124xf32>
    %concatenate3A_38 = tpu.concatenate %broadcast_in_dim3A_36, %slice3A_37 in 1 : vector<512x4xf32>, vector<512x124xf32> -> vector<512x128xf32>
    %add3A_39 = arith.addf %add3A_34, %concatenate3A_38 : vector<512x128xf32>
    %broadcast_in_dim3A_40 = arith.constant 0.000000e+00 : f32
    %broadcast_in_dim3A_41 = vector.broadcast %broadcast_in_dim3A_40 : f32 to vector<512x8xf32>
    %slice3A_42 = vector.extract_strided_slice %add3A_39 {offsets = [0, 0], sizes = [512, 120], strides = [1, 1]} : vector<512x128xf32> to vector<512x120xf32>
    %concatenate3A_43 = tpu.concatenate %broadcast_in_dim3A_41, %slice3A_42 in 1 : vector<512x8xf32>, vector<512x120xf32> -> vector<512x128xf32>
    %add3A_44 = arith.addf %add3A_39, %concatenate3A_43 : vector<512x128xf32>
    %broadcast_in_dim3A_45 = arith.constant 0.000000e+00 : f32
    %broadcast_in_dim3A_46 = vector.broadcast %broadcast_in_dim3A_45 : f32 to vector<512x16xf32>
    %slice3A_47 = vector.extract_strided_slice %add3A_44 {offsets = [0, 0], sizes = [512, 112], strides = [1, 1]} : vector<512x128xf32> to vector<512x112xf32>
    %concatenate3A_48 = tpu.concatenate %broadcast_in_dim3A_46, %slice3A_47 in 1 : vector<512x16xf32>, vector<512x112xf32> -> vector<512x128xf32>
    %add3A_49 = arith.addf %add3A_44, %concatenate3A_48 : vector<512x128xf32>
    %broadcast_in_dim3A_50 = arith.constant 0.000000e+00 : f32
    %broadcast_in_dim3A_51 = vector.broadcast %broadcast_in_dim3A_50 : f32 to vector<512x32xf32>
    %slice3A_52 = vector.extract_strided_slice %add3A_49 {offsets = [0, 0], sizes = [512, 96], strides = [1, 1]} : vector<512x128xf32> to vector<512x96xf32>
    %concatenate3A_53 = tpu.concatenate %broadcast_in_dim3A_51, %slice3A_52 in 1 : vector<512x32xf32>, vector<512x96xf32> -> vector<512x128xf32>
    %add3A_54 = arith.addf %add3A_49, %concatenate3A_53 : vector<512x128xf32>
    %broadcast_in_dim3A_55 = arith.constant 0.000000e+00 : f32
    %broadcast_in_dim3A_56 = vector.broadcast %broadcast_in_dim3A_55 : f32 to vector<512x64xf32>
    %slice3A_57 = vector.extract_strided_slice %add3A_54 {offsets = [0, 0], sizes = [512, 64], strides = [1, 1]} : vector<512x128xf32> to vector<512x64xf32>
    %concatenate3A_58 = tpu.concatenate %broadcast_in_dim3A_56, %slice3A_57 in 1 : vector<512x64xf32>, vector<512x64xf32> -> vector<512x128xf32>
    %add3A_59 = arith.addf %add3A_54, %concatenate3A_58 : vector<512x128xf32>
    %broadcast_in_dim3A_60 = arith.constant 0.000000e+00 : f32
    %broadcast_in_dim3A_61 = vector.broadcast %broadcast_in_dim3A_60 : f32 to vector<512x1xf32>
    %slice3A_62 = vector.extract_strided_slice %add3A_59 {offsets = [0, 0], sizes = [512, 127], strides = [1, 1]} : vector<512x128xf32> to vector<512x127xf32>
    %min3A = arith.constant 1.000000e+00 : f32
    %min3A_63 = vector.broadcast %min3A : f32 to vector<512x127xf32>
    %min3A_64 = arith.minimumf %slice3A_62, %min3A_63 : vector<512x127xf32>
    %broadcast_in_dim3A_65 = arith.constant 1.000000e+00 : f32
    %broadcast_in_dim3A_66 = vector.broadcast %broadcast_in_dim3A_65 : f32 to vector<512x1xf32>
    %concatenate3A_67 = tpu.concatenate %broadcast_in_dim3A_61, %min3A_64, %broadcast_in_dim3A_66 in 1 : vector<512x1xf32>, vector<512x127xf32>, vector<512x1xf32> -> vector<512x129xf32>
    %swap3A = arith.constant 0 : index
    %swap3A_68 = arith.constant 0 : index
    %swap3A_69 = vector.load %arg2[%swap3A, %swap3A_68] : memref<512x129xf32, #tpu.memory_space<vmem>>, vector<512x129xf32>
    tpu.vector_store %arg2[%swap3A, %swap3A_68], %concatenate3A_67 {strides = array<i32>} : memref<512x129xf32, #tpu.memory_space<vmem>>, vector<512x129xf32>,
    %slice3A_70 = vector.extract_strided_slice %concatenate3A_67 {offsets = [0, 1], sizes = [512, 128], strides = [1, 1]} : vector<512x129xf32> to vector<512x128xf32>
    %mul3A_71 = arith.constant 128.000015 : f32
    %mul3A_72 = vector.broadcast %mul3A_71 : f32 to vector<512x128xf32>
    %mul3A_73 = arith.mulf %slice3A_70, %mul3A_72 : vector<512x128xf32>
    %convert_element_type3A = arith.fptosi %mul3A_73 : vector<512x128xf32> to vector<512x128xi32>
    %convert_element_type3A_74 = arith.sitofp %convert_element_type3A : vector<512x128xi32> to vector<512x128xf32>
    %lt3A = arith.cmpf olt, %convert_element_type3A_74, %mul3A_73 : vector<512x128xf32>
    %convert_element_type3A_75 = arith.extui %lt3A : vector<512x128xi1> to vector<512x128xi32>
    %add3A_76 = arith.addi %convert_element_type3A, %convert_element_type3A_75 : vector<512x128xi32>
    %sub3A_77 = arith.constant 1 : i32
    %sub3A_78 = vector.broadcast %sub3A_77 : i32 to vector<512x128xi32>
    %sub3A_79 = arith.subi %add3A_76, %sub3A_78 : vector<512x128xi32>
    %convert_element_type3A_80 = arith.sitofp %sub3A_79 : vector<512x128xi32> to vector<512x128xf32>
    %mul3A_81 = arith.constant 0.00781249907 : f32
    %mul3A_82 = vector.broadcast %mul3A_81 : f32 to vector<512x128xf32>
    %mul3A_83 = arith.mulf %convert_element_type3A_80, %mul3A_82 : vector<512x128xf32>
    %ge3A = arith.cmpf oge, %mul3A_83, %slice3A_70 : vector<512x128xf32>
    %convert_element_type3A_84 = arith.extui %ge3A : vector<512x128xi1> to vector<512x128xi32>
    %sub3A_85 = arith.subi %add3A_76, %convert_element_type3A_84 : vector<512x128xi32>
    %convert_element_type3A_86 = arith.sitofp %add3A_76 : vector<512x128xi32> to vector<512x128xf32>
    %mul3A_87 = arith.constant 0.00781249907 : f32
    %mul3A_88 = vector.broadcast %mul3A_87 : f32 to vector<512x128xf32>
    %mul3A_89 = arith.mulf %convert_element_type3A_86, %mul3A_88 : vector<512x128xf32>
    %lt3A_90 = arith.cmpf olt, %mul3A_89, %slice3A_70 : vector<512x128xf32>
    %convert_element_type3A_91 = arith.extui %lt3A_90 : vector<512x128xi1> to vector<512x128xi32>
    %add3A_92 = arith.addi %sub3A_85, %convert_element_type3A_91 : vector<512x128xi32>
    %swap3A_93 = arith.constant 0 : index
    %swap3A_94 = arith.constant 0 : index
    %swap3A_95 = vector.load %arg3[%swap3A_93, %swap3A_94] : memref<512x128xi32, #tpu.memory_space<vmem>>, vector<512x128xi32>
    tpu.vector_store %arg3[%swap3A_93, %swap3A_94], %add3A_92 {strides = array<i32>} : memref<512x128xi32, #tpu.memory_space<vmem>>, vector<512x128xi32>,
    return
  }
  func.func @transform_0(%arg0: i32) -> (i32, i32) {
    %c0_i32 = arith.constant 0 : i32
    %c0_i32_0 = arith.constant 0 : i32
    return %arg0, %c0_i32 : i32, i32
  }
  func.func @transform_1(%arg0: i32) -> (i32, i32) {
    %c0_i32 = arith.constant 0 : i32
    %c0_i32_0 = arith.constant 0 : i32
    return %arg0, %c0_i32 : i32, i32
  }
  func.func @transform_2(%arg0: i32) -> (i32, i32) {
    %c0_i32 = arith.constant 0 : i32
    %c0_i32_0 = arith.constant 0 : i32
    return %arg0, %c0_i32 : i32, i32
  }
}

module attributes {stable_mosaic.version = 14 : i64} {
  func.func @_cast_body(%arg0: i32, %arg1: memref<512x6xf32, #tpu.memory_space<vmem>>, %arg2: memref<512x1xf32, #tpu.memory_space<vmem>>, %arg3: memref<512x129xf32, #tpu.memory_space<vmem>>, %arg4: memref<512x384xf32, #tpu.memory_space<vmem>>, %arg5: memref<512x384xf32, #tpu.memory_space<vmem>>) attributes {dimension_semantics = [#tpu.dimension_semantics<arbitrary>], iteration_bounds = array<i64: 8>, scalar_prefetch = 0 : i64, scratch_operands = 0 : i64, tpu.core_type = #tpu.core_type<tc>, window_params = [{transform_indices = @transform_0, window_bounds = array<i64: 512, 6>}, {transform_indices = @transform_1, window_bounds = array<i64: 512, 1>}, {transform_indices = @transform_2, window_bounds = array<i64: 512, 129>}, {transform_indices = @transform_3, window_bounds = array<i64: 512, 384>}, {transform_indices = @transform_4, window_bounds = array<i64: 512, 384>}]} {
    %get3A = arith.constant 0 : index
    %get3A_0 = arith.constant 0 : index
    %get3A_1 = vector.load %arg3[%get3A, %get3A_0] : memref<512x129xf32, #tpu.memory_space<vmem>>, vector<512x129xf32>
    %slice3A = vector.extract_strided_slice %get3A_1 {offsets = [0, 0], sizes = [512, 128], strides = [1, 1]} : vector<512x129xf32> to vector<512x128xf32>
    %slice3A_2 = vector.extract_strided_slice %get3A_1 {offsets = [0, 1], sizes = [512, 128], strides = [1, 1]} : vector<512x129xf32> to vector<512x128xf32>
    %add3A = arith.addf %slice3A, %slice3A_2 : vector<512x128xf32>
    %div3A = arith.constant 2.000000e+00 : f32
    %div3A_3 = vector.broadcast %div3A : f32 to vector<512x128xf32>
    %div3A_4 = arith.divf %add3A, %div3A_3 : vector<512x128xf32>
    %sub3A = arith.subf %slice3A_2, %slice3A : vector<512x128xf32>
    %integer_pow3A = arith.mulf %sub3A, %sub3A : vector<512x128xf32>
    %div3A_5 = arith.constant 1.200000e+01 : f32
    %div3A_6 = vector.broadcast %div3A_5 : f32 to vector<512x128xf32>
    %div3A_7 = arith.divf %integer_pow3A, %div3A_6 : vector<512x128xf32>
    %get3A_8 = arith.constant 0 : index
    %get3A_9 = arith.constant 0 : index
    %get3A_10 = vector.load %arg2[%get3A_8, %get3A_9] : memref<512x1xf32, #tpu.memory_space<vmem>>, vector<512x1xf32>
    %integer_pow3A_11 = arith.mulf %get3A_10, %get3A_10 : vector<512x1xf32>
    %div3A_12 = arith.constant 4.000000e+00 : f32
    %div3A_13 = vector.broadcast %div3A_12 : f32 to vector<512x1xf32>
    %div3A_14 = arith.divf %integer_pow3A_11, %div3A_13 : vector<512x1xf32>
    %get3A_15 = arith.constant 0 : index
    %get3A_16 = arith.constant 0 : index
    %get3A_17 = vector.load %arg1[%get3A_15, %get3A_16] : memref<512x6xf32, #tpu.memory_space<vmem>>, vector<512x6xf32>
    %slice3A_18 = vector.extract_strided_slice %get3A_17 {offsets = [0, 0], sizes = [512, 3], strides = [1, 1]} : vector<512x6xf32> to vector<512x3xf32>
    %slice3A_19 = vector.extract_strided_slice %get3A_17 {offsets = [0, 3], sizes = [512, 3], strides = [1, 1]} : vector<512x6xf32> to vector<512x3xf32>
    %mul3A = arith.mulf %slice3A_19, %slice3A_19 : vector<512x3xf32>
    %reduce_sum3A = arith.constant dense<0.000000e+00> : vector<512xf32>
    %reduce_sum3A_20 = vector.multi_reduction <add>, %mul3A, %reduce_sum3A [1] : vector<512x3xf32> to vector<512xf32>
    %broadcast_in_dim3A = vector.shape_cast %reduce_sum3A_20 : vector<512xf32> to vector<512x1xf32>
    %max3A = arith.constant 1.000000e-10 : f32
    %max3A_21 = vector.broadcast %max3A : f32 to vector<512x1xf32>
    %max3A_22 = arith.maximumf %max3A_21, %broadcast_in_dim3A : vector<512x1xf32>
    %mul3A_23 = arith.mulf %slice3A_19, %slice3A_19 : vector<512x3xf32>
    %div3A_24 = vector.broadcast %max3A_22 : vector<512x1xf32> to vector<512x3xf32>
    %div3A_25 = arith.divf %mul3A_23, %div3A_24 : vector<512x3xf32>
    %sub3A_26 = arith.constant 1.000000e+00 : f32
    %sub3A_27 = vector.broadcast %sub3A_26 : f32 to vector<512x3xf32>
    %sub3A_28 = arith.subf %sub3A_27, %div3A_25 : vector<512x3xf32>
    %slice3A_29 = vector.extract_strided_slice %slice3A_19 {offsets = [0, 0], sizes = [512, 1], strides = [1, 1]} : vector<512x3xf32> to vector<512x1xf32>
    %mul3A_30 = vector.broadcast %slice3A_29 : vector<512x1xf32> to vector<512x128xf32>
    %mul3A_31 = arith.mulf %mul3A_30, %div3A_4 : vector<512x128xf32>
    %slice3A_32 = vector.extract_strided_slice %slice3A_18 {offsets = [0, 0], sizes = [512, 1], strides = [1, 1]} : vector<512x3xf32> to vector<512x1xf32>
    %add3A_33 = vector.broadcast %slice3A_32 : vector<512x1xf32> to vector<512x128xf32>
    %add3A_34 = arith.addf %mul3A_31, %add3A_33 : vector<512x128xf32>
    %slice3A_35 = vector.extract_strided_slice %slice3A_19 {offsets = [0, 1], sizes = [512, 1], strides = [1, 1]} : vector<512x3xf32> to vector<512x1xf32>
    %mul3A_36 = vector.broadcast %slice3A_35 : vector<512x1xf32> to vector<512x128xf32>
    %mul3A_37 = arith.mulf %mul3A_36, %div3A_4 : vector<512x128xf32>
    %slice3A_38 = vector.extract_strided_slice %slice3A_18 {offsets = [0, 1], sizes = [512, 1], strides = [1, 1]} : vector<512x3xf32> to vector<512x1xf32>
    %add3A_39 = vector.broadcast %slice3A_38 : vector<512x1xf32> to vector<512x128xf32>
    %add3A_40 = arith.addf %mul3A_37, %add3A_39 : vector<512x128xf32>
    %slice3A_41 = vector.extract_strided_slice %slice3A_19 {offsets = [0, 2], sizes = [512, 1], strides = [1, 1]} : vector<512x3xf32> to vector<512x1xf32>
    %mul3A_42 = vector.broadcast %slice3A_41 : vector<512x1xf32> to vector<512x128xf32>
    %mul3A_43 = arith.mulf %mul3A_42, %div3A_4 : vector<512x128xf32>
    %slice3A_44 = vector.extract_strided_slice %slice3A_18 {offsets = [0, 2], sizes = [512, 1], strides = [1, 1]} : vector<512x3xf32> to vector<512x1xf32>
    %add3A_45 = vector.broadcast %slice3A_44 : vector<512x1xf32> to vector<512x128xf32>
    %add3A_46 = arith.addf %mul3A_43, %add3A_45 : vector<512x128xf32>
    %concatenate3A = tpu.concatenate %add3A_34, %add3A_40, %add3A_46 in 1 : vector<512x128xf32>, vector<512x128xf32>, vector<512x128xf32> -> vector<512x384xf32>
    %swap3A = arith.constant 0 : index
    %swap3A_47 = arith.constant 0 : index
    %swap3A_48 = vector.load %arg4[%swap3A, %swap3A_47] : memref<512x384xf32, #tpu.memory_space<vmem>>, vector<512x384xf32>
    tpu.vector_store %arg4[%swap3A, %swap3A_47], %concatenate3A {strides = array<i32>} : memref<512x384xf32, #tpu.memory_space<vmem>>, vector<512x384xf32>,
    %slice3A_49 = vector.extract_strided_slice %mul3A_23 {offsets = [0, 0], sizes = [512, 1], strides = [1, 1]} : vector<512x3xf32> to vector<512x1xf32>
    %mul3A_50 = vector.broadcast %slice3A_49 : vector<512x1xf32> to vector<512x128xf32>
    %mul3A_51 = arith.mulf %div3A_7, %mul3A_50 : vector<512x128xf32>
    %slice3A_52 = vector.extract_strided_slice %sub3A_28 {offsets = [0, 0], sizes = [512, 1], strides = [1, 1]} : vector<512x3xf32> to vector<512x1xf32>
    %mul3A_53 = arith.mulf %div3A_14, %slice3A_52 : vector<512x1xf32>
    %add3A_54 = vector.broadcast %mul3A_53 : vector<512x1xf32> to vector<512x128xf32>
    %add3A_55 = arith.addf %mul3A_51, %add3A_54 : vector<512x128xf32>
    %slice3A_56 = vector.extract_strided_slice %mul3A_23 {offsets = [0, 1], sizes = [512, 1], strides = [1, 1]} : vector<512x3xf32> to vector<512x1xf32>
    %mul3A_57 = vector.broadcast %slice3A_56 : vector<512x1xf32> to vector<512x128xf32>
    %mul3A_58 = arith.mulf %div3A_7, %mul3A_57 : vector<512x128xf32>
    %slice3A_59 = vector.extract_strided_slice %sub3A_28 {offsets = [0, 1], sizes = [512, 1], strides = [1, 1]} : vector<512x3xf32> to vector<512x1xf32>
    %mul3A_60 = arith.mulf %div3A_14, %slice3A_59 : vector<512x1xf32>
    %add3A_61 = vector.broadcast %mul3A_60 : vector<512x1xf32> to vector<512x128xf32>
    %add3A_62 = arith.addf %mul3A_58, %add3A_61 : vector<512x128xf32>
    %slice3A_63 = vector.extract_strided_slice %mul3A_23 {offsets = [0, 2], sizes = [512, 1], strides = [1, 1]} : vector<512x3xf32> to vector<512x1xf32>
    %mul3A_64 = vector.broadcast %slice3A_63 : vector<512x1xf32> to vector<512x128xf32>
    %mul3A_65 = arith.mulf %div3A_7, %mul3A_64 : vector<512x128xf32>
    %slice3A_66 = vector.extract_strided_slice %sub3A_28 {offsets = [0, 2], sizes = [512, 1], strides = [1, 1]} : vector<512x3xf32> to vector<512x1xf32>
    %mul3A_67 = arith.mulf %div3A_14, %slice3A_66 : vector<512x1xf32>
    %add3A_68 = vector.broadcast %mul3A_67 : vector<512x1xf32> to vector<512x128xf32>
    %add3A_69 = arith.addf %mul3A_65, %add3A_68 : vector<512x128xf32>
    %concatenate3A_70 = tpu.concatenate %add3A_55, %add3A_62, %add3A_69 in 1 : vector<512x128xf32>, vector<512x128xf32>, vector<512x128xf32> -> vector<512x384xf32>
    %swap3A_71 = arith.constant 0 : index
    %swap3A_72 = arith.constant 0 : index
    %swap3A_73 = vector.load %arg5[%swap3A_71, %swap3A_72] : memref<512x384xf32, #tpu.memory_space<vmem>>, vector<512x384xf32>
    tpu.vector_store %arg5[%swap3A_71, %swap3A_72], %concatenate3A_70 {strides = array<i32>} : memref<512x384xf32, #tpu.memory_space<vmem>>, vector<512x384xf32>,
    return
  }
  func.func @transform_0(%arg0: i32) -> (i32, i32) {
    %c0_i32 = arith.constant 0 : i32
    %c0_i32_0 = arith.constant 0 : i32
    return %arg0, %c0_i32 : i32, i32
  }
  func.func @transform_1(%arg0: i32) -> (i32, i32) {
    %c0_i32 = arith.constant 0 : i32
    %c0_i32_0 = arith.constant 0 : i32
    return %arg0, %c0_i32 : i32, i32
  }
  func.func @transform_2(%arg0: i32) -> (i32, i32) {
    %c0_i32 = arith.constant 0 : i32
    %c0_i32_0 = arith.constant 0 : i32
    return %arg0, %c0_i32 : i32, i32
  }
  func.func @transform_3(%arg0: i32) -> (i32, i32) {
    %c0_i32 = arith.constant 0 : i32
    %c0_i32_0 = arith.constant 0 : i32
    return %arg0, %c0_i32 : i32, i32
  }
  func.func @transform_4(%arg0: i32) -> (i32, i32) {
    %c0_i32 = arith.constant 0 : i32
    %c0_i32_0 = arith.constant 0 : i32
    return %arg0, %c0_i32 : i32, i32
  }
}

</mosaic_0001>

<sc_bundles>
// kernel: kernel.5.cloned.1.call-start
scs
__scs_entry_jumppad:
0x0: {  	(pc) =	sbr.rel $0x88, $3  }
0x1: {  	(tag) =	ssettag $0x0;
	lr =	simm.s32 $0x1  }
0x2: {  	[smem:$0x3F9D] =	sst lr;
	_ =	strace $0xD0000000  }
0x3: {  	_ = 	snop  }
0x4: {  	_ = 	snop  }
0x5: {  	_ = 	snop  }
0x6: {  	_ = 	snop  }
0x7: {  	_ = 	snop  }
__scs_overlays_trampoline_lowered:
0x8: {  	[smem:$0x3FAC] =	sst s0  }
0x9: {  	[smem:$0x3FAD] =	sst s1  }
0xa: {  	[smem:$0x3FAE] =	sst s2  }
0xb: {  	[smem:$0x3FAF] =	sst s3  }
0xc: {  	[smem:$0x3FB0] =	sst s4  }
0xd: {  	[smem:$0x3FB1] =	sst s5  }
0xe: {  	[smem:$0x3FB2] =	sst s6  }
0xf: {  	[smem:$0x3FB3] =	sst s7  }
0x10: {  	[smem:$0x3FB4] =	sst s8  }
0x11: {  	[smem:$0x3FB5] =	sst s9;
	s0 =	simm.s32 @!p0 $0x0  }
0x12: {  	s1 =	sld [smem:$0x3F9B];
	s0 =	simm.s32 @p0 $0x1  }
0x13: {  	[smem:$0x3FB6] =	sst s0;
	s0 =	simm.s32 @!p1 $0x0  }
0x14: {  	s2 =	sld [smem:$0x3F9A];
	s0 =	simm.s32 @p1 $0x1  }
0x15: {  	[smem:$0x3FB7] =	sst s0;
	s0 =	simm.s32 @!p2 $0x0  }
0x16: {  	s3 =	sld [smem:$0x3FDB];
	s0 =	simm.s32 @p2 $0x1  }
0x17: {  	s4 =	simm.s32 $0x1BF5;
	[smem:$0x3FB9] =	sst s0  }
0x18: {  	s0 =	sld [smem:$0x3F9C];
	_ =	swait.ge [sflag:s4], $0x0  }
0x19: {  	s7 =	sld [smem:$0x3F9D]  }
0x1a: {  	s8 =	sadd.s32 $0xFFFFE003, lr  }
0x1b: {  	s9 =	sadd.s32 $0xFFFFFEF7, lr;
	s5 =	simm.s32 $0xFFFFFFFF;
	p2 =	slt.u32 s8, $0xFFFFF086  }
0x1c: {  	p1 =	slt.u32 s9, $0xF7A;
	s5 =	simm.s32 @!p2 $0x0  }
0x1d: {  	s5 =	simm.s32 @p1 $0x1;
	p0 =	seq.s32 s7, s2  }
0x1e: {  	s7 =	smul.u32 @!p0 $0xF7A, s2;
	p2 =	seq.s32 @!p0 s5, $0x0  }
0x1f: {  	s9 =	smul.u32 $0xF7A, s1;
	s8 =	simm.s32 @!p0 $0x1BF5;
	p2 =	por !p2, p0  }
0x20: {  	[sflag:s8] =	ssyncset.s32 @!p0 $0xFFFFF086;
	s6 =	sadd.s32 @!p0 s3, s7;
	s7 =	simm.s32 @!p0 $0x108  }
0x21: {  	s3 =	sadd.s32 s3, s9;
	s6 =	sadd.s32 @!p0 $0x88, s6;
	s7 =	simm.s32 @p2 $0x1082  }
0x22: {  	[simem:s7], [sflag:s8] =	dma.local @!p0 [hbm:s6], $0xF7A  }
0x23: {  	s9 =	sor.u32 $0xD0000000, s2;
	s6 =	simm.s32 $0x108;
	_ =	swait.ge @!p0 [sflag:s8], $0x0  }
0x24: {  	s3 =	sadd.s32 $0x88, s3;
	s6 =	simm.s32 @!p1 $0x1082;
	[sflag:s4] =	ssyncset.s32 $0xFFFFF086  }
0x25: {  	[simem:s6], [sflag:s4] =	dma.local [hbm:s3], $0xF7A  }
0x26: {  	[smem:$0x3F9D] =	sst s1;
	(tag) =	ssettag s2;
	_ =	strace s9  }
0x27: {  	s1 =	sld [smem:$0x3FAD]  }
0x28: {  	s2 =	sld [smem:$0x3FAE]  }
0x29: {  	s4 =	sld [smem:$0x3FB0]  }
0x2a: {  	p0 =	seq.s32 s5, $0x0;
	s5 =	sld [smem:$0x3FB1]  }
0x2b: {  	s6 =	sld [smem:$0x3FB2]  }
0x2c: {  	s7 =	sld [smem:$0x3FB3]  }
0x2d: {  	s3 =	simm.s32 $0x108;
	s8 =	sld [smem:$0x3FB4]  }
0x2e: {  	s3 =	simm.s32 @!p0 $0x1082;
	s9 =	sld [smem:$0x3FB5]  }
0x2f: {  	lr =	sadd.s32 s0, s3;
	s0 =	sld [smem:$0x3FAC]  }
0x30: {  	s3 =	sld [smem:$0x3FAF]  }
0x31: {  	[smem:$0x3FB8] =	sst s10  }
0x32: {  	s10 =	sld [smem:$0x3FB6];
	_ =	sdelay $0x3  }
0x33: {  	p0 =	seq.s32 s10, $0x1;
	s10 =	sld [smem:$0x3FB8];
	_ =	sdelay $0x3  }
0x34: {  	[smem:$0x3FB8] =	sst s10  }
0x35: {  	s10 =	sld [smem:$0x3FB7];
	_ =	sdelay $0x3  }
0x36: {  	p1 =	seq.s32 s10, $0x1;
	s10 =	sld [smem:$0x3FB8];
	_ =	sdelay $0x3  }
0x37: {  	[smem:$0x3FB8] =	sst s10  }
0x38: {  	s10 =	sld [smem:$0x3FB9]  }
0x39: {  	_ = 	snop;
	(pc) =	sbr.ind lr, $3  }
0x3a: {  	_ = 	snop  }
0x3b: {  	_ = 	snop  }
0x3c: {  	p2 =	seq.s32 s10, $0x1;
	s10 =	sld [smem:$0x3FB8]  }
0x3d: {  	_ =	shalt  }
0x3e: {  	_ =	shalt  }
0x3f: {  	_ =	shalt  }
0x40: {  	_ =	shalt  }
0x41: {  	_ =	shalt  }
0x42: {  	_ =	shalt  }
0x43: {  	_ =	shalt  }
0x44: {  	_ =	shalt  }
0x45: {  	_ =	shalt  }
0x46: {  	_ =	shalt  }
0x47: {  	_ =	shalt  }
0x48: {  	_ =	shalt  }
0x49: {  	_ =	shalt  }
0x4a: {  	_ =	shalt  }
0x4b: {  	_ =	shalt  }
0x4c: {  	_ =	shalt  }
0x4d: {  	_ =	shalt  }
0x4e: {  	_ =	shalt  }
0x4f: {  	_ =	shalt  }
0x50: {  	_ =	shalt  }
0x51: {  	_ =	shalt  }
0x52: {  	_ =	shalt  }
0x53: {  	_ =	shalt  }
0x54: {  	_ =	shalt  }
0x55: {  	_ =	shalt  }
0x56: {  	_ =	shalt  }
0x57: {  	_ =	shalt  }
0x58: {  	_ =	shalt  }
0x59: {  	_ =	shalt  }
0x5a: {  	_ =	shalt  }
0x5b: {  	_ =	shalt  }
0x5c: {  	_ =	shalt  }
0x5d: {  	_ =	shalt  }
0x5e: {  	_ =	shalt  }
0x5f: {  	_ =	shalt  }
0x60: {  	_ =	shalt  }
0x61: {  	_ =	shalt  }
0x62: {  	_ =	shalt  }
0x63: {  	_ =	shalt  }
0x64: {  	_ =	shalt  }
0x65: {  	_ =	shalt  }
0x66: {  	_ =	shalt  }
0x67: {  	_ =	shalt  }
0x68: {  	_ =	shalt  }
0x69: {  	_ =	shalt  }
0x6a: {  	_ =	shalt  }
0x6b: {  	_ =	shalt  }
0x6c: {  	_ =	shalt  }
0x6d: {  	_ =	shalt  }
0x6e: {  	_ =	shalt  }
0x6f: {  	_ =	shalt  }
0x70: {  	_ =	shalt  }
0x71: {  	_ =	shalt  }
0x72: {  	_ =	shalt  }
0x73: {  	_ =	shalt  }
0x74: {  	_ =	shalt  }
0x75: {  	_ =	shalt  }
0x76: {  	_ =	shalt  }
0x77: {  	_ =	shalt  }
0x78: {  	_ =	shalt  }
0x79: {  	_ =	shalt  }
0x7a: {  	_ =	shalt  }
0x7b: {  	_ =	shalt  }
0x7c: {  	_ =	shalt  }
0x7d: {  	_ =	shalt  }
0x7e: {  	_ =	shalt  }
0x7f: {  	_ =	shalt  }
0x80: {  	_ =	shalt  }
0x81: {  	_ =	shalt  }
0x82: {  	_ =	shalt  }
0x83: {  	_ =	shalt  }
0x84: {  	_ =	shalt  }
0x85: {  	_ =	shalt  }
0x86: {  	_ =	shalt  }
0x87: {  	_ =	shalt  }
.Lfunc_end0:
.L_simem_size_0:
called_computation_lowered:
.L_overlay_start_0:
0x88: {  	s2 =	sld [smem:$0x3FD9]  }
0x89: {  	s3 =	sld [smem:$0x3FFE];
	_ =	sdelay $0x1  }
0x8a: {  	s1 =	srdreg.scid  }
0x8b: {  	s0 =	sand.u32 $0x1, s1  }
0x8c: {  	s14 =	sshll.u32 s0, $0xA;
	s2 =	sadd.s32 s3, s2  }
0x8d: {  	s2 =	sadd.s32 s2, s14  }
0x8e: {  	[smem:$0x3FC4] =	sst s2  }
0x8f: {  	_ = 	snop  }
0x90: {  	s2 =	sld [smem:$0x3FD0];
	_ =	sdelay $0x2  }
0x91: {  	s15 =	simm.s32 $0xA;
	s4 =	simm.s32 $0x10  }
0x92: {  	[smem:s4], [sflag:s15] =	dma.local [hbm:s2], $0x1  }
0x93: {  	_ =	swait.eq [sflag:s15], $0x1  }
0x94: {  	s16 =	sld [smem:$0x10];
	[sflag:s15] =	ssyncset.done $0x0  }
0x95: {  	s17 =	sld [smem:$0x11];
	[sflag:s15] =	ssyncadd.s32 $0xFFFFFFFF  }
0x96: {  	s18 =	sld [smem:$0x12];
	(tm) =	ssettm $0x1  }
0x97: {  	s5 =	sld [smem:$0x3FFB];
	_ =	sdelay $0x3  }
0x98: {  	_ =	strace s5  }
0x99: {  	s5 =	sld [smem:$0x3FFC];
	_ =	sdelay $0x3  }
0x9a: {  	_ =	strace s5  }
0x9b: {  	s5 =	sld [smem:$0x3FFD];
	_ =	sdelay $0x3  }
0x9c: {  	_ =	strace s5  }
0x9d: {  	_ =	strace $0x8FFFFFFF  }
0x9e: {  	s19 =	sld [smem:$0x3FDB];
	_ =	sdelay $0x1  }
0x9f: {  	s6 =	simm.s32 $_scs_section_size  }
0xa0: {  	s7 =	simm.s32 $_size__tile_overlayer_lowered;
	s8 =	simm.s32 $_tile_overlayer_lowered  }
0xa1: {  	s22 =	simm.s32 $0x1BFF;
	s21 =	sshll.u32 s8, $0x1;
	s5 =	sadd.s32 s6, s19  }
0xa2: {  	s9 =	simm.s32 $0x0;
	s20 =	sshll.u32 s7, $0x1;
	s7 =	sadd.s32 s21, s5  }
0xa3: {  	[timem:s9], [sflag:s22] =	dma.local [hbm:s7], s20  }
0xa4: {  	_ =	swait.ge [sflag:s22], s20  }
0xa5: {  	s6 =	ssub.s32 $0x0, s20;
	[sflag:s22] =	ssyncset.done $0x0  }
0xa6: {  	[sflag:s22] =	ssyncadd.s32 s6;
	_ =	sdelay $0x1  }
0xa7: {  	s23 =	simm.s32 $0x1B8B  }
0xa8: {  	_ =	swait.ge [sflag:s23], $0x1  }
0xa9: {  	[sflag:s23] =	ssyncset.done $0x0  }
0xaa: {  	s25 =	simm.s32 $0x1B8E;
	s24 =	sld [smem:$0x3FFE];
	[sflag:s23] =	ssyncadd.s32 $0xFFFFFFFF  }
0xab: {  	s26 =	simm.s32 $execute0_lowered;
	[smem:$0x3FD2] =	sst s25  }
0xac: {  	s7 =	sshll.u32 s26, $0x1;
	_ =	strace $0x80000046;
	[dreg:$0x1] =	wrdreg $0xFFFFFFFF  }
0xad: {  	s28 =	simm.s32 $_size_execute0_lowered;
	s5 =	sadd.s32 s5, s7;
	[dreg:$0x0] =	wrdreg $0x0  }
0xae: {  	s7 =	sshll.u32 s28, $0x1;
	[dreg:$0x2] =	wrdreg s5  }
0xaf: {  	[dreg:$0x3] =	wrdreg s7  }
0xb0: {  	[dreg:$0x4] =	wrdreg $0xC0  }
0xb1: {  	_ =	task [dreg:s9], $0x5FFFF  }
0xb2: {  	[dreg:$0x1] =	wrdreg $0xFFFFFFFF  }
0xb3: {  	[dreg:$0x0] =	wrdreg $0x60  }
0xb4: {  	[dreg:$0x2] =	wrdreg s16  }
0xb5: {  	[dreg:$0x3] =	wrdreg s24  }
0xb6: {  	[dreg:$0x4] =	wrdreg s18  }
0xb7: {  	[dreg:$0x5] =	wrdreg s17  }
0xb8: {  	[dreg:$0x6] =	wrdreg $0x9  }
0xb9: {  	_ =	task.clear_ibuf [dreg:s9], $0x7FFFF;
	_ =	strace $0x90000046  }
0xba: {  	s29 =	simm.s32 $0x9;
	_ =	strace $0x80000048  }
0xbb: {  	_ =	swait.ge [sflag:s29], $0x1  }
0xbc: {  	[sflag:s29] =	ssyncadd.s32 $0xFFFFFFFF  }
0xbd: {  	_ =	strace $0x90000048  }
0xbe: {  	_ =	sfence  }
0xbf: {  	s30 =	sld [smem:$0x0];
	_ =	sdelay $0x2  }
0xc0: {  	s31 =	sshll.u32 s1, $0xD;
	s1 =	sshrl.u32 s1, $0x2  }
0xc1: {  	s3 =	sand.u32 $0x4000, s31;
	s1 =	sadd.s32 s1, s30  }
0xc2: {  	s0 =	sor.u32 s3, s0;
	s1 =	sshll.u32 s1, $0x11  }
0xc3: {  	s0 =	sor.u32 s1, s0  }
0xc4: {  	s0 =	sadd.s32 $0x8F2B, s0  }
0xc5: {  	[sflag:s0] =	ssyncadd.remote.s32 $0x1  }
0xc6: {  	_ =	sfence.sel $0xFFFF  }
0xc7: {  	[dreg:$0x0] =	wrdreg $0xFFFFFFFF;
	(pc) =	sbr.abs _section_cstart, $3  }
0xc8: {  	[dreg:$0x1] =	wrdreg $0xFFFFFFFF  }
0xc9: {  	_ =	task.clear_ibuf [dreg:s9], $0x2FFFF;
	_ =	strace $0x9FFFFFFF  }
0xca: {  	(tm) =	ssettm $0x7FFFFFFF  }
0xcb: {  	_ =	shalt  }
tec
execute0_lowered:
.L_overlay_start_1:
0x0: {  	(tag) =	ssettag $0x1  }
0x1: {  	s3 =	rddreg [dreg:$0x0]  }
0x2: {  	s4 =	rddreg [dreg:$0x1]  }
0x3: {  	s5 =	rddreg [dreg:$0x2]  }
0x4: {  	s6 =	rddreg [dreg:$0x3]  }
0x5: {  	s0 =	rddreg [dreg:$0x4];
	s2 =	simm.s32 $0x0  }
0x6: {  	s7 =	srdreg.scid;
	s1 =	stileid.u32;
	s12 =	simm.s32 $0x8080  }
0x7: {  	s13 =	simm.s32 $0x10180;
	s14 =	simm.s32 $0xC100;
	s15 =	simm.s32 $0x0  }
0x8: {  	[smem:$0x7FF] =	sst s2;
	s7 =	sand.u32 $0x1, s7;
	s9 =	sshll.u32 s1, $0x8  }
0x9: {  	s8 =	sshrl.u32 s1, $0x2;
	s10 =	sshll.u32 s7, $0x7;
	s9 =	sand.u32 $0x300, s9  }
0xa: {  	s11 =	smul.u32 $0x20400, s8;
	_ =	strace $0x80000047;
	s7 =	ssub.s32 $0x2, s7  }
0xb: {  	v0 =	vlaneseq.u32;
	s8 =	sshll.u32 s8, $0x11;
	s9 =	sor.u32 s10, s9;
	s31 =	sshrl.u32 s7, $0x1  }
0xc: {  	v1 =	vmul.u32 $0x81, v0;
	s10 =	simm.s32 $0x1;
	s8 =	sor.u32 s8, s9;
	s9 =	sor.u32 s11, s9  }
0xd: {  	s7 =	ssub.s32 s7, s31;
	s11 =	simm.s32 $0x4080;
	s8 =	sshrl.u32 s8, $0x3  }
0xe: {  	v2 =	vimm.s32 $0x0;
	v3 =	vadd.s32 $0xFFFFFFFF, v1;
	s9 =	sshrl.u32 s9, $0x3;
	s7 =	smax.u32 s7, $0x1;
	s4 =	sadd.s32 s8, s4  }
0xf: {  	v4 =	vadd.s32 $0x80F, v1;
	v5 =	vadd.s32 $0x810, v1;
	v6 =	vadd.s32 $0x101F, v1;
	s3 =	sadd.s32 s3, s9;
	s5 =	sadd.s32 s5, s9;
	s6 =	sadd.s32 s6, s9  }
0x10: {  	v7 =	vadd.s32 $0x1020, v1;
	v8 =	vadd.s32 $0x182F, v1;
	v9 =	vadd.s32 $0x1830, v1;
	s8 =	simm.s32 $0x80;
	s9 =	simm.s32 $0x400;
	s4 =	sadd.s32 $0x1000, s4  }
.LBB2_1:
0x11: {  	[tilespmem:s2], [sflag:$0x1] =	stream.strided.gather [hbm4b:s3+s8], $0x4080, s9, s8, $0x38;
	[tilespmem:$0x10A00] =	vst v63  }
0x12: {  	_ =	swait.ge [sflag:s10], $0x4080  }
0x13: {  	[sflag:s10] =	ssyncset.done $0x0  }
0x14: {  	[sflag:s10] =	ssyncadd.s32 $0xFFFFBF80  }
0x15: {  	[tilespmem:s11], [sflag:$0x1] =	stream.strided.gather [hbm4b:s4+s8], $0x4000, s9, s8, $0x38;
	[tilespmem:$0x10A00] =	vst v63  }
0x16: {  	_ =	swait.ge [sflag:s10], $0x4000  }
0x17: {  	[sflag:s10] =	ssyncset.done $0x0  }
0x18: {  	[sflag:s10] =	ssyncadd.s32 $0xFFFFC000  }
0x19: {  	[tilespmem:s12], [sflag:$0x1] =	stream.strided.gather [hbm4b:s5+s8], $0x4080, s9, s8, $0x38;
	[tilespmem:$0x10A00] =	vst v63  }
0x1a: {  	_ =	swait.ge [sflag:s10], $0x4080  }
0x1b: {  	[sflag:s10] =	ssyncset.done $0x0  }
0x1c: {  	s16 =	simm.s32 $0x101A0;
	[sflag:s10] =	ssyncadd.s32 $0xFFFFBF80  }
0x1d: {  	[tilespmem:s16+$0xFFFFFFE0] =	vst v2  }
0x1e: {  	[tilespmem:s16+$0x20] =	vst v2  }
0x1f: {  	[tilespmem:s16+$0x10] =	vst v2  }
0x20: {  	s17 =	simm.s32 $0x0;
	s19 =	simm.s32 $0x4180;
	[tilespmem:s16+$0x0] =	vst v2  }
.LBB2_2:
0x21: {  	s17 =	sadd.s32 $0x5, s17  }
0x22: {  	[tilespmem:s16+$0xFFFFFFF0] =	vst v2;
	s16 =	sadd.s32 $0x50, s16;
	s20 =	simm.s32 $0xFFFFFFFC;
	p0 =	slt.u32 s17, $0x7D  }
.Ltmp0:
0x23: {  	[tilespmem:s16+$0xFFFFFFE0] =	vst v2;
	(pc) =	sbr.rel @p0 .LBB2_2-.Ltmp0, $4  }
0x24: {  	_ = 	snop  }
0x25: {  	[tilespmem:s16+$0x20] =	vst v2  }
0x26: {  	[tilespmem:s16+$0x10] =	vst v2  }
0x27: {  	[tilespmem:s16+$0x0] =	vst v2  }
0x28: {  	[tilespmem:s16+$0xFFFFFFF0] =	vst v2  }
.LBB2_4:
0x29: {  	v10 =	vld [tilespmem:s19+$0xFFFFFF00];
	_ =	sdelay $0x4  }
0x2a: {  	v10 =	vshll.u32 v10, $0x4  }
0x2b: {  	v11 =	vor.u32 v0, v10;
	_ =	sdelay $0x3  }
0x2c: {  	v10 =	vimm.s32 $0x1  }
0x2d: {  	[tilespmem:v11+s13+$0x0] =	vst.idx.add.s32.msk $0xffff, v10  }
0x2e: {  	v11 =	vld [tilespmem:s19+$0xFFFFFF80];
	_ =	sdelay $0x4  }
0x2f: {  	v11 =	vshll.u32 v11, $0x4  }
0x30: {  	v11 =	vor.u32 v0, v11;
	_ =	sdelay $0x4  }
0x31: {  	[tilespmem:v11+s13+$0x0] =	vst.idx.add.s32.msk $0xffff, v10  }
0x32: {  	v11 =	vld [tilespmem:s19+$0x0];
	_ =	sdelay $0x4  }
0x33: {  	v11 =	vshll.u32 v11, $0x4  }
0x34: {  	v11 =	vor.u32 v0, v11;
	_ =	sdelay $0x4  }
0x35: {  	[tilespmem:v11+s13+$0x0] =	vst.idx.add.s32.msk $0xffff, v10  }
0x36: {  	v11 =	vld [tilespmem:s19+$0x80];
	_ =	sdelay $0x4  }
0x37: {  	s20 =	sadd.s32 $0x4, s20;
	v11 =	vshll.u32 v11, $0x4  }
0x38: {  	p0 =	slt.u32 s20, $0x7C;
	v11 =	vor.u32 v0, v11  }
.Ltmp1:
0x39: {  	_ = 	snop;
	(pc) =	sbr.rel @p0 .LBB2_4-.Ltmp1, $3  }
0x3a: {  	_ =	sdelay $0x1  }
0x3b: {  	s16 =	simm.s32 $0x0  }
0x3c: {  	s17 =	simm.s32 $0xC200;
	s18 =	simm.s32 $0x101A0;
	s19 =	sadd.s32 $0x200, s19;
	[tilespmem:v11+s13+$0x0] =	vst.idx.add.s32.msk $0xffff, v10  }
.LBB2_5:
0x3d: {  	v11 =	vld [tilespmem:s18+$0xFFFFFFE0];
	_ =	sdelay $0x4  }
0x3e: {  	v10 =	vadd.s32 v10, v11  }
0x3f: {  	v11 =	vadd.s32 v3, v10  }
0x40: {  	v12 =	vadd.s32 v1, v10;
	_ =	sdelay $0x2  }
0x41: {  	[tilespmem:s18+$0xFFFFFFE0] =	vst v2  }
0x42: {  	v13 =	vld.idx.msk [tilespmem:v11+s2+$0x0], $0xffff  }
0x43: {  	v14 =	vld.idx.msk [tilespmem:v12+s2+$0x0], $0xffff;
	_ =	sdelay $0x4  }
0x44: {  	v14 =	vsub.f32 v14, v13;
	_ =	sdelay $0x1  }
0x45: {  	(erf) = vrcp.f32 v14;
	_ =	sdelay $0x3  }
0x46: {  	s19 =	scvt.s32.f32 s16;
	_ =	sdelay $0x1  }
0x47: {  	s19 =	smul.f32 $7.812499070e-03, s19;
	v11 =	vld.idx.msk [tilespmem:v11+s12+$0x0], $0xffff  }
0x48: {  	v12 =	vld.idx.msk [tilespmem:v12+s12+$0x0], $0xffff  }
0x49: {  	v13 =	vsub.f32 s19, v13  }
0x4a: {  	v14 =	vpop (erf)  }
0x4b: {  	v13 =	vmul.f32 v14, v13;
	_ =	sdelay $0x1  }
0x4c: {  	v12 =	vsub.f32 v12, v11;
	v13 =	vmax.f32 v13, $0.0e+00  }
0x4d: {  	v13 =	vmin.f32 v13, $1.000000000e+00  }
0x4e: {  	v12 =	vmul.f32 v13, v12;
	_ =	sdelay $0x1  }
0x4f: {  	v11 =	vadd.f32 v12, v11;
	_ =	sdelay $0x1  }
0x50: {  	[tilespmem:s17+$0xFFFFFF00] =	vst v11  }
0x51: {  	v11 =	vld [tilespmem:s18+$0xFFFFFFF0];
	_ =	sdelay $0x4  }
0x52: {  	v10 =	vadd.s32 v10, v11  }
0x53: {  	v11 =	vadd.s32 v3, v10  }
0x54: {  	v58 =	vadd.s32 v1, v10;
	_ =	sdelay $0x2  }
0x55: {  	[tilespmem:s18+$0xFFFFFFF0] =	vst v2  }
0x56: {  	v59 =	vld.idx.msk [tilespmem:v11+s2+$0x0], $0xffff  }
0x57: {  	v60 =	vld.idx.msk [tilespmem:v58+s2+$0x0], $0xffff;
	_ =	sdelay $0x4  }
0x58: {  	v14 =	vsub.f32 v60, v59;
	_ =	sdelay $0x1  }
0x59: {  	(erf) = vrcp.f32 v14;
	_ =	sdelay $0x2  }
0x5a: {  	s30 =	sadd.s32 $0x1, s16  }
0x5b: {  	s19 =	scvt.s32.f32 s30;
	_ =	sdelay $0x1  }
0x5c: {  	s19 =	smul.f32 $7.812499070e-03, s19;
	v11 =	vld.idx.msk [tilespmem:v11+s12+$0x0], $0xffff  }
0x5d: {  	v12 =	vld.idx.msk [tilespmem:v58+s12+$0x0], $0xffff  }
0x5e: {  	v13 =	vsub.f32 s19, v59  }
0x5f: {  	v14 =	vpop (erf)  }
0x60: {  	v13 =	vmul.f32 v14, v13;
	_ =	sdelay $0x1  }
0x61: {  	v12 =	vsub.f32 v12, v11;
	v13 =	vmax.f32 v13, $0.0e+00  }
0x62: {  	v13 =	vmin.f32 v13, $1.000000000e+00  }
0x63: {  	v12 =	vmul.f32 v13, v12;
	_ =	sdelay $0x1  }
0x64: {  	v11 =	vadd.f32 v12, v11;
	_ =	sdelay $0x1  }
0x65: {  	[tilespmem:s17+$0xFFFFFF80] =	vst v11  }
0x66: {  	v11 =	vld [tilespmem:s18+$0x0];
	_ =	sdelay $0x4  }
0x67: {  	v10 =	vadd.s32 v10, v11  }
0x68: {  	v11 =	vadd.s32 v3, v10  }
0x69: {  	v61 =	vadd.s32 v1, v10;
	_ =	sdelay $0x2  }
0x6a: {  	[tilespmem:s18+$0x0] =	vst v2  }
0x6b: {  	v62 =	vld.idx.msk [tilespmem:v11+s2+$0x0], $0xffff  }
0x6c: {  	v63 =	vld.idx.msk [tilespmem:v61+s2+$0x0], $0xffff;
	_ =	sdelay $0x4  }
0x6d: {  	v14 =	vsub.f32 v63, v62;
	_ =	sdelay $0x1  }
0x6e: {  	(erf) = vrcp.f32 v14;
	_ =	sdelay $0x2  }
0x6f: {  	s31 =	sadd.s32 $0x2, s16  }
0x70: {  	s19 =	scvt.s32.f32 s31;
	_ =	sdelay $0x1  }
0x71: {  	s19 =	smul.f32 $7.812499070e-03, s19;
	v11 =	vld.idx.msk [tilespmem:v11+s12+$0x0], $0xffff  }
0x72: {  	v12 =	vld.idx.msk [tilespmem:v61+s12+$0x0], $0xffff  }
0x73: {  	v13 =	vsub.f32 s19, v62  }
0x74: {  	v14 =	vpop (erf)  }
0x75: {  	v13 =	vmul.f32 v14, v13;
	_ =	sdelay $0x1  }
0x76: {  	v12 =	vsub.f32 v12, v11;
	v13 =	vmax.f32 v13, $0.0e+00  }
0x77: {  	p0 =	slt.u32 s16, $0x7E;
	v13 =	vmin.f32 v13, $1.000000000e+00  }
.Ltmp2:
0x78: {  	v12 =	vmul.f32 v13, v12;
	(pc) =	sbr.rel @p0 .LBB2_5-.Ltmp2, $4  }
0x79: {  	_ = 	snop  }
0x7a: {  	v11 =	vadd.f32 v12, v11  }
0x7b: {  	s16 =	sadd.s32 $0x3, s16;
	s20 =	simm.s32 $0x4190  }
0x7c: {  	s18 =	sadd.s32 $0x30, s18;
	s19 =	simm.s32 $0xFFFFFFFC;
	[tilespmem:s17+$0x0] =	vst v11;
	s17 =	sadd.s32 $0x180, s17  }
.LBB2_6:
0x7d: {  	v10 =	vld [tilespmem:s20+$0xFFFFFF00];
	_ =	sdelay $0x4  }
0x7e: {  	v10 =	vshll.u32 v10, $0x4  }
0x7f: {  	v11 =	vor.u32 v0, v10;
	_ =	sdelay $0x3  }
0x80: {  	v10 =	vimm.s32 $0x1  }
0x81: {  	[tilespmem:v11+s13+$0x0] =	vst.idx.add.s32.msk $0xffff, v10  }
0x82: {  	v11 =	vld [tilespmem:s20+$0xFFFFFF80];
	_ =	sdelay $0x4  }
0x83: {  	v11 =	vshll.u32 v11, $0x4  }
0x84: {  	v11 =	vor.u32 v0, v11;
	_ =	sdelay $0x4  }
0x85: {  	[tilespmem:v11+s13+$0x0] =	vst.idx.add.s32.msk $0xffff, v10  }
0x86: {  	v11 =	vld [tilespmem:s20+$0x0];
	_ =	sdelay $0x4  }
0x87: {  	v11 =	vshll.u32 v11, $0x4  }
0x88: {  	v11 =	vor.u32 v0, v11;
	_ =	sdelay $0x4  }
0x89: {  	[tilespmem:v11+s13+$0x0] =	vst.idx.add.s32.msk $0xffff, v10  }
0x8a: {  	v11 =	vld [tilespmem:s20+$0x80];
	_ =	sdelay $0x4  }
0x8b: {  	s19 =	sadd.s32 $0x4, s19;
	v11 =	vshll.u32 v11, $0x4  }
0x8c: {  	p0 =	slt.u32 s19, $0x7C;
	v11 =	vor.u32 v0, v11  }
.Ltmp3:
0x8d: {  	_ = 	snop;
	(pc) =	sbr.rel @p0 .LBB2_6-.Ltmp3, $3  }
0x8e: {  	_ =	sdelay $0x1  }
0x8f: {  	s16 =	simm.s32 $0x0  }
0x90: {  	s17 =	simm.s32 $0xC210;
	s18 =	simm.s32 $0x101A0;
	s20 =	sadd.s32 $0x200, s20;
	[tilespmem:v11+s13+$0x0] =	vst.idx.add.s32.msk $0xffff, v10  }
.LBB2_7:
0x91: {  	v11 =	vld [tilespmem:s18+$0xFFFFFFE0];
	_ =	sdelay $0x4  }
0x92: {  	v10 =	vadd.s32 v10, v11  }
0x93: {  	v11 =	vadd.s32 v4, v10  }
0x94: {  	v12 =	vadd.s32 v5, v10;
	_ =	sdelay $0x2  }
0x95: {  	[tilespmem:s18+$0xFFFFFFE0] =	vst v2  }
0x96: {  	v13 =	vld.idx.msk [tilespmem:v11+s2+$0x0], $0xffff  }
0x97: {  	v14 =	vld.idx.msk [tilespmem:v12+s2+$0x0], $0xffff;
	_ =	sdelay $0x4  }
0x98: {  	v14 =	vsub.f32 v14, v13;
	_ =	sdelay $0x1  }
0x99: {  	(erf) = vrcp.f32 v14;
	_ =	sdelay $0x3  }
0x9a: {  	s19 =	scvt.s32.f32 s16;
	_ =	sdelay $0x1  }
0x9b: {  	s19 =	smul.f32 $7.812499070e-03, s19;
	v11 =	vld.idx.msk [tilespmem:v11+s12+$0x0], $0xffff  }
0x9c: {  	v12 =	vld.idx.msk [tilespmem:v12+s12+$0x0], $0xffff  }
0x9d: {  	v13 =	vsub.f32 s19, v13  }
0x9e: {  	v14 =	vpop (erf)  }
0x9f: {  	v13 =	vmul.f32 v14, v13;
	_ =	sdelay $0x1  }
0xa0: {  	v12 =	vsub.f32 v12, v11;
	v13 =	vmax.f32 v13, $0.0e+00  }
0xa1: {  	v13 =	vmin.f32 v13, $1.000000000e+00  }
0xa2: {  	v12 =	vmul.f32 v13, v12;
	_ =	sdelay $0x1  }
0xa3: {  	v11 =	vadd.f32 v12, v11;
	_ =	sdelay $0x1  }
0xa4: {  	[tilespmem:s17+$0xFFFFFF00] =	vst v11  }
0xa5: {  	v11 =	vld [tilespmem:s18+$0xFFFFFFF0];
	_ =	sdelay $0x4  }
0xa6: {  	v10 =	vadd.s32 v10, v11  }
0xa7: {  	v11 =	vadd.s32 v4, v10  }
0xa8: {  	v58 =	vadd.s32 v5, v10;
	_ =	sdelay $0x2  }
0xa9: {  	[tilespmem:s18+$0xFFFFFFF0] =	vst v2  }
0xaa: {  	v59 =	vld.idx.msk [tilespmem:v11+s2+$0x0], $0xffff  }
0xab: {  	v60 =	vld.idx.msk [tilespmem:v58+s2+$0x0], $0xffff;
	_ =	sdelay $0x4  }
0xac: {  	v14 =	vsub.f32 v60, v59;
	_ =	sdelay $0x1  }
0xad: {  	(erf) = vrcp.f32 v14;
	_ =	sdelay $0x2  }
0xae: {  	s30 =	sadd.s32 $0x1, s16  }
0xaf: {  	s19 =	scvt.s32.f32 s30;
	_ =	sdelay $0x1  }
0xb0: {  	s19 =	smul.f32 $7.812499070e-03, s19;
	v11 =	vld.idx.msk [tilespmem:v11+s12+$0x0], $0xffff  }
0xb1: {  	v12 =	vld.idx.msk [tilespmem:v58+s12+$0x0], $0xffff  }
0xb2: {  	v13 =	vsub.f32 s19, v59  }
0xb3: {  	v14 =	vpop (erf)  }
0xb4: {  	v13 =	vmul.f32 v14, v13;
	_ =	sdelay $0x1  }
0xb5: {  	v12 =	vsub.f32 v12, v11;
	v13 =	vmax.f32 v13, $0.0e+00  }
0xb6: {  	v13 =	vmin.f32 v13, $1.000000000e+00  }
0xb7: {  	v12 =	vmul.f32 v13, v12;
	_ =	sdelay $0x1  }
0xb8: {  	v11 =	vadd.f32 v12, v11;
	_ =	sdelay $0x1  }
0xb9: {  	[tilespmem:s17+$0xFFFFFF80] =	vst v11  }
0xba: {  	v11 =	vld [tilespmem:s18+$0x0];
	_ =	sdelay $0x4  }
0xbb: {  	v10 =	vadd.s32 v10, v11  }
0xbc: {  	v11 =	vadd.s32 v4, v10  }
0xbd: {  	v61 =	vadd.s32 v5, v10;
	_ =	sdelay $0x2  }
0xbe: {  	[tilespmem:s18+$0x0] =	vst v2  }
0xbf: {  	v62 =	vld.idx.msk [tilespmem:v11+s2+$0x0], $0xffff  }
0xc0: {  	v63 =	vld.idx.msk [tilespmem:v61+s2+$0x0], $0xffff;
	_ =	sdelay $0x4  }
0xc1: {  	v14 =	vsub.f32 v63, v62;
	_ =	sdelay $0x1  }
0xc2: {  	(erf) = vrcp.f32 v14;
	_ =	sdelay $0x2  }
0xc3: {  	s31 =	sadd.s32 $0x2, s16  }
0xc4: {  	s19 =	scvt.s32.f32 s31;
	_ =	sdelay $0x1  }
0xc5: {  	s19 =	smul.f32 $7.812499070e-03, s19;
	v11 =	vld.idx.msk [tilespmem:v11+s12+$0x0], $0xffff  }
0xc6: {  	v12 =	vld.idx.msk [tilespmem:v61+s12+$0x0], $0xffff  }
0xc7: {  	v13 =	vsub.f32 s19, v62  }
0xc8: {  	v14 =	vpop (erf)  }
0xc9: {  	v13 =	vmul.f32 v14, v13;
	_ =	sdelay $0x1  }
0xca: {  	v12 =	vsub.f32 v12, v11;
	v13 =	vmax.f32 v13, $0.0e+00  }
0xcb: {  	p0 =	slt.u32 s16, $0x7E;
	v13 =	vmin.f32 v13, $1.000000000e+00  }
.Ltmp4:
0xcc: {  	v12 =	vmul.f32 v13, v12;
	(pc) =	sbr.rel @p0 .LBB2_7-.Ltmp4, $4  }
0xcd: {  	_ = 	snop  }
0xce: {  	v11 =	vadd.f32 v12, v11  }
0xcf: {  	s16 =	sadd.s32 $0x3, s16;
	s20 =	simm.s32 $0x41A0  }
0xd0: {  	s18 =	sadd.s32 $0x30, s18;
	s19 =	simm.s32 $0xFFFFFFFC;
	[tilespmem:s17+$0x0] =	vst v11;
	s17 =	sadd.s32 $0x180, s17  }
.LBB2_8:
0xd1: {  	v10 =	vld [tilespmem:s20+$0xFFFFFF00];
	_ =	sdelay $0x4  }
0xd2: {  	v10 =	vshll.u32 v10, $0x4  }
0xd3: {  	v11 =	vor.u32 v0, v10;
	_ =	sdelay $0x3  }
0xd4: {  	v10 =	vimm.s32 $0x1  }
0xd5: {  	[tilespmem:v11+s13+$0x0] =	vst.idx.add.s32.msk $0xffff, v10  }
0xd6: {  	v11 =	vld [tilespmem:s20+$0xFFFFFF80];
	_ =	sdelay $0x4  }
0xd7: {  	v11 =	vshll.u32 v11, $0x4  }
0xd8: {  	v11 =	vor.u32 v0, v11;
	_ =	sdelay $0x4  }
0xd9: {  	[tilespmem:v11+s13+$0x0] =	vst.idx.add.s32.msk $0xffff, v10  }
0xda: {  	v11 =	vld [tilespmem:s20+$0x0];
	_ =	sdelay $0x4  }
0xdb: {  	v11 =	vshll.u32 v11, $0x4  }
0xdc: {  	v11 =	vor.u32 v0, v11;
	_ =	sdelay $0x4  }
0xdd: {  	[tilespmem:v11+s13+$0x0] =	vst.idx.add.s32.msk $0xffff, v10  }
0xde: {  	v11 =	vld [tilespmem:s20+$0x80];
	_ =	sdelay $0x4  }
0xdf: {  	s19 =	sadd.s32 $0x4, s19;
	v11 =	vshll.u32 v11, $0x4  }
0xe0: {  	p0 =	slt.u32 s19, $0x7C;
	v11 =	vor.u32 v0, v11  }
.Ltmp5:
0xe1: {  	_ = 	snop;
	(pc) =	sbr.rel @p0 .LBB2_8-.Ltmp5, $3  }
0xe2: {  	_ =	sdelay $0x1  }
0xe3: {  	s16 =	simm.s32 $0x0  }
0xe4: {  	s17 =	simm.s32 $0xC220;
	s18 =	simm.s32 $0x101A0;
	s20 =	sadd.s32 $0x200, s20;
	[tilespmem:v11+s13+$0x0] =	vst.idx.add.s32.msk $0xffff, v10  }
.LBB2_9:
0xe5: {  	v11 =	vld [tilespmem:s18+$0xFFFFFFE0];
	_ =	sdelay $0x4  }
0xe6: {  	v10 =	vadd.s32 v10, v11  }
0xe7: {  	v11 =	vadd.s32 v6, v10  }
0xe8: {  	v12 =	vadd.s32 v7, v10;
	_ =	sdelay $0x2  }
0xe9: {  	[tilespmem:s18+$0xFFFFFFE0] =	vst v2  }
0xea: {  	v13 =	vld.idx.msk [tilespmem:v11+s2+$0x0], $0xffff  }
0xeb: {  	v14 =	vld.idx.msk [tilespmem:v12+s2+$0x0], $0xffff;
	_ =	sdelay $0x4  }
0xec: {  	v14 =	vsub.f32 v14, v13;
	_ =	sdelay $0x1  }
0xed: {  	(erf) = vrcp.f32 v14;
	_ =	sdelay $0x3  }
0xee: {  	s19 =	scvt.s32.f32 s16;
	_ =	sdelay $0x1  }
0xef: {  	s19 =	smul.f32 $7.812499070e-03, s19;
	v11 =	vld.idx.msk [tilespmem:v11+s12+$0x0], $0xffff  }
0xf0: {  	v12 =	vld.idx.msk [tilespmem:v12+s12+$0x0], $0xffff  }
0xf1: {  	v13 =	vsub.f32 s19, v13  }
0xf2: {  	v14 =	vpop (erf)  }
0xf3: {  	v13 =	vmul.f32 v14, v13;
	_ =	sdelay $0x1  }
0xf4: {  	v12 =	vsub.f32 v12, v11;
	v13 =	vmax.f32 v13, $0.0e+00  }
0xf5: {  	v13 =	vmin.f32 v13, $1.000000000e+00  }
0xf6: {  	v12 =	vmul.f32 v13, v12;
	_ =	sdelay $0x1  }
0xf7: {  	v11 =	vadd.f32 v12, v11;
	_ =	sdelay $0x1  }
0xf8: {  	[tilespmem:s17+$0xFFFFFF00] =	vst v11  }
0xf9: {  	v11 =	vld [tilespmem:s18+$0xFFFFFFF0];
	_ =	sdelay $0x4  }
0xfa: {  	v10 =	vadd.s32 v10, v11  }
0xfb: {  	v11 =	vadd.s32 v6, v10  }
0xfc: {  	v58 =	vadd.s32 v7, v10;
	_ =	sdelay $0x2  }
0xfd: {  	[tilespmem:s18+$0xFFFFFFF0] =	vst v2  }
0xfe: {  	v59 =	vld.idx.msk [tilespmem:v11+s2+$0x0], $0xffff  }
0xff: {  	v60 =	vld.idx.msk [tilespmem:v58+s2+$0x0], $0xffff;
	_ =	sdelay $0x4  }
0x100: {  	v14 =	vsub.f32 v60, v59;
	_ =	sdelay $0x1  }
0x101: {  	(erf) = vrcp.f32 v14;
	_ =	sdelay $0x2  }
0x102: {  	s30 =	sadd.s32 $0x1, s16  }
0x103: {  	s19 =	scvt.s32.f32 s30;
	_ =	sdelay $0x1  }
0x104: {  	s19 =	smul.f32 $7.812499070e-03, s19;
	v11 =	vld.idx.msk [tilespmem:v11+s12+$0x0], $0xffff  }
0x105: {  	v12 =	vld.idx.msk [tilespmem:v58+s12+$0x0], $0xffff  }
0x106: {  	v13 =	vsub.f32 s19, v59  }
0x107: {  	v14 =	vpop (erf)  }
0x108: {  	v13 =	vmul.f32 v14, v13;
	_ =	sdelay $0x1  }
0x109: {  	v12 =	vsub.f32 v12, v11;
	v13 =	vmax.f32 v13, $0.0e+00  }
0x10a: {  	v13 =	vmin.f32 v13, $1.000000000e+00  }
0x10b: {  	v12 =	vmul.f32 v13, v12;
	_ =	sdelay $0x1  }
0x10c: {  	v11 =	vadd.f32 v12, v11;
	_ =	sdelay $0x1  }
0x10d: {  	[tilespmem:s17+$0xFFFFFF80] =	vst v11  }
0x10e: {  	v11 =	vld [tilespmem:s18+$0x0];
	_ =	sdelay $0x4  }
0x10f: {  	v10 =	vadd.s32 v10, v11  }
0x110: {  	v11 =	vadd.s32 v6, v10  }
0x111: {  	v61 =	vadd.s32 v7, v10;
	_ =	sdelay $0x2  }
0x112: {  	[tilespmem:s18+$0x0] =	vst v2  }
0x113: {  	v62 =	vld.idx.msk [tilespmem:v11+s2+$0x0], $0xffff  }
0x114: {  	v63 =	vld.idx.msk [tilespmem:v61+s2+$0x0], $0xffff;
	_ =	sdelay $0x4  }
0x115: {  	v14 =	vsub.f32 v63, v62;
	_ =	sdelay $0x1  }
0x116: {  	(erf) = vrcp.f32 v14;
	_ =	sdelay $0x2  }
0x117: {  	s31 =	sadd.s32 $0x2, s16  }
0x118: {  	s19 =	scvt.s32.f32 s31;
	_ =	sdelay $0x1  }
0x119: {  	s19 =	smul.f32 $7.812499070e-03, s19;
	v11 =	vld.idx.msk [tilespmem:v11+s12+$0x0], $0xffff  }
0x11a: {  	v12 =	vld.idx.msk [tilespmem:v61+s12+$0x0], $0xffff  }
0x11b: {  	v13 =	vsub.f32 s19, v62  }
0x11c: {  	v14 =	vpop (erf)  }
0x11d: {  	v13 =	vmul.f32 v14, v13;
	_ =	sdelay $0x1  }
0x11e: {  	v12 =	vsub.f32 v12, v11;
	v13 =	vmax.f32 v13, $0.0e+00  }
0x11f: {  	p0 =	slt.u32 s16, $0x7E;
	v13 =	vmin.f32 v13, $1.000000000e+00  }
.Ltmp6:
0x120: {  	v12 =	vmul.f32 v13, v12;
	(pc) =	sbr.rel @p0 .LBB2_9-.Ltmp6, $4  }
0x121: {  	_ = 	snop  }
0x122: {  	v11 =	vadd.f32 v12, v11  }
0x123: {  	s16 =	sadd.s32 $0x3, s16;
	s20 =	simm.s32 $0x41B0  }
0x124: {  	s18 =	sadd.s32 $0x30, s18;
	s19 =	simm.s32 $0xFFFFFFFC;
	[tilespmem:s17+$0x0] =	vst v11;
	s17 =	sadd.s32 $0x180, s17  }
.LBB2_10:
0x125: {  	v10 =	vld [tilespmem:s20+$0xFFFFFF00];
	_ =	sdelay $0x4  }
0x126: {  	v10 =	vshll.u32 v10, $0x4  }
0x127: {  	v11 =	vor.u32 v0, v10;
	_ =	sdelay $0x3  }
0x128: {  	v10 =	vimm.s32 $0x1  }
0x129: {  	[tilespmem:v11+s13+$0x0] =	vst.idx.add.s32.msk $0xffff, v10  }
0x12a: {  	v11 =	vld [tilespmem:s20+$0xFFFFFF80];
	_ =	sdelay $0x4  }
0x12b: {  	v11 =	vshll.u32 v11, $0x4  }
0x12c: {  	v11 =	vor.u32 v0, v11;
	_ =	sdelay $0x4  }
0x12d: {  	[tilespmem:v11+s13+$0x0] =	vst.idx.add.s32.msk $0xffff, v10  }
0x12e: {  	v11 =	vld [tilespmem:s20+$0x0];
	_ =	sdelay $0x4  }
0x12f: {  	v11 =	vshll.u32 v11, $0x4  }
0x130: {  	v11 =	vor.u32 v0, v11;
	_ =	sdelay $0x4  }
0x131: {  	[tilespmem:v11+s13+$0x0] =	vst.idx.add.s32.msk $0xffff, v10  }
0x132: {  	v11 =	vld [tilespmem:s20+$0x80];
	_ =	sdelay $0x4  }
0x133: {  	s19 =	sadd.s32 $0x4, s19;
	v11 =	vshll.u32 v11, $0x4  }
0x134: {  	p0 =	slt.u32 s19, $0x7C;
	v11 =	vor.u32 v0, v11  }
.Ltmp7:
0x135: {  	_ = 	snop;
	(pc) =	sbr.rel @p0 .LBB2_10-.Ltmp7, $3  }
0x136: {  	_ =	sdelay $0x1  }
0x137: {  	s16 =	simm.s32 $0x0  }
0x138: {  	s17 =	simm.s32 $0xC230;
	s18 =	simm.s32 $0x101A0;
	s20 =	sadd.s32 $0x200, s20;
	[tilespmem:v11+s13+$0x0] =	vst.idx.add.s32.msk $0xffff, v10  }
.LBB2_11:
0x139: {  	v11 =	vld [tilespmem:s18+$0xFFFFFFE0];
	_ =	sdelay $0x4  }
0x13a: {  	v10 =	vadd.s32 v10, v11  }
0x13b: {  	v11 =	vadd.s32 v8, v10  }
0x13c: {  	v12 =	vadd.s32 v9, v10;
	_ =	sdelay $0x2  }
0x13d: {  	[tilespmem:s18+$0xFFFFFFE0] =	vst v2  }
0x13e: {  	v13 =	vld.idx.msk [tilespmem:v11+s2+$0x0], $0xffff  }
0x13f: {  	v14 =	vld.idx.msk [tilespmem:v12+s2+$0x0], $0xffff;
	_ =	sdelay $0x4  }
0x140: {  	v14 =	vsub.f32 v14, v13;
	_ =	sdelay $0x1  }
0x141: {  	(erf) = vrcp.f32 v14;
	_ =	sdelay $0x3  }
0x142: {  	s19 =	scvt.s32.f32 s16;
	_ =	sdelay $0x1  }
0x143: {  	s19 =	smul.f32 $7.812499070e-03, s19;
	v11 =	vld.idx.msk [tilespmem:v11+s12+$0x0], $0xffff  }
0x144: {  	v12 =	vld.idx.msk [tilespmem:v12+s12+$0x0], $0xffff  }
0x145: {  	v13 =	vsub.f32 s19, v13  }
0x146: {  	v14 =	vpop (erf)  }
0x147: {  	v13 =	vmul.f32 v14, v13;
	_ =	sdelay $0x1  }
0x148: {  	v12 =	vsub.f32 v12, v11;
	v13 =	vmax.f32 v13, $0.0e+00  }
0x149: {  	v13 =	vmin.f32 v13, $1.000000000e+00  }
0x14a: {  	v12 =	vmul.f32 v13, v12;
	_ =	sdelay $0x1  }
0x14b: {  	v11 =	vadd.f32 v12, v11;
	_ =	sdelay $0x1  }
0x14c: {  	[tilespmem:s17+$0xFFFFFF00] =	vst v11  }
0x14d: {  	v11 =	vld [tilespmem:s18+$0xFFFFFFF0];
	_ =	sdelay $0x4  }
0x14e: {  	v10 =	vadd.s32 v10, v11  }
0x14f: {  	v11 =	vadd.s32 v8, v10  }
0x150: {  	v58 =	vadd.s32 v9, v10;
	_ =	sdelay $0x2  }
0x151: {  	[tilespmem:s18+$0xFFFFFFF0] =	vst v2  }
0x152: {  	v59 =	vld.idx.msk [tilespmem:v11+s2+$0x0], $0xffff  }
0x153: {  	v60 =	vld.idx.msk [tilespmem:v58+s2+$0x0], $0xffff;
	_ =	sdelay $0x4  }
0x154: {  	v14 =	vsub.f32 v60, v59;
	_ =	sdelay $0x1  }
0x155: {  	(erf) = vrcp.f32 v14;
	_ =	sdelay $0x2  }
0x156: {  	s30 =	sadd.s32 $0x1, s16  }
0x157: {  	s19 =	scvt.s32.f32 s30;
	_ =	sdelay $0x1  }
0x158: {  	s19 =	smul.f32 $7.812499070e-03, s19;
	v11 =	vld.idx.msk [tilespmem:v11+s12+$0x0], $0xffff  }
0x159: {  	v12 =	vld.idx.msk [tilespmem:v58+s12+$0x0], $0xffff  }
0x15a: {  	v13 =	vsub.f32 s19, v59  }
0x15b: {  	v14 =	vpop (erf)  }
0x15c: {  	v13 =	vmul.f32 v14, v13;
	_ =	sdelay $0x1  }
0x15d: {  	v12 =	vsub.f32 v12, v11;
	v13 =	vmax.f32 v13, $0.0e+00  }
0x15e: {  	v13 =	vmin.f32 v13, $1.000000000e+00  }
0x15f: {  	v12 =	vmul.f32 v13, v12;
	_ =	sdelay $0x1  }
0x160: {  	v11 =	vadd.f32 v12, v11;
	_ =	sdelay $0x1  }
0x161: {  	[tilespmem:s17+$0xFFFFFF80] =	vst v11  }
0x162: {  	v11 =	vld [tilespmem:s18+$0x0];
	_ =	sdelay $0x4  }
0x163: {  	v10 =	vadd.s32 v10, v11  }
0x164: {  	v11 =	vadd.s32 v8, v10  }
0x165: {  	v61 =	vadd.s32 v9, v10;
	_ =	sdelay $0x2  }
0x166: {  	[tilespmem:s18+$0x0] =	vst v2  }
0x167: {  	v62 =	vld.idx.msk [tilespmem:v11+s2+$0x0], $0xffff  }
0x168: {  	v63 =	vld.idx.msk [tilespmem:v61+s2+$0x0], $0xffff;
	_ =	sdelay $0x4  }
0x169: {  	v14 =	vsub.f32 v63, v62;
	_ =	sdelay $0x1  }
0x16a: {  	(erf) = vrcp.f32 v14;
	_ =	sdelay $0x2  }
0x16b: {  	s31 =	sadd.s32 $0x2, s16  }
0x16c: {  	s19 =	scvt.s32.f32 s31;
	_ =	sdelay $0x1  }
0x16d: {  	s19 =	smul.f32 $7.812499070e-03, s19;
	v11 =	vld.idx.msk [tilespmem:v11+s12+$0x0], $0xffff  }
0x16e: {  	v12 =	vld.idx.msk [tilespmem:v61+s12+$0x0], $0xffff  }
0x16f: {  	v13 =	vsub.f32 s19, v62  }
0x170: {  	v14 =	vpop (erf)  }
0x171: {  	v13 =	vmul.f32 v14, v13;
	_ =	sdelay $0x1  }
0x172: {  	v12 =	vsub.f32 v12, v11;
	v13 =	vmax.f32 v13, $0.0e+00  }
0x173: {  	p0 =	slt.u32 s16, $0x7E;
	v13 =	vmin.f32 v13, $1.000000000e+00  }
.Ltmp8:
0x174: {  	v12 =	vmul.f32 v13, v12;
	(pc) =	sbr.rel @p0 .LBB2_11-.Ltmp8, $4  }
0x175: {  	_ = 	snop  }
0x176: {  	v11 =	vadd.f32 v12, v11  }
0x177: {  	s16 =	sadd.s32 $0x3, s16;
	s20 =	simm.s32 $0x41C0  }
0x178: {  	s18 =	sadd.s32 $0x30, s18;
	s19 =	simm.s32 $0xFFFFFFFC;
	[tilespmem:s17+$0x0] =	vst v11;
	s17 =	sadd.s32 $0x180, s17  }
.LBB2_12:
0x179: {  	v10 =	vld [tilespmem:s20+$0xFFFFFF00];
	_ =	sdelay $0x4  }
0x17a: {  	v10 =	vshll.u32 v10, $0x4  }
0x17b: {  	v11 =	vor.u32 v0, v10;
	_ =	sdelay $0x3  }
0x17c: {  	v10 =	vimm.s32 $0x1  }
0x17d: {  	[tilespmem:v11+s13+$0x0] =	vst.idx.add.s32.msk $0xffff, v10  }
0x17e: {  	v11 =	vld [tilespmem:s20+$0xFFFFFF80];
	_ =	sdelay $0x4  }
0x17f: {  	v11 =	vshll.u32 v11, $0x4  }
0x180: {  	v11 =	vor.u32 v0, v11;
	_ =	sdelay $0x4  }
0x181: {  	[tilespmem:v11+s13+$0x0] =	vst.idx.add.s32.msk $0xffff, v10  }
0x182: {  	v11 =	vld [tilespmem:s20+$0x0];
	_ =	sdelay $0x4  }
0x183: {  	v11 =	vshll.u32 v11, $0x4  }
0x184: {  	v11 =	vor.u32 v0, v11;
	_ =	sdelay $0x4  }
0x185: {  	[tilespmem:v11+s13+$0x0] =	vst.idx.add.s32.msk $0xffff, v10  }
0x186: {  	v11 =	vld [tilespmem:s20+$0x80];
	_ =	sdelay $0x4  }
0x187: {  	s19 =	sadd.s32 $0x4, s19;
	v11 =	vshll.u32 v11, $0x4  }
0x188: {  	p0 =	slt.u32 s19, $0x7C;
	v11 =	vor.u32 v0, v11  }
.Ltmp9:
0x189: {  	_ = 	snop;
	(pc) =	sbr.rel @p0 .LBB2_12-.Ltmp9, $3  }
0x18a: {  	_ =	sdelay $0x1  }
0x18b: {  	s16 =	simm.s32 $0x0  }
0x18c: {  	s17 =	simm.s32 $0xC240;
	s18 =	simm.s32 $0x101A0;
	s20 =	sadd.s32 $0x200, s20;
	[tilespmem:v11+s13+$0x0] =	vst.idx.add.s32.msk $0xffff, v10  }
.LBB2_13:
0x18d: {  	v11 =	vld [tilespmem:s18+$0xFFFFFFE0];
	_ =	sdelay $0x4  }
0x18e: {  	v10 =	vadd.s32 v10, v11;
	v11 =	vadd.s32 $0x203F, v1  }
0x18f: {  	v13 =	vadd.s32 $0x2040, v1;
	v12 =	vadd.s32 v11, v10  }
0x190: {  	v14 =	vadd.s32 v13, v10;
	_ =	sdelay $0x2  }
0x191: {  	[tilespmem:s18+$0xFFFFFFE0] =	vst v2  }
0x192: {  	v15 =	vld.idx.msk [tilespmem:v12+s2+$0x0], $0xffff  }
0x193: {  	v16 =	vld.idx.msk [tilespmem:v14+s2+$0x0], $0xffff;
	_ =	sdelay $0x4  }
0x194: {  	v16 =	vsub.f32 v16, v15;
	_ =	sdelay $0x1  }
0x195: {  	(erf) = vrcp.f32 v16;
	_ =	sdelay $0x3  }
0x196: {  	s19 =	scvt.s32.f32 s16;
	_ =	sdelay $0x1  }
0x197: {  	s19 =	smul.f32 $7.812499070e-03, s19;
	v12 =	vld.idx.msk [tilespmem:v12+s12+$0x0], $0xffff  }
0x198: {  	v14 =	vld.idx.msk [tilespmem:v14+s12+$0x0], $0xffff  }
0x199: {  	v15 =	vsub.f32 s19, v15  }
0x19a: {  	v16 =	vpop (erf)  }
0x19b: {  	v15 =	vmul.f32 v16, v15;
	_ =	sdelay $0x1  }
0x19c: {  	v14 =	vsub.f32 v14, v12;
	v15 =	vmax.f32 v15, $0.0e+00  }
0x19d: {  	v15 =	vmin.f32 v15, $1.000000000e+00  }
0x19e: {  	v14 =	vmul.f32 v15, v14;
	_ =	sdelay $0x1  }
0x19f: {  	v12 =	vadd.f32 v14, v12;
	_ =	sdelay $0x1  }
0x1a0: {  	[tilespmem:s17+$0xFFFFFF00] =	vst v12  }
0x1a1: {  	v12 =	vld [tilespmem:s18+$0xFFFFFFF0];
	_ =	sdelay $0x4  }
0x1a2: {  	v10 =	vadd.s32 v10, v12  }
0x1a3: {  	v12 =	vadd.s32 v11, v10  }
0x1a4: {  	v59 =	vadd.s32 v13, v10;
	_ =	sdelay $0x2  }
0x1a5: {  	[tilespmem:s18+$0xFFFFFFF0] =	vst v2  }
0x1a6: {  	v60 =	vld.idx.msk [tilespmem:v12+s2+$0x0], $0xffff  }
0x1a7: {  	v61 =	vld.idx.msk [tilespmem:v59+s2+$0x0], $0xffff;
	_ =	sdelay $0x4  }
0x1a8: {  	v16 =	vsub.f32 v61, v60;
	_ =	sdelay $0x1  }
0x1a9: {  	(erf) = vrcp.f32 v16;
	_ =	sdelay $0x2  }
0x1aa: {  	s30 =	sadd.s32 $0x1, s16  }
0x1ab: {  	s19 =	scvt.s32.f32 s30;
	_ =	sdelay $0x1  }
0x1ac: {  	s19 =	smul.f32 $7.812499070e-03, s19;
	v12 =	vld.idx.msk [tilespmem:v12+s12+$0x0], $0xffff  }
0x1ad: {  	v14 =	vld.idx.msk [tilespmem:v59+s12+$0x0], $0xffff  }
0x1ae: {  	v15 =	vsub.f32 s19, v60  }
0x1af: {  	v16 =	vpop (erf)  }
0x1b0: {  	v15 =	vmul.f32 v16, v15;
	_ =	sdelay $0x1  }
0x1b1: {  	v14 =	vsub.f32 v14, v12;
	v15 =	vmax.f32 v15, $0.0e+00  }
0x1b2: {  	v15 =	vmin.f32 v15, $1.000000000e+00  }
0x1b3: {  	v14 =	vmul.f32 v15, v14;
	_ =	sdelay $0x1  }
0x1b4: {  	v12 =	vadd.f32 v14, v12;
	_ =	sdelay $0x1  }
0x1b5: {  	[tilespmem:s17+$0xFFFFFF80] =	vst v12  }
0x1b6: {  	v12 =	vld [tilespmem:s18+$0x0];
	_ =	sdelay $0x4  }
0x1b7: {  	v10 =	vadd.s32 v10, v12  }
0x1b8: {  	v11 =	vadd.s32 v11, v10  }
0x1b9: {  	v12 =	vadd.s32 v13, v10;
	_ =	sdelay $0x2  }
0x1ba: {  	[tilespmem:s18+$0x0] =	vst v2  }
0x1bb: {  	v62 =	vld.idx.msk [tilespmem:v11+s2+$0x0], $0xffff  }
0x1bc: {  	v63 =	vld.idx.msk [tilespmem:v12+s2+$0x0], $0xffff;
	_ =	sdelay $0x4  }
0x1bd: {  	v14 =	vsub.f32 v63, v62;
	_ =	sdelay $0x1  }
0x1be: {  	(erf) = vrcp.f32 v14;
	_ =	sdelay $0x2  }
0x1bf: {  	s31 =	sadd.s32 $0x2, s16  }
0x1c0: {  	s19 =	scvt.s32.f32 s31;
	_ =	sdelay $0x1  }
0x1c1: {  	s19 =	smul.f32 $7.812499070e-03, s19;
	v11 =	vld.idx.msk [tilespmem:v11+s12+$0x0], $0xffff  }
0x1c2: {  	v12 =	vld.idx.msk [tilespmem:v12+s12+$0x0], $0xffff  }
0x1c3: {  	v13 =	vsub.f32 s19, v62  }
0x1c4: {  	v14 =	vpop (erf)  }
0x1c5: {  	v13 =	vmul.f32 v14, v13;
	_ =	sdelay $0x1  }
0x1c6: {  	v12 =	vsub.f32 v12, v11;
	v13 =	vmax.f32 v13, $0.0e+00  }
0x1c7: {  	p0 =	slt.u32 s16, $0x7E;
	v13 =	vmin.f32 v13, $1.000000000e+00  }
.Ltmp10:
0x1c8: {  	v12 =	vmul.f32 v13, v12;
	(pc) =	sbr.rel @p0 .LBB2_13-.Ltmp10, $4  }
0x1c9: {  	_ = 	snop  }
0x1ca: {  	v11 =	vadd.f32 v12, v11  }
0x1cb: {  	s16 =	sadd.s32 $0x3, s16;
	s20 =	simm.s32 $0x41D0  }
0x1cc: {  	s18 =	sadd.s32 $0x30, s18;
	s19 =	simm.s32 $0xFFFFFFFC;
	[tilespmem:s17+$0x0] =	vst v11;
	s17 =	sadd.s32 $0x180, s17  }
.LBB2_14:
0x1cd: {  	v10 =	vld [tilespmem:s20+$0xFFFFFF00];
	_ =	sdelay $0x4  }
0x1ce: {  	v10 =	vshll.u32 v10, $0x4  }
0x1cf: {  	v11 =	vor.u32 v0, v10;
	_ =	sdelay $0x3  }
0x1d0: {  	v10 =	vimm.s32 $0x1  }
0x1d1: {  	[tilespmem:v11+s13+$0x0] =	vst.idx.add.s32.msk $0xffff, v10  }
0x1d2: {  	v11 =	vld [tilespmem:s20+$0xFFFFFF80];
	_ =	sdelay $0x4  }
0x1d3: {  	v11 =	vshll.u32 v11, $0x4  }
0x1d4: {  	v11 =	vor.u32 v0, v11;
	_ =	sdelay $0x4  }
0x1d5: {  	[tilespmem:v11+s13+$0x0] =	vst.idx.add.s32.msk $0xffff, v10  }
0x1d6: {  	v11 =	vld [tilespmem:s20+$0x0];
	_ =	sdelay $0x4  }
0x1d7: {  	v11 =	vshll.u32 v11, $0x4  }
0x1d8: {  	v11 =	vor.u32 v0, v11;
	_ =	sdelay $0x4  }
0x1d9: {  	[tilespmem:v11+s13+$0x0] =	vst.idx.add.s32.msk $0xffff, v10  }
0x1da: {  	v11 =	vld [tilespmem:s20+$0x80];
	_ =	sdelay $0x4  }
0x1db: {  	s19 =	sadd.s32 $0x4, s19;
	v11 =	vshll.u32 v11, $0x4  }
0x1dc: {  	p0 =	slt.u32 s19, $0x7C;
	v11 =	vor.u32 v0, v11  }
.Ltmp11:
0x1dd: {  	_ = 	snop;
	(pc) =	sbr.rel @p0 .LBB2_14-.Ltmp11, $3  }
0x1de: {  	_ =	sdelay $0x1  }
0x1df: {  	s16 =	simm.s32 $0x0  }
0x1e0: {  	s17 =	simm.s32 $0xC250;
	s18 =	simm.s32 $0x101A0;
	s20 =	sadd.s32 $0x200, s20;
	[tilespmem:v11+s13+$0x0] =	vst.idx.add.s32.msk $0xffff, v10  }
.LBB2_15:
0x1e1: {  	v11 =	vld [tilespmem:s18+$0xFFFFFFE0];
	_ =	sdelay $0x4  }
0x1e2: {  	v10 =	vadd.s32 v10, v11;
	v11 =	vadd.s32 $0x284F, v1  }
0x1e3: {  	v13 =	vadd.s32 $0x2850, v1;
	v12 =	vadd.s32 v11, v10  }
0x1e4: {  	v14 =	vadd.s32 v13, v10;
	_ =	sdelay $0x2  }
0x1e5: {  	[tilespmem:s18+$0xFFFFFFE0] =	vst v2  }
0x1e6: {  	v15 =	vld.idx.msk [tilespmem:v12+s2+$0x0], $0xffff  }
0x1e7: {  	v16 =	vld.idx.msk [tilespmem:v14+s2+$0x0], $0xffff;
	_ =	sdelay $0x4  }
0x1e8: {  	v16 =	vsub.f32 v16, v15;
	_ =	sdelay $0x1  }
0x1e9: {  	(erf) = vrcp.f32 v16;
	_ =	sdelay $0x3  }
0x1ea: {  	s19 =	scvt.s32.f32 s16;
	_ =	sdelay $0x1  }
0x1eb: {  	s19 =	smul.f32 $7.812499070e-03, s19;
	v12 =	vld.idx.msk [tilespmem:v12+s12+$0x0], $0xffff  }
0x1ec: {  	v14 =	vld.idx.msk [tilespmem:v14+s12+$0x0], $0xffff  }
0x1ed: {  	v15 =	vsub.f32 s19, v15  }
0x1ee: {  	v16 =	vpop (erf)  }
0x1ef: {  	v15 =	vmul.f32 v16, v15;
	_ =	sdelay $0x1  }
0x1f0: {  	v14 =	vsub.f32 v14, v12;
	v15 =	vmax.f32 v15, $0.0e+00  }
0x1f1: {  	v15 =	vmin.f32 v15, $1.000000000e+00  }
0x1f2: {  	v14 =	vmul.f32 v15, v14;
	_ =	sdelay $0x1  }
0x1f3: {  	v12 =	vadd.f32 v14, v12;
	_ =	sdelay $0x1  }
0x1f4: {  	[tilespmem:s17+$0xFFFFFF00] =	vst v12  }
0x1f5: {  	v12 =	vld [tilespmem:s18+$0xFFFFFFF0];
	_ =	sdelay $0x4  }
0x1f6: {  	v10 =	vadd.s32 v10, v12  }
0x1f7: {  	v12 =	vadd.s32 v11, v10  }
0x1f8: {  	v59 =	vadd.s32 v13, v10;
	_ =	sdelay $0x2  }
0x1f9: {  	[tilespmem:s18+$0xFFFFFFF0] =	vst v2  }
0x1fa: {  	v60 =	vld.idx.msk [tilespmem:v12+s2+$0x0], $0xffff  }
0x1fb: {  	v61 =	vld.idx.msk [tilespmem:v59+s2+$0x0], $0xffff;
	_ =	sdelay $0x4  }
0x1fc: {  	v16 =	vsub.f32 v61, v60;
	_ =	sdelay $0x1  }
0x1fd: {  	(erf) = vrcp.f32 v16;
	_ =	sdelay $0x2  }
0x1fe: {  	s30 =	sadd.s32 $0x1, s16  }
0x1ff: {  	s19 =	scvt.s32.f32 s30;
	_ =	sdelay $0x1  }
0x200: {  	s19 =	smul.f32 $7.812499070e-03, s19;
	v12 =	vld.idx.msk [tilespmem:v12+s12+$0x0], $0xffff  }
0x201: {  	v14 =	vld.idx.msk [tilespmem:v59+s12+$0x0], $0xffff  }
0x202: {  	v15 =	vsub.f32 s19, v60  }
0x203: {  	v16 =	vpop (erf)  }
0x204: {  	v15 =	vmul.f32 v16, v15;
	_ =	sdelay $0x1  }
0x205: {  	v14 =	vsub.f32 v14, v12;
	v15 =	vmax.f32 v15, $0.0e+00  }
0x206: {  	v15 =	vmin.f32 v15, $1.000000000e+00  }
0x207: {  	v14 =	vmul.f32 v15, v14;
	_ =	sdelay $0x1  }
0x208: {  	v12 =	vadd.f32 v14, v12;
	_ =	sdelay $0x1  }
0x209: {  	[tilespmem:s17+$0xFFFFFF80] =	vst v12  }
0x20a: {  	v12 =	vld [tilespmem:s18+$0x0];
	_ =	sdelay $0x4  }
0x20b: {  	v10 =	vadd.s32 v10, v12  }
0x20c: {  	v11 =	vadd.s32 v11, v10  }
0x20d: {  	v12 =	vadd.s32 v13, v10;
	_ =	sdelay $0x2  }
0x20e: {  	[tilespmem:s18+$0x0] =	vst v2  }
0x20f: {  	v62 =	vld.idx.msk [tilespmem:v11+s2+$0x0], $0xffff  }
0x210: {  	v63 =	vld.idx.msk [tilespmem:v12+s2+$0x0], $0xffff;
	_ =	sdelay $0x4  }
0x211: {  	v14 =	vsub.f32 v63, v62;
	_ =	sdelay $0x1  }
0x212: {  	(erf) = vrcp.f32 v14;
	_ =	sdelay $0x2  }
0x213: {  	s31 =	sadd.s32 $0x2, s16  }
0x214: {  	s19 =	scvt.s32.f32 s31;
	_ =	sdelay $0x1  }
0x215: {  	s19 =	smul.f32 $7.812499070e-03, s19;
	v11 =	vld.idx.msk [tilespmem:v11+s12+$0x0], $0xffff  }
0x216: {  	v12 =	vld.idx.msk [tilespmem:v12+s12+$0x0], $0xffff  }
0x217: {  	v13 =	vsub.f32 s19, v62  }
0x218: {  	v14 =	vpop (erf)  }
0x219: {  	v13 =	vmul.f32 v14, v13;
	_ =	sdelay $0x1  }
0x21a: {  	v12 =	vsub.f32 v12, v11;
	v13 =	vmax.f32 v13, $0.0e+00  }
0x21b: {  	p0 =	slt.u32 s16, $0x7E;
	v13 =	vmin.f32 v13, $1.000000000e+00  }
.Ltmp12:
0x21c: {  	v12 =	vmul.f32 v13, v12;
	(pc) =	sbr.rel @p0 .LBB2_15-.Ltmp12, $4  }
0x21d: {  	_ = 	snop  }
0x21e: {  	v11 =	vadd.f32 v12, v11  }
0x21f: {  	s16 =	sadd.s32 $0x3, s16;
	s20 =	simm.s32 $0x41E0  }
0x220: {  	s18 =	sadd.s32 $0x30, s18;
	s19 =	simm.s32 $0xFFFFFFFC;
	[tilespmem:s17+$0x0] =	vst v11;
	s17 =	sadd.s32 $0x180, s17  }
.LBB2_16:
0x221: {  	v10 =	vld [tilespmem:s20+$0xFFFFFF00];
	_ =	sdelay $0x4  }
0x222: {  	v10 =	vshll.u32 v10, $0x4  }
0x223: {  	v11 =	vor.u32 v0, v10;
	_ =	sdelay $0x3  }
0x224: {  	v10 =	vimm.s32 $0x1  }
0x225: {  	[tilespmem:v11+s13+$0x0] =	vst.idx.add.s32.msk $0xffff, v10  }
0x226: {  	v11 =	vld [tilespmem:s20+$0xFFFFFF80];
	_ =	sdelay $0x4  }
0x227: {  	v11 =	vshll.u32 v11, $0x4  }
0x228: {  	v11 =	vor.u32 v0, v11;
	_ =	sdelay $0x4  }
0x229: {  	[tilespmem:v11+s13+$0x0] =	vst.idx.add.s32.msk $0xffff, v10  }
0x22a: {  	v11 =	vld [tilespmem:s20+$0x0];
	_ =	sdelay $0x4  }
0x22b: {  	v11 =	vshll.u32 v11, $0x4  }
0x22c: {  	v11 =	vor.u32 v0, v11;
	_ =	sdelay $0x4  }
0x22d: {  	[tilespmem:v11+s13+$0x0] =	vst.idx.add.s32.msk $0xffff, v10  }
0x22e: {  	v11 =	vld [tilespmem:s20+$0x80];
	_ =	sdelay $0x4  }
0x22f: {  	s19 =	sadd.s32 $0x4, s19;
	v11 =	vshll.u32 v11, $0x4  }
0x230: {  	p0 =	slt.u32 s19, $0x7C;
	v11 =	vor.u32 v0, v11  }
.Ltmp13:
0x231: {  	_ = 	snop;
	(pc) =	sbr.rel @p0 .LBB2_16-.Ltmp13, $3  }
0x232: {  	_ =	sdelay $0x1  }
0x233: {  	s16 =	simm.s32 $0x0  }
0x234: {  	s17 =	simm.s32 $0xC260;
	s18 =	simm.s32 $0x101A0;
	s20 =	sadd.s32 $0x200, s20;
	[tilespmem:v11+s13+$0x0] =	vst.idx.add.s32.msk $0xffff, v10  }
.LBB2_17:
0x235: {  	v11 =	vld [tilespmem:s18+$0xFFFFFFE0];
	_ =	sdelay $0x4  }
0x236: {  	v10 =	vadd.s32 v10, v11;
	v11 =	vadd.s32 $0x305F, v1  }
0x237: {  	v13 =	vadd.s32 $0x3060, v1;
	v12 =	vadd.s32 v11, v10  }
0x238: {  	v14 =	vadd.s32 v13, v10;
	_ =	sdelay $0x2  }
0x239: {  	[tilespmem:s18+$0xFFFFFFE0] =	vst v2  }
0x23a: {  	v15 =	vld.idx.msk [tilespmem:v12+s2+$0x0], $0xffff  }
0x23b: {  	v16 =	vld.idx.msk [tilespmem:v14+s2+$0x0], $0xffff;
	_ =	sdelay $0x4  }
0x23c: {  	v16 =	vsub.f32 v16, v15;
	_ =	sdelay $0x1  }
0x23d: {  	(erf) = vrcp.f32 v16;
	_ =	sdelay $0x3  }
0x23e: {  	s19 =	scvt.s32.f32 s16;
	_ =	sdelay $0x1  }
0x23f: {  	s19 =	smul.f32 $7.812499070e-03, s19;
	v12 =	vld.idx.msk [tilespmem:v12+s12+$0x0], $0xffff  }
0x240: {  	v14 =	vld.idx.msk [tilespmem:v14+s12+$0x0], $0xffff  }
0x241: {  	v15 =	vsub.f32 s19, v15  }
0x242: {  	v16 =	vpop (erf)  }
0x243: {  	v15 =	vmul.f32 v16, v15;
	_ =	sdelay $0x1  }
0x244: {  	v14 =	vsub.f32 v14, v12;
	v15 =	vmax.f32 v15, $0.0e+00  }
0x245: {  	v15 =	vmin.f32 v15, $1.000000000e+00  }
0x246: {  	v14 =	vmul.f32 v15, v14;
	_ =	sdelay $0x1  }
0x247: {  	v12 =	vadd.f32 v14, v12;
	_ =	sdelay $0x1  }
0x248: {  	[tilespmem:s17+$0xFFFFFF00] =	vst v12  }
0x249: {  	v12 =	vld [tilespmem:s18+$0xFFFFFFF0];
	_ =	sdelay $0x4  }
0x24a: {  	v10 =	vadd.s32 v10, v12  }
0x24b: {  	v12 =	vadd.s32 v11, v10  }
0x24c: {  	v59 =	vadd.s32 v13, v10;
	_ =	sdelay $0x2  }
0x24d: {  	[tilespmem:s18+$0xFFFFFFF0] =	vst v2  }
0x24e: {  	v60 =	vld.idx.msk [tilespmem:v12+s2+$0x0], $0xffff  }
0x24f: {  	v61 =	vld.idx.msk [tilespmem:v59+s2+$0x0], $0xffff;
	_ =	sdelay $0x4  }
0x250: {  	v16 =	vsub.f32 v61, v60;
	_ =	sdelay $0x1  }
0x251: {  	(erf) = vrcp.f32 v16;
	_ =	sdelay $0x2  }
0x252: {  	s30 =	sadd.s32 $0x1, s16  }
0x253: {  	s19 =	scvt.s32.f32 s30;
	_ =	sdelay $0x1  }
0x254: {  	s19 =	smul.f32 $7.812499070e-03, s19;
	v12 =	vld.idx.msk [tilespmem:v12+s12+$0x0], $0xffff  }
0x255: {  	v14 =	vld.idx.msk [tilespmem:v59+s12+$0x0], $0xffff  }
0x256: {  	v15 =	vsub.f32 s19, v60  }
0x257: {  	v16 =	vpop (erf)  }
0x258: {  	v15 =	vmul.f32 v16, v15;
	_ =	sdelay $0x1  }
0x259: {  	v14 =	vsub.f32 v14, v12;
	v15 =	vmax.f32 v15, $0.0e+00  }
0x25a: {  	v15 =	vmin.f32 v15, $1.000000000e+00  }
0x25b: {  	v14 =	vmul.f32 v15, v14;
	_ =	sdelay $0x1  }
0x25c: {  	v12 =	vadd.f32 v14, v12;
	_ =	sdelay $0x1  }
0x25d: {  	[tilespmem:s17+$0xFFFFFF80] =	vst v12  }
0x25e: {  	v12 =	vld [tilespmem:s18+$0x0];
	_ =	sdelay $0x4  }
0x25f: {  	v10 =	vadd.s32 v10, v12  }
0x260: {  	v11 =	vadd.s32 v11, v10  }
0x261: {  	v12 =	vadd.s32 v13, v10;
	_ =	sdelay $0x2  }
0x262: {  	[tilespmem:s18+$0x0] =	vst v2  }
0x263: {  	v62 =	vld.idx.msk [tilespmem:v11+s2+$0x0], $0xffff  }
0x264: {  	v63 =	vld.idx.msk [tilespmem:v12+s2+$0x0], $0xffff;
	_ =	sdelay $0x4  }
0x265: {  	v14 =	vsub.f32 v63, v62;
	_ =	sdelay $0x1  }
0x266: {  	(erf) = vrcp.f32 v14;
	_ =	sdelay $0x2  }
0x267: {  	s31 =	sadd.s32 $0x2, s16  }
0x268: {  	s19 =	scvt.s32.f32 s31;
	_ =	sdelay $0x1  }
0x269: {  	s19 =	smul.f32 $7.812499070e-03, s19;
	v11 =	vld.idx.msk [tilespmem:v11+s12+$0x0], $0xffff  }
0x26a: {  	v12 =	vld.idx.msk [tilespmem:v12+s12+$0x0], $0xffff  }
0x26b: {  	v13 =	vsub.f32 s19, v62  }
0x26c: {  	v14 =	vpop (erf)  }
0x26d: {  	v13 =	vmul.f32 v14, v13;
	_ =	sdelay $0x1  }
0x26e: {  	v12 =	vsub.f32 v12, v11;
	v13 =	vmax.f32 v13, $0.0e+00  }
0x26f: {  	p0 =	slt.u32 s16, $0x7E;
	v13 =	vmin.f32 v13, $1.000000000e+00  }
.Ltmp14:
0x270: {  	v12 =	vmul.f32 v13, v12;
	(pc) =	sbr.rel @p0 .LBB2_17-.Ltmp14, $4  }
0x271: {  	_ = 	snop  }
0x272: {  	v11 =	vadd.f32 v12, v11  }
0x273: {  	s16 =	sadd.s32 $0x3, s16;
	s20 =	simm.s32 $0x41F0  }
0x274: {  	s18 =	sadd.s32 $0x30, s18;
	s19 =	simm.s32 $0xFFFFFFFC;
	[tilespmem:s17+$0x0] =	vst v11;
	s17 =	sadd.s32 $0x180, s17  }
.LBB2_18:
0x275: {  	v10 =	vld [tilespmem:s20+$0xFFFFFF00];
	_ =	sdelay $0x4  }
0x276: {  	v10 =	vshll.u32 v10, $0x4  }
0x277: {  	v11 =	vor.u32 v0, v10;
	_ =	sdelay $0x3  }
0x278: {  	v10 =	vimm.s32 $0x1  }
0x279: {  	[tilespmem:v11+s13+$0x0] =	vst.idx.add.s32.msk $0xffff, v10  }
0x27a: {  	v11 =	vld [tilespmem:s20+$0xFFFFFF80];
	_ =	sdelay $0x4  }
0x27b: {  	v11 =	vshll.u32 v11, $0x4  }
0x27c: {  	v11 =	vor.u32 v0, v11;
	_ =	sdelay $0x4  }
0x27d: {  	[tilespmem:v11+s13+$0x0] =	vst.idx.add.s32.msk $0xffff, v10  }
0x27e: {  	v11 =	vld [tilespmem:s20+$0x0];
	_ =	sdelay $0x4  }
0x27f: {  	v11 =	vshll.u32 v11, $0x4  }
0x280: {  	v11 =	vor.u32 v0, v11;
	_ =	sdelay $0x4  }
0x281: {  	[tilespmem:v11+s13+$0x0] =	vst.idx.add.s32.msk $0xffff, v10  }
0x282: {  	v11 =	vld [tilespmem:s20+$0x80];
	_ =	sdelay $0x4  }
0x283: {  	s19 =	sadd.s32 $0x4, s19;
	v11 =	vshll.u32 v11, $0x4  }
0x284: {  	p0 =	slt.u32 s19, $0x7C;
	v11 =	vor.u32 v0, v11  }
.Ltmp15:
0x285: {  	_ = 	snop;
	(pc) =	sbr.rel @p0 .LBB2_18-.Ltmp15, $3  }
0x286: {  	_ =	sdelay $0x1  }
0x287: {  	s16 =	simm.s32 $0x0  }
0x288: {  	s17 =	simm.s32 $0xC270;
	s18 =	simm.s32 $0x101A0;
	s20 =	sadd.s32 $0x200, s20;
	[tilespmem:v11+s13+$0x0] =	vst.idx.add.s32.msk $0xffff, v10  }
.LBB2_19:
0x289: {  	v11 =	vld [tilespmem:s18+$0xFFFFFFE0];
	_ =	sdelay $0x4  }
0x28a: {  	v10 =	vadd.s32 v10, v11;
	v11 =	vadd.s32 $0x386F, v1  }
0x28b: {  	v13 =	vadd.s32 $0x3870, v1;
	v12 =	vadd.s32 v11, v10  }
0x28c: {  	v14 =	vadd.s32 v13, v10;
	_ =	sdelay $0x2  }
0x28d: {  	[tilespmem:s18+$0xFFFFFFE0] =	vst v2  }
0x28e: {  	v15 =	vld.idx.msk [tilespmem:v12+s2+$0x0], $0xffff  }
0x28f: {  	v16 =	vld.idx.msk [tilespmem:v14+s2+$0x0], $0xffff;
	_ =	sdelay $0x4  }
0x290: {  	v16 =	vsub.f32 v16, v15;
	_ =	sdelay $0x1  }
0x291: {  	(erf) = vrcp.f32 v16;
	_ =	sdelay $0x3  }
0x292: {  	s19 =	scvt.s32.f32 s16;
	_ =	sdelay $0x1  }
0x293: {  	s19 =	smul.f32 $7.812499070e-03, s19;
	v12 =	vld.idx.msk [tilespmem:v12+s12+$0x0], $0xffff  }
0x294: {  	v14 =	vld.idx.msk [tilespmem:v14+s12+$0x0], $0xffff  }
0x295: {  	v15 =	vsub.f32 s19, v15  }
0x296: {  	v16 =	vpop (erf)  }
0x297: {  	v15 =	vmul.f32 v16, v15;
	_ =	sdelay $0x1  }
0x298: {  	v14 =	vsub.f32 v14, v12;
	v15 =	vmax.f32 v15, $0.0e+00  }
0x299: {  	v15 =	vmin.f32 v15, $1.000000000e+00  }
0x29a: {  	v14 =	vmul.f32 v15, v14;
	_ =	sdelay $0x1  }
0x29b: {  	v12 =	vadd.f32 v14, v12;
	_ =	sdelay $0x1  }
0x29c: {  	[tilespmem:s17+$0xFFFFFF00] =	vst v12  }
0x29d: {  	v12 =	vld [tilespmem:s18+$0xFFFFFFF0];
	_ =	sdelay $0x4  }
0x29e: {  	v10 =	vadd.s32 v10, v12  }
0x29f: {  	v12 =	vadd.s32 v11, v10  }
0x2a0: {  	v59 =	vadd.s32 v13, v10;
	_ =	sdelay $0x2  }
0x2a1: {  	[tilespmem:s18+$0xFFFFFFF0] =	vst v2  }
0x2a2: {  	v60 =	vld.idx.msk [tilespmem:v12+s2+$0x0], $0xffff  }
0x2a3: {  	v61 =	vld.idx.msk [tilespmem:v59+s2+$0x0], $0xffff;
	_ =	sdelay $0x4  }
0x2a4: {  	v16 =	vsub.f32 v61, v60;
	_ =	sdelay $0x1  }
0x2a5: {  	(erf) = vrcp.f32 v16;
	_ =	sdelay $0x2  }
0x2a6: {  	s30 =	sadd.s32 $0x1, s16  }
0x2a7: {  	s19 =	scvt.s32.f32 s30;
	_ =	sdelay $0x1  }
0x2a8: {  	s19 =	smul.f32 $7.812499070e-03, s19;
	v12 =	vld.idx.msk [tilespmem:v12+s12+$0x0], $0xffff  }
0x2a9: {  	v14 =	vld.idx.msk [tilespmem:v59+s12+$0x0], $0xffff  }
0x2aa: {  	v15 =	vsub.f32 s19, v60  }
0x2ab: {  	v16 =	vpop (erf)  }
0x2ac: {  	v15 =	vmul.f32 v16, v15;
	_ =	sdelay $0x1  }
0x2ad: {  	v14 =	vsub.f32 v14, v12;
	v15 =	vmax.f32 v15, $0.0e+00  }
0x2ae: {  	v15 =	vmin.f32 v15, $1.000000000e+00  }
0x2af: {  	v14 =	vmul.f32 v15, v14;
	_ =	sdelay $0x1  }
0x2b0: {  	v12 =	vadd.f32 v14, v12;
	_ =	sdelay $0x1  }
0x2b1: {  	[tilespmem:s17+$0xFFFFFF80] =	vst v12  }
0x2b2: {  	v12 =	vld [tilespmem:s18+$0x0];
	_ =	sdelay $0x4  }
0x2b3: {  	v10 =	vadd.s32 v10, v12  }
0x2b4: {  	v11 =	vadd.s32 v11, v10  }
0x2b5: {  	v12 =	vadd.s32 v13, v10;
	_ =	sdelay $0x2  }
0x2b6: {  	[tilespmem:s18+$0x0] =	vst v2  }
0x2b7: {  	v62 =	vld.idx.msk [tilespmem:v11+s2+$0x0], $0xffff  }
0x2b8: {  	v63 =	vld.idx.msk [tilespmem:v12+s2+$0x0], $0xffff;
	_ =	sdelay $0x4  }
0x2b9: {  	v14 =	vsub.f32 v63, v62;
	_ =	sdelay $0x1  }
0x2ba: {  	(erf) = vrcp.f32 v14;
	_ =	sdelay $0x2  }
0x2bb: {  	s31 =	sadd.s32 $0x2, s16  }
0x2bc: {  	s19 =	scvt.s32.f32 s31;
	_ =	sdelay $0x1  }
0x2bd: {  	s19 =	smul.f32 $7.812499070e-03, s19;
	v11 =	vld.idx.msk [tilespmem:v11+s12+$0x0], $0xffff  }
0x2be: {  	v12 =	vld.idx.msk [tilespmem:v12+s12+$0x0], $0xffff  }
0x2bf: {  	v13 =	vsub.f32 s19, v62  }
0x2c0: {  	v14 =	vpop (erf)  }
0x2c1: {  	v13 =	vmul.f32 v14, v13;
	_ =	sdelay $0x1  }
0x2c2: {  	v12 =	vsub.f32 v12, v11;
	v13 =	vmax.f32 v13, $0.0e+00  }
0x2c3: {  	p0 =	slt.u32 s16, $0x7E;
	v13 =	vmin.f32 v13, $1.000000000e+00  }
.Ltmp16:
0x2c4: {  	v12 =	vmul.f32 v13, v12;
	(pc) =	sbr.rel @p0 .LBB2_19-.Ltmp16, $3  }
0x2c5: {  	_ = 	snop  }
0x2c6: {  	v11 =	vadd.f32 v12, v11;
	_ =	sdelay $0x1  }
0x2c7: {  	s16 =	sadd.s32 $0x3, s16;
	s18 =	sadd.s32 $0x30, s18;
	[tilespmem:s17+$0x0] =	vst v11;
	s17 =	sadd.s32 $0x180, s17  }
0x2c8: {  	s15 =	sadd.s32 $0x1, s15  }
0x2c9: {  	p0 =	sne.s32 s15, s7  }
.Ltmp17:
0x2ca: {  	_ = 	snop;
	(pc) =	sbr.rel @p0 .LBB2_1-.Ltmp17, $4  }
0x2cb: {  	[hbm4b:s6+s8] =	stream.strided.scatter [tilespmem:s14], [sflag:$0x1], $0x4080, s9, s8, $0x38;
	[tilespmem:$0x10A00] =	vst v63  }
0x2cc: {  	_ =	swait.ge [sflag:s10], $0x4080  }
0x2cd: {  	[sflag:s10] =	ssyncset.done $0x0  }
0x2ce: {  	[sflag:s10] =	ssyncadd.s32 $0xFFFFBF80  }
0x2cf: {  	_ =	sfence.sel $0x180000  }
0x2d0: {  	[bflag:$0x0] =	sbarrier.arrive $0xFFFF  }
0x2d1: {  	p0 =	sne.s32 s1, $0x0;
	_ =	strace $0x90000047  }
0x2d2: {  	s0 =	sadd.s32 @!p0 $0x100000, s0;
	[bflag:$0x2] =	sbarrier.arrive $0xFFFF  }
0x2d3: {  	[sflag:s0] =	ssyncadd.tile.s32 @!p0 $0x1;
	_ =	shalt  }
.Lfunc_end2:
_tile_overlayer_lowered:
.L_overlay_start_2:
0x2d4: {  	(tag) =	ssettag $0x2  }
0x2d5: {  	s0 =	rddreg [dreg:$0x0];
	s2 =	stileid.u32  }
0x2d6: {  	s1 =	rddreg [dreg:$0x1];
	p0 =	sne.s32 s2, $0x0  }
0x2d7: {  	s3 =	rddreg [dreg:$0x2];
	[bflag:$0x3] =	sbarrier.arrive $0xFFFF;
	s2 =	simm.s32 @!p0 $0x1C01  }
0x2d8: {  	[timem:s3], [sflag:s2] =	dma.local @!p0 [hbm:s0], s1  }
0x2d9: {  	s0 =	simm.s32 @!p0 $0x1  }
0x2da: {  	_ =	swait.ge @!p0 [sflag:s0], s1  }
0x2db: {  	s1 =	ssub.s32 @!p0 $0x0, s1;
	[sflag:s0] =	ssyncset.done @!p0 $0x0  }
0x2dc: {  	[sflag:s0] =	ssyncadd.s32 @!p0 s1  }
0x2dd: {  	[bflag:$0x3] =	sbarrier.arrive $0xFFFF  }
0x2de: {  	_ =	shalt  }

</sc_bundles>
